<compile_context>
chip_gen: v7x
topology: tpu7x:2x2x1
jax: 0.10.2.dev20260603
libtpu: 0.0.44.dev20260713+nightly
codegen_flags: <defaults>
</compile_context>

<pallas_src>
import functools

import jax
import jax.numpy as jnp
from jax import lax
from jax.experimental import pallas as pl
from jax.experimental.pallas import tpu as pltpu
from jax.experimental.pallas import tpu_sc as plsc

E = 320000
D = 128
N_WORKERS = 32
E_PER_W = E // N_WORKERS
CHUNK = 200
N_CHUNKS = E_PER_W // CHUNK
N_PAIRS = N_CHUNKS // 2
SC_PAD = 208
N_GROUPS = SC_PAD // 16
STAGE_W = 17


def _build_sc_kernel():
    mesh = plsc.VectorSubcoreMesh(core_axis_name="c", subcore_axis_name="s")

    @functools.partial(
        pl.kernel,
        out_type=jax.ShapeDtypeStruct((E,), jnp.float32),
        mesh=mesh,
        compiler_params=pltpu.CompilerParams(
            needs_layout_passes=False, use_tc_tiling_on_sc=False),
        scratch_types=[
            pltpu.VMEM((E_PER_W,), jnp.int32),
            pltpu.VMEM((E_PER_W,), jnp.int32),
            pltpu.VMEM((CHUNK, D // 2), jnp.int32),
            pltpu.VMEM((CHUNK, D // 2), jnp.int32),
            pltpu.VMEM((CHUNK, D // 2), jnp.int32),
            pltpu.VMEM((CHUNK, D // 2), jnp.int32),
            pltpu.VMEM((CHUNK,), jnp.float32),
            pltpu.VMEM((CHUNK,), jnp.float32),
            pltpu.VMEM((16, STAGE_W), jnp.float32),
            pltpu.SemaphoreType.DMA,
            pltpu.SemaphoreType.DMA,
            pltpu.SemaphoreType.DMA,
            pltpu.SemaphoreType.DMA,
        ],
    )
    def sc_kernel(h_hbm, src_hbm, dst_hbm, out_hbm,
                  idx_s, idx_d, rs0, rd0, rs1, rd1, sc0, sc1, stage,
                  gsem0, gsem1, osem0, osem1):
        wid = lax.axis_index("s") * 2 + lax.axis_index("c")
        base0 = wid * E_PER_W
        pltpu.sync_copy(src_hbm.at[pl.ds(base0, E_PER_W)], idx_s)
        pltpu.sync_copy(dst_hbm.at[pl.ds(base0, E_PER_W)], idx_d)

        def fire_gather(ci, rs, rd, gsem):
            off = ci * CHUNK
            pltpu.async_copy(h_hbm.at[idx_s.at[pl.ds(off, CHUNK)]], rs, gsem)
            pltpu.async_copy(h_hbm.at[idx_d.at[pl.ds(off, CHUNK)]], rd, gsem)

        def wait_gather(ci, rs, rd, gsem):
            off = ci * CHUNK
            pltpu.make_async_copy(
                h_hbm.at[idx_s.at[pl.ds(off, CHUNK)]], rs, gsem).wait()
            pltpu.make_async_copy(
                h_hbm.at[idx_d.at[pl.ds(off, CHUNK)]], rd, gsem).wait()

        zeros16 = jnp.zeros((16,), jnp.float32)
        lane = lax.iota(jnp.int32, 16)

        def compute(ci, rs, rd, scb, osem, first):
            @pl.when(jnp.logical_not(first))
            def _():
                pltpu.make_async_copy(
                    scb.at[pl.ds(0, CHUNK)],
                    out_hbm.at[pl.ds(base0 + (ci - 2) * CHUNK, CHUNK)],
                    osem).wait()

            def one_group(gbase, stg):
                for el in range(16):
                    e = gbase + el
                    acc0 = acc1 = zeros16
                    for k in range(D // 32):
                        vs = plsc.bitcast(rs[e, pl.ds(16 * k, 16)],
                                          jnp.bfloat16)
                        vd = plsc.bitcast(rd[e, pl.ds(16 * k, 16)],
                                          jnp.bfloat16)
                        p0, p1 = plsc.unpack(
                            vs * vd, format=plsc.PackFormat.INTERLEAVED)
                        acc0 = acc0 + p0
                        acc1 = acc1 + p1
                    stg[el, pl.ds(0, 16)] = acc0 + acc1
                sums = [zeros16, zeros16, zeros16, zeros16]
                for k in range(16):
                    col = jnp.full((16,), k, jnp.int32)
                    sums[k % 4] = sums[k % 4] + plsc.load_gather(
                        stg, [lane, col])
                scb[pl.ds(gbase, 16)] = ((sums[0] + sums[1])
                                         + (sums[2] + sums[3]))

            def group_body(g, carry):
                gbase = jnp.minimum(g * 16, CHUNK - 16)
                one_group(gbase, stage)
                return carry

            lax.fori_loop(0, CHUNK // 16 + 1, group_body, 0)

            pltpu.async_copy(
                scb.at[pl.ds(0, CHUNK)],
                out_hbm.at[pl.ds(base0 + ci * CHUNK, CHUNK)],
                osem)

        fire_gather(0, rs0, rd0, gsem0)

        def pair_body(g, carry):
            c0 = 2 * g
            fire_gather(c0 + 1, rs1, rd1, gsem1)
            wait_gather(c0, rs0, rd0, gsem0)
            compute(c0, rs0, rd0, sc0, osem0, g == 0)

            @pl.when(g < N_PAIRS - 1)
            def _():
                fire_gather(c0 + 2, rs0, rd0, gsem0)
            wait_gather(c0 + 1, rs1, rd1, gsem1)
            compute(c0 + 1, rs1, rd1, sc1, osem1, g == 0)
            return carry

        lax.fori_loop(0, N_PAIRS, pair_body, 0)

        pltpu.make_async_copy(
            sc0.at[pl.ds(0, CHUNK)],
            out_hbm.at[pl.ds(base0 + (N_CHUNKS - 2) * CHUNK, CHUNK)],
            osem0).wait()
        pltpu.make_async_copy(
            sc1.at[pl.ds(0, CHUNK)],
            out_hbm.at[pl.ds(base0 + (N_CHUNKS - 1) * CHUNK, CHUNK)],
            osem1).wait()

    return sc_kernel


_sc_kernel = _build_sc_kernel()


@jax.jit
def kernel(h, edge_index):
    src = edge_index[0].astype(jnp.int32)
    dst = edge_index[1].astype(jnp.int32)
    h_packed = lax.bitcast_convert_type(
        h.astype(jnp.bfloat16).reshape(h.shape[0], D // 2, 2), jnp.int32)
    return _sc_kernel(h_packed, src, dst)

# --- scband reference (transcript-rebuilt; emitter-appended) ---
"""Pipeline reference for scband-dot-predictor-71468255805601 (READ-ONLY COPY).

The authoritative reference and input builder live on the scoring server;
editing this copy changes nothing except your own understanding.
"""

import jax, jax.numpy as jnp
import numpy as np


def setup_inputs(seed: int = 0) -> dict:
    key = jax.random.key(seed)
    k1, k2 = jax.random.split(key)
    h = jax.random.normal(k1, (10000, 128), dtype=jnp.float32)
    edge_index = jax.random.randint(k2, (2, 320000), 0, 10000, dtype=jnp.int64)
    return {"h": h, "edge_index": edge_index}


def reference(h, edge_index):
    # DotPredictor: for each edge (u, v), score = dot(h[u], h[v])
    # dgl u_dot_v('h', 'h', 'score') then take column 0 -> 1-D scores per edge
    src = edge_index[0]
    dst = edge_index[1]
    h_u = jnp.take(h, src, axis=0)   # [E, d] gather
    h_v = jnp.take(h, dst, axis=0)   # [E, d] gather
    score = jnp.sum(h_u * h_v, axis=-1)  # [E]
    return score

if __name__ == "__main__":
    import jax
    _d = setup_inputs()
    print(jax.jit(kernel)(*tuple(_d.values())))

</pallas_src>

<mosaic_0001>
#map = affine_map<(d0, d1) -> (0, 0)>
#map1 = affine_map<(d0, d1) -> (0)>
module attributes {stable_mosaic.version = 14 : i64} {
  func.func @sc_kernel(%arg0: i32, %arg1: i32, %arg2: memref<10000x64xi32, #tpu.memory_space<hbm>>, %arg3: memref<320000xi32, #tpu.memory_space<hbm>>, %arg4: memref<320000xi32, #tpu.memory_space<hbm>>, %arg5: memref<320000xf32, #tpu.memory_space<hbm>>, %arg6: memref<10000xi32, #tpu.memory_space<vmem>>, %arg7: memref<10000xi32, #tpu.memory_space<vmem>>, %arg8: memref<200x64xi32, #tpu.memory_space<vmem>>, %arg9: memref<200x64xi32, #tpu.memory_space<vmem>>, %arg10: memref<200x64xi32, #tpu.memory_space<vmem>>, %arg11: memref<200x64xi32, #tpu.memory_space<vmem>>, %arg12: memref<200xf32, #tpu.memory_space<vmem>>, %arg13: memref<200xf32, #tpu.memory_space<vmem>>, %arg14: memref<16x17xf32, #tpu.memory_space<vmem>>, %arg15: memref<!tpu.dma_semaphore, #tpu.memory_space<semaphore_mem>>, %arg16: memref<!tpu.dma_semaphore, #tpu.memory_space<semaphore_mem>>, %arg17: memref<!tpu.dma_semaphore, #tpu.memory_space<semaphore_mem>>, %arg18: memref<!tpu.dma_semaphore, #tpu.memory_space<semaphore_mem>>) attributes {dimension_semantics = [#tpu.dimension_semantics<core_parallel>, #tpu.dimension_semantics<subcore_parallel>], iteration_bounds = array<i64: 2, 16>, scalar_prefetch = 0 : i64, scratch_operands = 13 : i64, tpu.core_type = #tpu.core_type<sc_vector_subcore>, window_params = [{transform_indices = #map}, {transform_indices = #map1}, {transform_indices = #map1}, {transform_indices = #map1}]} {
    %mul3A = arith.constant 2 : i32
    %mul3A_0 = arith.muli %arg1, %mul3A : i32
    %add3A = arith.addi %mul3A_0, %arg0 : i32
    %mul3A_1 = arith.constant 10000 : i32
    %mul3A_2 = arith.muli %add3A, %mul3A_1 : i32
    "tpu.region"() ({
      %run_scoped3A = tpu.sem_alloc : memref<!tpu.dma_semaphore, #tpu.memory_space<semaphore_mem>>
      %dma_start3A_33 = tpu.memref_slice %arg3[%mul3A_2] : memref<320000xi32, #tpu.memory_space<hbm>> -> memref<10000xi32, #tpu.memory_space<hbm>>
      %dma_start3A_34 = tpu.memref_slice %arg3[%mul3A_2] : memref<320000xi32, #tpu.memory_space<hbm>> -> memref<10000xi32, #tpu.memory_space<hbm>>
      tpu.enqueue_dma source(%dma_start3A_34 : memref<10000xi32, #tpu.memory_space<hbm>>) target(%arg6 : memref<10000xi32, #tpu.memory_space<vmem>>) target_semaphore(%run_scoped3A : memref<!tpu.dma_semaphore, #tpu.memory_space<semaphore_mem>>)
      %dma_wait3A_35 = tpu.memref_slice %arg3[%mul3A_2] : memref<320000xi32, #tpu.memory_space<hbm>> -> memref<10000xi32, #tpu.memory_space<hbm>>
      %dma_wait3A_36 = tpu.memref_slice %arg3[%mul3A_2] : memref<320000xi32, #tpu.memory_space<hbm>> -> memref<10000xi32, #tpu.memory_space<hbm>>
      tpu.wait_dma2 semaphore(%run_scoped3A : memref<!tpu.dma_semaphore, #tpu.memory_space<semaphore_mem>>) src(%dma_wait3A_36 : memref<10000xi32, #tpu.memory_space<hbm>>) dst(%arg6 : memref<10000xi32, #tpu.memory_space<vmem>>)
      tpu.yield
    }) : () -> ()
    "tpu.region"() ({
      %run_scoped3A = tpu.sem_alloc : memref<!tpu.dma_semaphore, #tpu.memory_space<semaphore_mem>>
      %dma_start3A_33 = tpu.memref_slice %arg4[%mul3A_2] : memref<320000xi32, #tpu.memory_space<hbm>> -> memref<10000xi32, #tpu.memory_space<hbm>>
      %dma_start3A_34 = tpu.memref_slice %arg4[%mul3A_2] : memref<320000xi32, #tpu.memory_space<hbm>> -> memref<10000xi32, #tpu.memory_space<hbm>>
      tpu.enqueue_dma source(%dma_start3A_34 : memref<10000xi32, #tpu.memory_space<hbm>>) target(%arg7 : memref<10000xi32, #tpu.memory_space<vmem>>) target_semaphore(%run_scoped3A : memref<!tpu.dma_semaphore, #tpu.memory_space<semaphore_mem>>)
      %dma_wait3A_35 = tpu.memref_slice %arg4[%mul3A_2] : memref<320000xi32, #tpu.memory_space<hbm>> -> memref<10000xi32, #tpu.memory_space<hbm>>
      %dma_wait3A_36 = tpu.memref_slice %arg4[%mul3A_2] : memref<320000xi32, #tpu.memory_space<hbm>> -> memref<10000xi32, #tpu.memory_space<hbm>>
      tpu.wait_dma2 semaphore(%run_scoped3A : memref<!tpu.dma_semaphore, #tpu.memory_space<semaphore_mem>>) src(%dma_wait3A_36 : memref<10000xi32, #tpu.memory_space<hbm>>) dst(%arg7 : memref<10000xi32, #tpu.memory_space<vmem>>)
      tpu.yield
    }) : () -> ()
    %broadcast_in_dim3A = arith.constant 0.000000e+00 : f32
    %broadcast_in_dim3A_3 = vector.broadcast %broadcast_in_dim3A : f32 to vector<16xf32>
    %iota3A = tpu.iota {dimensions = array<i32: 0>} : vector<16xi32>
    %dma_start3A = arith.constant 0 : i32
    %dma_start3A_4 = tpu.memref_slice %arg6[%dma_start3A] : memref<10000xi32, #tpu.memory_space<vmem>> -> memref<200xi32, #tpu.memory_space<vmem>>
    %dma_start3A_5 = arith.constant 0 : i32
    %dma_start3A_6 = arith.constant 0 : i32
    %dma_start3A_7 = tpu.memref_slice %arg2[%dma_start3A_5, %dma_start3A_6] : memref<10000x64xi32, #tpu.memory_space<hbm>> -> memref<10000x64xi32, #tpu.memory_space<hbm>>
    tpu.enqueue_indirect_dma source(%dma_start3A_7 : memref<10000x64xi32, #tpu.memory_space<hbm>>) target(%arg8 : memref<200x64xi32, #tpu.memory_space<vmem>>) offsets(%dma_start3A_4 : memref<200xi32, #tpu.memory_space<vmem>>) semaphore(%arg15 : memref<!tpu.dma_semaphore, #tpu.memory_space<semaphore_mem>>)
    %dma_start3A_8 = arith.constant 0 : i32
    %dma_start3A_9 = tpu.memref_slice %arg7[%dma_start3A_8] : memref<10000xi32, #tpu.memory_space<vmem>> -> memref<200xi32, #tpu.memory_space<vmem>>
    %dma_start3A_10 = arith.constant 0 : i32
    %dma_start3A_11 = arith.constant 0 : i32
    %dma_start3A_12 = tpu.memref_slice %arg2[%dma_start3A_10, %dma_start3A_11] : memref<10000x64xi32, #tpu.memory_space<hbm>> -> memref<10000x64xi32, #tpu.memory_space<hbm>>
    tpu.enqueue_indirect_dma source(%dma_start3A_12 : memref<10000x64xi32, #tpu.memory_space<hbm>>) target(%arg9 : memref<200x64xi32, #tpu.memory_space<vmem>>) offsets(%dma_start3A_9 : memref<200xi32, #tpu.memory_space<vmem>>) semaphore(%arg15 : memref<!tpu.dma_semaphore, #tpu.memory_space<semaphore_mem>>)
    %scan3A = arith.constant 0 : i32
    %scan3A_13 = arith.constant 0 : i32
    %scan3A_14 = arith.constant 25 : i32
    %scan3A_15 = arith.addi %scan3A_13, %scan3A_14 : i32
    %scan3A_16 = arith.constant 1 : i32
    scf.for %scan3A_33 = %scan3A_13 to %scan3A_15 step %scan3A_16  : i32 {
      %mul3A_34 = arith.constant 2 : i32
      %mul3A_35 = arith.muli %mul3A_34, %scan3A_33 : i32
      %add3A_36 = arith.constant 1 : i32
      %add3A_37 = arith.addi %mul3A_35, %add3A_36 : i32
      %mul3A_38 = arith.constant 200 : i32
      %mul3A_39 = arith.muli %add3A_37, %mul3A_38 : i32
      %dma_start3A_40 = tpu.memref_slice %arg6[%mul3A_39] : memref<10000xi32, #tpu.memory_space<vmem>> -> memref<200xi32, #tpu.memory_space<vmem>>
      %dma_start3A_41 = arith.constant 0 : i32
      %dma_start3A_42 = arith.constant 0 : i32
      %dma_start3A_43 = tpu.memref_slice %arg2[%dma_start3A_41, %dma_start3A_42] : memref<10000x64xi32, #tpu.memory_space<hbm>> -> memref<10000x64xi32, #tpu.memory_space<hbm>>
      tpu.enqueue_indirect_dma source(%dma_start3A_43 : memref<10000x64xi32, #tpu.memory_space<hbm>>) target(%arg10 : memref<200x64xi32, #tpu.memory_space<vmem>>) offsets(%dma_start3A_40 : memref<200xi32, #tpu.memory_space<vmem>>) semaphore(%arg16 : memref<!tpu.dma_semaphore, #tpu.memory_space<semaphore_mem>>)
      %dma_start3A_44 = tpu.memref_slice %arg7[%mul3A_39] : memref<10000xi32, #tpu.memory_space<vmem>> -> memref<200xi32, #tpu.memory_space<vmem>>
      %dma_start3A_45 = arith.constant 0 : i32
      %dma_start3A_46 = arith.constant 0 : i32
      %dma_start3A_47 = tpu.memref_slice %arg2[%dma_start3A_45, %dma_start3A_46] : memref<10000x64xi32, #tpu.memory_space<hbm>> -> memref<10000x64xi32, #tpu.memory_space<hbm>>
      tpu.enqueue_indirect_dma source(%dma_start3A_47 : memref<10000x64xi32, #tpu.memory_space<hbm>>) target(%arg11 : memref<200x64xi32, #tpu.memory_space<vmem>>) offsets(%dma_start3A_44 : memref<200xi32, #tpu.memory_space<vmem>>) semaphore(%arg16 : memref<!tpu.dma_semaphore, #tpu.memory_space<semaphore_mem>>)
      %mul3A_48 = arith.constant 200 : i32
      %mul3A_49 = arith.muli %mul3A_35, %mul3A_48 : i32
      %dma_wait3A_50 = tpu.memref_slice %arg6[%mul3A_49] : memref<10000xi32, #tpu.memory_space<vmem>> -> memref<200xi32, #tpu.memory_space<vmem>>
      %dma_wait3A_51 = arith.constant 0 : i32
      %dma_wait3A_52 = arith.constant 0 : i32
      %dma_wait3A_53 = tpu.memref_slice %arg2[%dma_wait3A_51, %dma_wait3A_52] : memref<10000x64xi32, #tpu.memory_space<hbm>> -> memref<10000x64xi32, #tpu.memory_space<hbm>>
      tpu.wait_indirect_dma semaphore(%arg15 : memref<!tpu.dma_semaphore, #tpu.memory_space<semaphore_mem>>) src(%dma_wait3A_53 : memref<10000x64xi32, #tpu.memory_space<hbm>>) dst(%arg8 : memref<200x64xi32, #tpu.memory_space<vmem>>)
      %dma_wait3A_54 = tpu.memref_slice %arg7[%mul3A_49] : memref<10000xi32, #tpu.memory_space<vmem>> -> memref<200xi32, #tpu.memory_space<vmem>>
      %dma_wait3A_55 = arith.constant 0 : i32
      %dma_wait3A_56 = arith.constant 0 : i32
      %dma_wait3A_57 = tpu.memref_slice %arg2[%dma_wait3A_55, %dma_wait3A_56] : memref<10000x64xi32, #tpu.memory_space<hbm>> -> memref<10000x64xi32, #tpu.memory_space<hbm>>
      tpu.wait_indirect_dma semaphore(%arg15 : memref<!tpu.dma_semaphore, #tpu.memory_space<semaphore_mem>>) src(%dma_wait3A_57 : memref<10000x64xi32, #tpu.memory_space<hbm>>) dst(%arg9 : memref<200x64xi32, #tpu.memory_space<vmem>>)
      %eq3A = arith.constant 0 : i32
      %eq3A_58 = arith.cmpi eq, %scan3A_33, %eq3A : i32
      %not3A = arith.constant true
      %not3A_59 = arith.xori %eq3A_58, %not3A : i1
      %convert_element_type3A = arith.extui %not3A_59 : i1 to i32
      %cond3A = arith.constant 0 : i32
      %cond3A_60 = arith.cmpi ne, %convert_element_type3A, %cond3A : i32
      scf.if %cond3A_60 {
        %sub3A = arith.constant 2 : i32
        %sub3A_116 = arith.subi %mul3A_35, %sub3A : i32
        %mul3A_117 = arith.constant 200 : i32
        %mul3A_118 = arith.muli %sub3A_116, %mul3A_117 : i32
        %add3A_119 = arith.addi %mul3A_2, %mul3A_118 : i32
        %dma_wait3A_120 = arith.constant 0 : i32
        %dma_wait3A_121 = tpu.memref_slice %arg12[%dma_wait3A_120] : memref<200xf32, #tpu.memory_space<vmem>> -> memref<200xf32, #tpu.memory_space<vmem>>
        %dma_wait3A_122 = tpu.memref_slice %arg5[%add3A_119] : memref<320000xf32, #tpu.memory_space<hbm>> -> memref<200xf32, #tpu.memory_space<hbm>>
        %dma_wait3A_123 = tpu.memref_slice %arg5[%add3A_119] : memref<320000xf32, #tpu.memory_space<hbm>> -> memref<200xf32, #tpu.memory_space<hbm>>
        %dma_wait3A_124 = arith.constant 0 : i32
        %dma_wait3A_125 = tpu.memref_slice %arg12[%dma_wait3A_124] : memref<200xf32, #tpu.memory_space<vmem>> -> memref<200xf32, #tpu.memory_space<vmem>>
        tpu.wait_dma2 semaphore(%arg17 : memref<!tpu.dma_semaphore, #tpu.memory_space<semaphore_mem>>) src(%dma_wait3A_125 : memref<200xf32, #tpu.memory_space<vmem>>) dst(%dma_wait3A_123 : memref<200xf32, #tpu.memory_space<hbm>>)
      } else {
      }
      %scan3A_61 = arith.constant 0 : i32
      %scan3A_62 = arith.constant 0 : i32
      %scan3A_63 = arith.constant 13 : i32
      %scan3A_64 = arith.addi %scan3A_62, %scan3A_63 : i32
      %scan3A_65 = arith.constant 1 : i32
      scf.for %scan3A_116 = %scan3A_62 to %scan3A_64 step %scan3A_65  : i32 {
        %mul3A_117 = arith.constant 16 : i32
        %mul3A_118 = arith.muli %scan3A_116, %mul3A_117 : i32
        %min3A = arith.constant 184 : i32
        %min3A_119 = arith.minsi %mul3A_118, %min3A : i32
        %add3A_120 = arith.constant 0 : i32
        %add3A_121 = arith.addi %min3A_119, %add3A_120 : i32
        %get3A = arith.index_cast %add3A_121 : i32 to index
        %get3A_122 = arith.constant 0 : index
        %get3A_123 = tpu.vector_load %arg8[%get3A, %get3A_122] {strides = array<i32>} : memref<200x64xi32, #tpu.memory_space<vmem>>, vector<16xi32>,
        %bitcast3A = vector.bitcast %get3A_123 : vector<16xi32> to vector<32xbf16>
        %get3A_124 = arith.index_cast %add3A_121 : i32 to index
        %get3A_125 = arith.constant 0 : index
        %get3A_126 = tpu.vector_load %arg9[%get3A_124, %get3A_125] {strides = array<i32>} : memref<200x64xi32, #tpu.memory_space<vmem>>, vector<16xi32>,
        %bitcast3A_127 = vector.bitcast %get3A_126 : vector<16xi32> to vector<32xbf16>
        %mul3A_128 = arith.mulf %bitcast3A, %bitcast3A_127 : vector<32xbf16>
        %unpack3A = tpu.unpack_subelements %mul3A_128, 0 {pack_format = #tpu.pack_format<interleaved>} : vector<32xbf16> -> vector<16xf32>
        %unpack3A_129 = tpu.unpack_subelements %mul3A_128, 1 {pack_format = #tpu.pack_format<interleaved>} : vector<32xbf16> -> vector<16xf32>
        %add3A_130 = arith.addf %broadcast_in_dim3A_3, %unpack3A : vector<16xf32>
        %add3A_131 = arith.addf %broadcast_in_dim3A_3, %unpack3A_129 : vector<16xf32>
        %get3A_132 = arith.index_cast %add3A_121 : i32 to index
        %get3A_133 = arith.constant 16 : index
        %get3A_134 = tpu.vector_load %arg8[%get3A_132, %get3A_133] {strides = array<i32>} : memref<200x64xi32, #tpu.memory_space<vmem>>, vector<16xi32>,
        %bitcast3A_135 = vector.bitcast %get3A_134 : vector<16xi32> to vector<32xbf16>
        %get3A_136 = arith.index_cast %add3A_121 : i32 to index
        %get3A_137 = arith.constant 16 : index
        %get3A_138 = tpu.vector_load %arg9[%get3A_136, %get3A_137] {strides = array<i32>} : memref<200x64xi32, #tpu.memory_space<vmem>>, vector<16xi32>,
        %bitcast3A_139 = vector.bitcast %get3A_138 : vector<16xi32> to vector<32xbf16>
        %mul3A_140 = arith.mulf %bitcast3A_135, %bitcast3A_139 : vector<32xbf16>
        %unpack3A_141 = tpu.unpack_subelements %mul3A_140, 0 {pack_format = #tpu.pack_format<interleaved>} : vector<32xbf16> -> vector<16xf32>
        %unpack3A_142 = tpu.unpack_subelements %mul3A_140, 1 {pack_format = #tpu.pack_format<interleaved>} : vector<32xbf16> -> vector<16xf32>
        %add3A_143 = arith.addf %add3A_130, %unpack3A_141 : vector<16xf32>
        %add3A_144 = arith.addf %add3A_131, %unpack3A_142 : vector<16xf32>
        %get3A_145 = arith.index_cast %add3A_121 : i32 to index
        %get3A_146 = arith.constant 32 : index
        %get3A_147 = tpu.vector_load %arg8[%get3A_145, %get3A_146] {strides = array<i32>} : memref<200x64xi32, #tpu.memory_space<vmem>>, vector<16xi32>,
        %bitcast3A_148 = vector.bitcast %get3A_147 : vector<16xi32> to vector<32xbf16>
        %get3A_149 = arith.index_cast %add3A_121 : i32 to index
        %get3A_150 = arith.constant 32 : index
        %get3A_151 = tpu.vector_load %arg9[%get3A_149, %get3A_150] {strides = array<i32>} : memref<200x64xi32, #tpu.memory_space<vmem>>, vector<16xi32>,
        %bitcast3A_152 = vector.bitcast %get3A_151 : vector<16xi32> to vector<32xbf16>
        %mul3A_153 = arith.mulf %bitcast3A_148, %bitcast3A_152 : vector<32xbf16>
        %unpack3A_154 = tpu.unpack_subelements %mul3A_153, 0 {pack_format = #tpu.pack_format<interleaved>} : vector<32xbf16> -> vector<16xf32>
        %unpack3A_155 = tpu.unpack_subelements %mul3A_153, 1 {pack_format = #tpu.pack_format<interleaved>} : vector<32xbf16> -> vector<16xf32>
        %add3A_156 = arith.addf %add3A_143, %unpack3A_154 : vector<16xf32>
        %add3A_157 = arith.addf %add3A_144, %unpack3A_155 : vector<16xf32>
        %get3A_158 = arith.index_cast %add3A_121 : i32 to index
        %get3A_159 = arith.constant 48 : index
        %get3A_160 = tpu.vector_load %arg8[%get3A_158, %get3A_159] {strides = array<i32>} : memref<200x64xi32, #tpu.memory_space<vmem>>, vector<16xi32>,
        %bitcast3A_161 = vector.bitcast %get3A_160 : vector<16xi32> to vector<32xbf16>
        %get3A_162 = arith.index_cast %add3A_121 : i32 to index
        %get3A_163 = arith.constant 48 : index
        %get3A_164 = tpu.vector_load %arg9[%get3A_162, %get3A_163] {strides = array<i32>} : memref<200x64xi32, #tpu.memory_space<vmem>>, vector<16xi32>,
        %bitcast3A_165 = vector.bitcast %get3A_164 : vector<16xi32> to vector<32xbf16>
        %mul3A_166 = arith.mulf %bitcast3A_161, %bitcast3A_165 : vector<32xbf16>
        %unpack3A_167 = tpu.unpack_subelements %mul3A_166, 0 {pack_format = #tpu.pack_format<interleaved>} : vector<32xbf16> -> vector<16xf32>
        %unpack3A_168 = tpu.unpack_subelements %mul3A_166, 1 {pack_format = #tpu.pack_format<interleaved>} : vector<32xbf16> -> vector<16xf32>
        %add3A_169 = arith.addf %add3A_156, %unpack3A_167 : vector<16xf32>
        %add3A_170 = arith.addf %add3A_157, %unpack3A_168 : vector<16xf32>
        %add3A_171 = arith.addf %add3A_169, %add3A_170 : vector<16xf32>
        %swap3A = arith.constant 0 : i32
        %swap3A_172 = arith.index_cast %swap3A : i32 to index
        %swap3A_173 = arith.constant 0 : index
        %swap3A_174 = tpu.vector_load %arg14[%swap3A_172, %swap3A_173] {strides = array<i32>} : memref<16x17xf32, #tpu.memory_space<vmem>>, vector<16xf32>,
        tpu.vector_store %arg14[%swap3A_172, %swap3A_173], %add3A_171 {strides = array<i32>} : memref<16x17xf32, #tpu.memory_space<vmem>>, vector<16xf32>,
        %add3A_175 = arith.constant 1 : i32
        %add3A_176 = arith.addi %min3A_119, %add3A_175 : i32
        %get3A_177 = arith.index_cast %add3A_176 : i32 to index
        %get3A_178 = arith.constant 0 : index
        %get3A_179 = tpu.vector_load %arg8[%get3A_177, %get3A_178] {strides = array<i32>} : memref<200x64xi32, #tpu.memory_space<vmem>>, vector<16xi32>,
        %bitcast3A_180 = vector.bitcast %get3A_179 : vector<16xi32> to vector<32xbf16>
        %get3A_181 = arith.index_cast %add3A_176 : i32 to index
        %get3A_182 = arith.constant 0 : index
        %get3A_183 = tpu.vector_load %arg9[%get3A_181, %get3A_182] {strides = array<i32>} : memref<200x64xi32, #tpu.memory_space<vmem>>, vector<16xi32>,
        %bitcast3A_184 = vector.bitcast %get3A_183 : vector<16xi32> to vector<32xbf16>
        %mul3A_185 = arith.mulf %bitcast3A_180, %bitcast3A_184 : vector<32xbf16>
        %unpack3A_186 = tpu.unpack_subelements %mul3A_185, 0 {pack_format = #tpu.pack_format<interleaved>} : vector<32xbf16> -> vector<16xf32>
        %unpack3A_187 = tpu.unpack_subelements %mul3A_185, 1 {pack_format = #tpu.pack_format<interleaved>} : vector<32xbf16> -> vector<16xf32>
        %add3A_188 = arith.addf %broadcast_in_dim3A_3, %unpack3A_186 : vector<16xf32>
        %add3A_189 = arith.addf %broadcast_in_dim3A_3, %unpack3A_187 : vector<16xf32>
        %get3A_190 = arith.index_cast %add3A_176 : i32 to index
        %get3A_191 = arith.constant 16 : index
        %get3A_192 = tpu.vector_load %arg8[%get3A_190, %get3A_191] {strides = array<i32>} : memref<200x64xi32, #tpu.memory_space<vmem>>, vector<16xi32>,
        %bitcast3A_193 = vector.bitcast %get3A_192 : vector<16xi32> to vector<32xbf16>
        %get3A_194 = arith.index_cast %add3A_176 : i32 to index
        %get3A_195 = arith.constant 16 : index
        %get3A_196 = tpu.vector_load %arg9[%get3A_194, %get3A_195] {strides = array<i32>} : memref<200x64xi32, #tpu.memory_space<vmem>>, vector<16xi32>,
        %bitcast3A_197 = vector.bitcast %get3A_196 : vector<16xi32> to vector<32xbf16>
        %mul3A_198 = arith.mulf %bitcast3A_193, %bitcast3A_197 : vector<32xbf16>
        %unpack3A_199 = tpu.unpack_subelements %mul3A_198, 0 {pack_format = #tpu.pack_format<interleaved>} : vector<32xbf16> -> vector<16xf32>
        %unpack3A_200 = tpu.unpack_subelements %mul3A_198, 1 {pack_format = #tpu.pack_format<interleaved>} : vector<32xbf16> -> vector<16xf32>
        %add3A_201 = arith.addf %add3A_188, %unpack3A_199 : vector<16xf32>
        %add3A_202 = arith.addf %add3A_189, %unpack3A_200 : vector<16xf32>
        %get3A_203 = arith.index_cast %add3A_176 : i32 to index
        %get3A_204 = arith.constant 32 : index
        %get3A_205 = tpu.vector_load %arg8[%get3A_203, %get3A_204] {strides = array<i32>} : memref<200x64xi32, #tpu.memory_space<vmem>>, vector<16xi32>,
        %bitcast3A_206 = vector.bitcast %get3A_205 : vector<16xi32> to vector<32xbf16>
        %get3A_207 = arith.index_cast %add3A_176 : i32 to index
        %get3A_208 = arith.constant 32 : index
        %get3A_209 = tpu.vector_load %arg9[%get3A_207, %get3A_208] {strides = array<i32>} : memref<200x64xi32, #tpu.memory_space<vmem>>, vector<16xi32>,
        %bitcast3A_210 = vector.bitcast %get3A_209 : vector<16xi32> to vector<32xbf16>
        %mul3A_211 = arith.mulf %bitcast3A_206, %bitcast3A_210 : vector<32xbf16>
        %unpack3A_212 = tpu.unpack_subelements %mul3A_211, 0 {pack_format = #tpu.pack_format<interleaved>} : vector<32xbf16> -> vector<16xf32>
        %unpack3A_213 = tpu.unpack_subelements %mul3A_211, 1 {pack_format = #tpu.pack_format<interleaved>} : vector<32xbf16> -> vector<16xf32>
        %add3A_214 = arith.addf %add3A_201, %unpack3A_212 : vector<16xf32>
        %add3A_215 = arith.addf %add3A_202, %unpack3A_213 : vector<16xf32>
        %get3A_216 = arith.index_cast %add3A_176 : i32 to index
        %get3A_217 = arith.constant 48 : index
        %get3A_218 = tpu.vector_load %arg8[%get3A_216, %get3A_217] {strides = array<i32>} : memref<200x64xi32, #tpu.memory_space<vmem>>, vector<16xi32>,
        %bitcast3A_219 = vector.bitcast %get3A_218 : vector<16xi32> to vector<32xbf16>
        %get3A_220 = arith.index_cast %add3A_176 : i32 to index
        %get3A_221 = arith.constant 48 : index
        %get3A_222 = tpu.vector_load %arg9[%get3A_220, %get3A_221] {strides = array<i32>} : memref<200x64xi32, #tpu.memory_space<vmem>>, vector<16xi32>,
        %bitcast3A_223 = vector.bitcast %get3A_222 : vector<16xi32> to vector<32xbf16>
        %mul3A_224 = arith.mulf %bitcast3A_219, %bitcast3A_223 : vector<32xbf16>
        %unpack3A_225 = tpu.unpack_subelements %mul3A_224, 0 {pack_format = #tpu.pack_format<interleaved>} : vector<32xbf16> -> vector<16xf32>
        %unpack3A_226 = tpu.unpack_subelements %mul3A_224, 1 {pack_format = #tpu.pack_format<interleaved>} : vector<32xbf16> -> vector<16xf32>
        %add3A_227 = arith.addf %add3A_214, %unpack3A_225 : vector<16xf32>
        %add3A_228 = arith.addf %add3A_215, %unpack3A_226 : vector<16xf32>
        %add3A_229 = arith.addf %add3A_227, %add3A_228 : vector<16xf32>
        %swap3A_230 = arith.constant 1 : i32
        %swap3A_231 = arith.index_cast %swap3A_230 : i32 to index
        %swap3A_232 = arith.constant 0 : index
        %swap3A_233 = tpu.vector_load %arg14[%swap3A_231, %swap3A_232] {strides = array<i32>} : memref<16x17xf32, #tpu.memory_space<vmem>>, vector<16xf32>,
        tpu.vector_store %arg14[%swap3A_231, %swap3A_232], %add3A_229 {strides = array<i32>} : memref<16x17xf32, #tpu.memory_space<vmem>>, vector<16xf32>,
        %add3A_234 = arith.constant 2 : i32
        %add3A_235 = arith.addi %min3A_119, %add3A_234 : i32
        %get3A_236 = arith.index_cast %add3A_235 : i32 to index
        %get3A_237 = arith.constant 0 : index
        %get3A_238 = tpu.vector_load %arg8[%get3A_236, %get3A_237] {strides = array<i32>} : memref<200x64xi32, #tpu.memory_space<vmem>>, vector<16xi32>,
        %bitcast3A_239 = vector.bitcast %get3A_238 : vector<16xi32> to vector<32xbf16>
        %get3A_240 = arith.index_cast %add3A_235 : i32 to index
        %get3A_241 = arith.constant 0 : index
        %get3A_242 = tpu.vector_load %arg9[%get3A_240, %get3A_241] {strides = array<i32>} : memref<200x64xi32, #tpu.memory_space<vmem>>, vector<16xi32>,
        %bitcast3A_243 = vector.bitcast %get3A_242 : vector<16xi32> to vector<32xbf16>
        %mul3A_244 = arith.mulf %bitcast3A_239, %bitcast3A_243 : vector<32xbf16>
        %unpack3A_245 = tpu.unpack_subelements %mul3A_244, 0 {pack_format = #tpu.pack_format<interleaved>} : vector<32xbf16> -> vector<16xf32>
        %unpack3A_246 = tpu.unpack_subelements %mul3A_244, 1 {pack_format = #tpu.pack_format<interleaved>} : vector<32xbf16> -> vector<16xf32>
        %add3A_247 = arith.addf %broadcast_in_dim3A_3, %unpack3A_245 : vector<16xf32>
        %add3A_248 = arith.addf %broadcast_in_dim3A_3, %unpack3A_246 : vector<16xf32>
        %get3A_249 = arith.index_cast %add3A_235 : i32 to index
        %get3A_250 = arith.constant 16 : index
        %get3A_251 = tpu.vector_load %arg8[%get3A_249, %get3A_250] {strides = array<i32>} : memref<200x64xi32, #tpu.memory_space<vmem>>, vector<16xi32>,
        %bitcast3A_252 = vector.bitcast %get3A_251 : vector<16xi32> to vector<32xbf16>
        %get3A_253 = arith.index_cast %add3A_235 : i32 to index
        %get3A_254 = arith.constant 16 : index
        %get3A_255 = tpu.vector_load %arg9[%get3A_253, %get3A_254] {strides = array<i32>} : memref<200x64xi32, #tpu.memory_space<vmem>>, vector<16xi32>,
        %bitcast3A_256 = vector.bitcast %get3A_255 : vector<16xi32> to vector<32xbf16>
        %mul3A_257 = arith.mulf %bitcast3A_252, %bitcast3A_256 : vector<32xbf16>
        %unpack3A_258 = tpu.unpack_subelements %mul3A_257, 0 {pack_format = #tpu.pack_format<interleaved>} : vector<32xbf16> -> vector<16xf32>
        %unpack3A_259 = tpu.unpack_subelements %mul3A_257, 1 {pack_format = #tpu.pack_format<interleaved>} : vector<32xbf16> -> vector<16xf32>
        %add3A_260 = arith.addf %add3A_247, %unpack3A_258 : vector<16xf32>
        %add3A_261 = arith.addf %add3A_248, %unpack3A_259 : vector<16xf32>
        %get3A_262 = arith.index_cast %add3A_235 : i32 to index
        %get3A_263 = arith.constant 32 : index
        %get3A_264 = tpu.vector_load %arg8[%get3A_262, %get3A_263] {strides = array<i32>} : memref<200x64xi32, #tpu.memory_space<vmem>>, vector<16xi32>,
        %bitcast3A_265 = vector.bitcast %get3A_264 : vector<16xi32> to vector<32xbf16>
        %get3A_266 = arith.index_cast %add3A_235 : i32 to index
        %get3A_267 = arith.constant 32 : index
        %get3A_268 = tpu.vector_load %arg9[%get3A_266, %get3A_267] {strides = array<i32>} : memref<200x64xi32, #tpu.memory_space<vmem>>, vector<16xi32>,
        %bitcast3A_269 = vector.bitcast %get3A_268 : vector<16xi32> to vector<32xbf16>
        %mul3A_270 = arith.mulf %bitcast3A_265, %bitcast3A_269 : vector<32xbf16>
        %unpack3A_271 = tpu.unpack_subelements %mul3A_270, 0 {pack_format = #tpu.pack_format<interleaved>} : vector<32xbf16> -> vector<16xf32>
        %unpack3A_272 = tpu.unpack_subelements %mul3A_270, 1 {pack_format = #tpu.pack_format<interleaved>} : vector<32xbf16> -> vector<16xf32>
        %add3A_273 = arith.addf %add3A_260, %unpack3A_271 : vector<16xf32>
        %add3A_274 = arith.addf %add3A_261, %unpack3A_272 : vector<16xf32>
        %get3A_275 = arith.index_cast %add3A_235 : i32 to index
        %get3A_276 = arith.constant 48 : index
        %get3A_277 = tpu.vector_load %arg8[%get3A_275, %get3A_276] {strides = array<i32>} : memref<200x64xi32, #tpu.memory_space<vmem>>, vector<16xi32>,
        %bitcast3A_278 = vector.bitcast %get3A_277 : vector<16xi32> to vector<32xbf16>
        %get3A_279 = arith.index_cast %add3A_235 : i32 to index
        %get3A_280 = arith.constant 48 : index
        %get3A_281 = tpu.vector_load %arg9[%get3A_279, %get3A_280] {strides = array<i32>} : memref<200x64xi32, #tpu.memory_space<vmem>>, vector<16xi32>,
        %bitcast3A_282 = vector.bitcast %get3A_281 : vector<16xi32> to vector<32xbf16>
        %mul3A_283 = arith.mulf %bitcast3A_278, %bitcast3A_282 : vector<32xbf16>
        %unpack3A_284 = tpu.unpack_subelements %mul3A_283, 0 {pack_format = #tpu.pack_format<interleaved>} : vector<32xbf16> -> vector<16xf32>
        %unpack3A_285 = tpu.unpack_subelements %mul3A_283, 1 {pack_format = #tpu.pack_format<interleaved>} : vector<32xbf16> -> vector<16xf32>
        %add3A_286 = arith.addf %add3A_273, %unpack3A_284 : vector<16xf32>
        %add3A_287 = arith.addf %add3A_274, %unpack3A_285 : vector<16xf32>
        %add3A_288 = arith.addf %add3A_286, %add3A_287 : vector<16xf32>
        %swap3A_289 = arith.constant 2 : i32
        %swap3A_290 = arith.index_cast %swap3A_289 : i32 to index
        %swap3A_291 = arith.constant 0 : index
        %swap3A_292 = tpu.vector_load %arg14[%swap3A_290, %swap3A_291] {strides = array<i32>} : memref<16x17xf32, #tpu.memory_space<vmem>>, vector<16xf32>,
        tpu.vector_store %arg14[%swap3A_290, %swap3A_291], %add3A_288 {strides = array<i32>} : memref<16x17xf32, #tpu.memory_space<vmem>>, vector<16xf32>,
        %add3A_293 = arith.constant 3 : i32
        %add3A_294 = arith.addi %min3A_119, %add3A_293 : i32
        %get3A_295 = arith.index_cast %add3A_294 : i32 to index
        %get3A_296 = arith.constant 0 : index
        %get3A_297 = tpu.vector_load %arg8[%get3A_295, %get3A_296] {strides = array<i32>} : memref<200x64xi32, #tpu.memory_space<vmem>>, vector<16xi32>,
        %bitcast3A_298 = vector.bitcast %get3A_297 : vector<16xi32> to vector<32xbf16>
        %get3A_299 = arith.index_cast %add3A_294 : i32 to index
        %get3A_300 = arith.constant 0 : index
        %get3A_301 = tpu.vector_load %arg9[%get3A_299, %get3A_300] {strides = array<i32>} : memref<200x64xi32, #tpu.memory_space<vmem>>, vector<16xi32>,
        %bitcast3A_302 = vector.bitcast %get3A_301 : vector<16xi32> to vector<32xbf16>
        %mul3A_303 = arith.mulf %bitcast3A_298, %bitcast3A_302 : vector<32xbf16>
        %unpack3A_304 = tpu.unpack_subelements %mul3A_303, 0 {pack_format = #tpu.pack_format<interleaved>} : vector<32xbf16> -> vector<16xf32>
        %unpack3A_305 = tpu.unpack_subelements %mul3A_303, 1 {pack_format = #tpu.pack_format<interleaved>} : vector<32xbf16> -> vector<16xf32>
        %add3A_306 = arith.addf %broadcast_in_dim3A_3, %unpack3A_304 : vector<16xf32>
        %add3A_307 = arith.addf %broadcast_in_dim3A_3, %unpack3A_305 : vector<16xf32>
        %get3A_308 = arith.index_cast %add3A_294 : i32 to index
        %get3A_309 = arith.constant 16 : index
        %get3A_310 = tpu.vector_load %arg8[%get3A_308, %get3A_309] {strides = array<i32>} : memref<200x64xi32, #tpu.memory_space<vmem>>, vector<16xi32>,
        %bitcast3A_311 = vector.bitcast %get3A_310 : vector<16xi32> to vector<32xbf16>
        %get3A_312 = arith.index_cast %add3A_294 : i32 to index
        %get3A_313 = arith.constant 16 : index
        %get3A_314 = tpu.vector_load %arg9[%get3A_312, %get3A_313] {strides = array<i32>} : memref<200x64xi32, #tpu.memory_space<vmem>>, vector<16xi32>,
        %bitcast3A_315 = vector.bitcast %get3A_314 : vector<16xi32> to vector<32xbf16>
        %mul3A_316 = arith.mulf %bitcast3A_311, %bitcast3A_315 : vector<32xbf16>
        %unpack3A_317 = tpu.unpack_subelements %mul3A_316, 0 {pack_format = #tpu.pack_format<interleaved>} : vector<32xbf16> -> vector<16xf32>
        %unpack3A_318 = tpu.unpack_subelements %mul3A_316, 1 {pack_format = #tpu.pack_format<interleaved>} : vector<32xbf16> -> vector<16xf32>
        %add3A_319 = arith.addf %add3A_306, %unpack3A_317 : vector<16xf32>
        %add3A_320 = arith.addf %add3A_307, %unpack3A_318 : vector<16xf32>
        %get3A_321 = arith.index_cast %add3A_294 : i32 to index
        %get3A_322 = arith.constant 32 : index
        %get3A_323 = tpu.vector_load %arg8[%get3A_321, %get3A_322] {strides = array<i32>} : memref<200x64xi32, #tpu.memory_space<vmem>>, vector<16xi32>,
        %bitcast3A_324 = vector.bitcast %get3A_323 : vector<16xi32> to vector<32xbf16>
        %get3A_325 = arith.index_cast %add3A_294 : i32 to index
        %get3A_326 = arith.constant 32 : index
        %get3A_327 = tpu.vector_load %arg9[%get3A_325, %get3A_326] {strides = array<i32>} : memref<200x64xi32, #tpu.memory_space<vmem>>, vector<16xi32>,
        %bitcast3A_328 = vector.bitcast %get3A_327 : vector<16xi32> to vector<32xbf16>
        %mul3A_329 = arith.mulf %bitcast3A_324, %bitcast3A_328 : vector<32xbf16>
        %unpack3A_330 = tpu.unpack_subelements %mul3A_329, 0 {pack_format = #tpu.pack_format<interleaved>} : vector<32xbf16> -> vector<16xf32>
        %unpack3A_331 = tpu.unpack_subelements %mul3A_329, 1 {pack_format = #tpu.pack_format<interleaved>} : vector<32xbf16> -> vector<16xf32>
        %add3A_332 = arith.addf %add3A_319, %unpack3A_330 : vector<16xf32>
        %add3A_333 = arith.addf %add3A_320, %unpack3A_331 : vector<16xf32>
        %get3A_334 = arith.index_cast %add3A_294 : i32 to index
        %get3A_335 = arith.constant 48 : index
        %get3A_336 = tpu.vector_load %arg8[%get3A_334, %get3A_335] {strides = array<i32>} : memref<200x64xi32, #tpu.memory_space<vmem>>, vector<16xi32>,
        %bitcast3A_337 = vector.bitcast %get3A_336 : vector<16xi32> to vector<32xbf16>
        %get3A_338 = arith.index_cast %add3A_294 : i32 to index
        %get3A_339 = arith.constant 48 : index
        %get3A_340 = tpu.vector_load %arg9[%get3A_338, %get3A_339] {strides = array<i32>} : memref<200x64xi32, #tpu.memory_space<vmem>>, vector<16xi32>,
        %bitcast3A_341 = vector.bitcast %get3A_340 : vector<16xi32> to vector<32xbf16>
        %mul3A_342 = arith.mulf %bitcast3A_337, %bitcast3A_341 : vector<32xbf16>
        %unpack3A_343 = tpu.unpack_subelements %mul3A_342, 0 {pack_format = #tpu.pack_format<interleaved>} : vector<32xbf16> -> vector<16xf32>
        %unpack3A_344 = tpu.unpack_subelements %mul3A_342, 1 {pack_format = #tpu.pack_format<interleaved>} : vector<32xbf16> -> vector<16xf32>
        %add3A_345 = arith.addf %add3A_332, %unpack3A_343 : vector<16xf32>
        %add3A_346 = arith.addf %add3A_333, %unpack3A_344 : vector<16xf32>
        %add3A_347 = arith.addf %add3A_345, %add3A_346 : vector<16xf32>
        %swap3A_348 = arith.constant 3 : i32
        %swap3A_349 = arith.index_cast %swap3A_348 : i32 to index
        %swap3A_350 = arith.constant 0 : index
        %swap3A_351 = tpu.vector_load %arg14[%swap3A_349, %swap3A_350] {strides = array<i32>} : memref<16x17xf32, #tpu.memory_space<vmem>>, vector<16xf32>,
        tpu.vector_store %arg14[%swap3A_349, %swap3A_350], %add3A_347 {strides = array<i32>} : memref<16x17xf32, #tpu.memory_space<vmem>>, vector<16xf32>,
        %add3A_352 = arith.constant 4 : i32
        %add3A_353 = arith.addi %min3A_119, %add3A_352 : i32
        %get3A_354 = arith.index_cast %add3A_353 : i32 to index
        %get3A_355 = arith.constant 0 : index
        %get3A_356 = tpu.vector_load %arg8[%get3A_354, %get3A_355] {strides = array<i32>} : memref<200x64xi32, #tpu.memory_space<vmem>>, vector<16xi32>,
        %bitcast3A_357 = vector.bitcast %get3A_356 : vector<16xi32> to vector<32xbf16>
        %get3A_358 = arith.index_cast %add3A_353 : i32 to index
        %get3A_359 = arith.constant 0 : index
        %get3A_360 = tpu.vector_load %arg9[%get3A_358, %get3A_359] {strides = array<i32>} : memref<200x64xi32, #tpu.memory_space<vmem>>, vector<16xi32>,
        %bitcast3A_361 = vector.bitcast %get3A_360 : vector<16xi32> to vector<32xbf16>
        %mul3A_362 = arith.mulf %bitcast3A_357, %bitcast3A_361 : vector<32xbf16>
        %unpack3A_363 = tpu.unpack_subelements %mul3A_362, 0 {pack_format = #tpu.pack_format<interleaved>} : vector<32xbf16> -> vector<16xf32>
        %unpack3A_364 = tpu.unpack_subelements %mul3A_362, 1 {pack_format = #tpu.pack_format<interleaved>} : vector<32xbf16> -> vector<16xf32>
        %add3A_365 = arith.addf %broadcast_in_dim3A_3, %unpack3A_363 : vector<16xf32>
        %add3A_366 = arith.addf %broadcast_in_dim3A_3, %unpack3A_364 : vector<16xf32>
        %get3A_367 = arith.index_cast %add3A_353 : i32 to index
        %get3A_368 = arith.constant 16 : index
        %get3A_369 = tpu.vector_load %arg8[%get3A_367, %get3A_368] {strides = array<i32>} : memref<200x64xi32, #tpu.memory_space<vmem>>, vector<16xi32>,
        %bitcast3A_370 = vector.bitcast %get3A_369 : vector<16xi32> to vector<32xbf16>
        %get3A_371 = arith.index_cast %add3A_353 : i32 to index
        %get3A_372 = arith.constant 16 : index
        %get3A_373 = tpu.vector_load %arg9[%get3A_371, %get3A_372] {strides = array<i32>} : memref<200x64xi32, #tpu.memory_space<vmem>>, vector<16xi32>,
        %bitcast3A_374 = vector.bitcast %get3A_373 : vector<16xi32> to vector<32xbf16>
        %mul3A_375 = arith.mulf %bitcast3A_370, %bitcast3A_374 : vector<32xbf16>
        %unpack3A_376 = tpu.unpack_subelements %mul3A_375, 0 {pack_format = #tpu.pack_format<interleaved>} : vector<32xbf16> -> vector<16xf32>
        %unpack3A_377 = tpu.unpack_subelements %mul3A_375, 1 {pack_format = #tpu.pack_format<interleaved>} : vector<32xbf16> -> vector<16xf32>
        %add3A_378 = arith.addf %add3A_365, %unpack3A_376 : vector<16xf32>
        %add3A_379 = arith.addf %add3A_366, %unpack3A_377 : vector<16xf32>
        %get3A_380 = arith.index_cast %add3A_353 : i32 to index
        %get3A_381 = arith.constant 32 : index
        %get3A_382 = tpu.vector_load %arg8[%get3A_380, %get3A_381] {strides = array<i32>} : memref<200x64xi32, #tpu.memory_space<vmem>>, vector<16xi32>,
        %bitcast3A_383 = vector.bitcast %get3A_382 : vector<16xi32> to vector<32xbf16>
        %get3A_384 = arith.index_cast %add3A_353 : i32 to index
        %get3A_385 = arith.constant 32 : index
        %get3A_386 = tpu.vector_load %arg9[%get3A_384, %get3A_385] {strides = array<i32>} : memref<200x64xi32, #tpu.memory_space<vmem>>, vector<16xi32>,
        %bitcast3A_387 = vector.bitcast %get3A_386 : vector<16xi32> to vector<32xbf16>
        %mul3A_388 = arith.mulf %bitcast3A_383, %bitcast3A_387 : vector<32xbf16>
        %unpack3A_389 = tpu.unpack_subelements %mul3A_388, 0 {pack_format = #tpu.pack_format<interleaved>} : vector<32xbf16> -> vector<16xf32>
        %unpack3A_390 = tpu.unpack_subelements %mul3A_388, 1 {pack_format = #tpu.pack_format<interleaved>} : vector<32xbf16> -> vector<16xf32>
        %add3A_391 = arith.addf %add3A_378, %unpack3A_389 : vector<16xf32>
        %add3A_392 = arith.addf %add3A_379, %unpack3A_390 : vector<16xf32>
        %get3A_393 = arith.index_cast %add3A_353 : i32 to index
        %get3A_394 = arith.constant 48 : index
        %get3A_395 = tpu.vector_load %arg8[%get3A_393, %get3A_394] {strides = array<i32>} : memref<200x64xi32, #tpu.memory_space<vmem>>, vector<16xi32>,
        %bitcast3A_396 = vector.bitcast %get3A_395 : vector<16xi32> to vector<32xbf16>
        %get3A_397 = arith.index_cast %add3A_353 : i32 to index
        %get3A_398 = arith.constant 48 : index
        %get3A_399 = tpu.vector_load %arg9[%get3A_397, %get3A_398] {strides = array<i32>} : memref<200x64xi32, #tpu.memory_space<vmem>>, vector<16xi32>,
        %bitcast3A_400 = vector.bitcast %get3A_399 : vector<16xi32> to vector<32xbf16>
        %mul3A_401 = arith.mulf %bitcast3A_396, %bitcast3A_400 : vector<32xbf16>
        %unpack3A_402 = tpu.unpack_subelements %mul3A_401, 0 {pack_format = #tpu.pack_format<interleaved>} : vector<32xbf16> -> vector<16xf32>
        %unpack3A_403 = tpu.unpack_subelements %mul3A_401, 1 {pack_format = #tpu.pack_format<interleaved>} : vector<32xbf16> -> vector<16xf32>
        %add3A_404 = arith.addf %add3A_391, %unpack3A_402 : vector<16xf32>
        %add3A_405 = arith.addf %add3A_392, %unpack3A_403 : vector<16xf32>
        %add3A_406 = arith.addf %add3A_404, %add3A_405 : vector<16xf32>
        %swap3A_407 = arith.constant 4 : i32
        %swap3A_408 = arith.index_cast %swap3A_407 : i32 to index
        %swap3A_409 = arith.constant 0 : index
        %swap3A_410 = tpu.vector_load %arg14[%swap3A_408, %swap3A_409] {strides = array<i32>} : memref<16x17xf32, #tpu.memory_space<vmem>>, vector<16xf32>,
        tpu.vector_store %arg14[%swap3A_408, %swap3A_409], %add3A_406 {strides = array<i32>} : memref<16x17xf32, #tpu.memory_space<vmem>>, vector<16xf32>,
        %add3A_411 = arith.constant 5 : i32
        %add3A_412 = arith.addi %min3A_119, %add3A_411 : i32
        %get3A_413 = arith.index_cast %add3A_412 : i32 to index
        %get3A_414 = arith.constant 0 : index
        %get3A_415 = tpu.vector_load %arg8[%get3A_413, %get3A_414] {strides = array<i32>} : memref<200x64xi32, #tpu.memory_space<vmem>>, vector<16xi32>,
        %bitcast3A_416 = vector.bitcast %get3A_415 : vector<16xi32> to vector<32xbf16>
        %get3A_417 = arith.index_cast %add3A_412 : i32 to index
        %get3A_418 = arith.constant 0 : index
        %get3A_419 = tpu.vector_load %arg9[%get3A_417, %get3A_418] {strides = array<i32>} : memref<200x64xi32, #tpu.memory_space<vmem>>, vector<16xi32>,
        %bitcast3A_420 = vector.bitcast %get3A_419 : vector<16xi32> to vector<32xbf16>
        %mul3A_421 = arith.mulf %bitcast3A_416, %bitcast3A_420 : vector<32xbf16>
        %unpack3A_422 = tpu.unpack_subelements %mul3A_421, 0 {pack_format = #tpu.pack_format<interleaved>} : vector<32xbf16> -> vector<16xf32>
        %unpack3A_423 = tpu.unpack_subelements %mul3A_421, 1 {pack_format = #tpu.pack_format<interleaved>} : vector<32xbf16> -> vector<16xf32>
        %add3A_424 = arith.addf %broadcast_in_dim3A_3, %unpack3A_422 : vector<16xf32>
        %add3A_425 = arith.addf %broadcast_in_dim3A_3, %unpack3A_423 : vector<16xf32>
        %get3A_426 = arith.index_cast %add3A_412 : i32 to index
        %get3A_427 = arith.constant 16 : index
        %get3A_428 = tpu.vector_load %arg8[%get3A_426, %get3A_427] {strides = array<i32>} : memref<200x64xi32, #tpu.memory_space<vmem>>, vector<16xi32>,
        %bitcast3A_429 = vector.bitcast %get3A_428 : vector<16xi32> to vector<32xbf16>
        %get3A_430 = arith.index_cast %add3A_412 : i32 to index
        %get3A_431 = arith.constant 16 : index
        %get3A_432 = tpu.vector_load %arg9[%get3A_430, %get3A_431] {strides = array<i32>} : memref<200x64xi32, #tpu.memory_space<vmem>>, vector<16xi32>,
        %bitcast3A_433 = vector.bitcast %get3A_432 : vector<16xi32> to vector<32xbf16>
        %mul3A_434 = arith.mulf %bitcast3A_429, %bitcast3A_433 : vector<32xbf16>
        %unpack3A_435 = tpu.unpack_subelements %mul3A_434, 0 {pack_format = #tpu.pack_format<interleaved>} : vector<32xbf16> -> vector<16xf32>
        %unpack3A_436 = tpu.unpack_subelements %mul3A_434, 1 {pack_format = #tpu.pack_format<interleaved>} : vector<32xbf16> -> vector<16xf32>
        %add3A_437 = arith.addf %add3A_424, %unpack3A_435 : vector<16xf32>
        %add3A_438 = arith.addf %add3A_425, %unpack3A_436 : vector<16xf32>
        %get3A_439 = arith.index_cast %add3A_412 : i32 to index
        %get3A_440 = arith.constant 32 : index
        %get3A_441 = tpu.vector_load %arg8[%get3A_439, %get3A_440] {strides = array<i32>} : memref<200x64xi32, #tpu.memory_space<vmem>>, vector<16xi32>,
        %bitcast3A_442 = vector.bitcast %get3A_441 : vector<16xi32> to vector<32xbf16>
        %get3A_443 = arith.index_cast %add3A_412 : i32 to index
        %get3A_444 = arith.constant 32 : index
        %get3A_445 = tpu.vector_load %arg9[%get3A_443, %get3A_444] {strides = array<i32>} : memref<200x64xi32, #tpu.memory_space<vmem>>, vector<16xi32>,
        %bitcast3A_446 = vector.bitcast %get3A_445 : vector<16xi32> to vector<32xbf16>
        %mul3A_447 = arith.mulf %bitcast3A_442, %bitcast3A_446 : vector<32xbf16>
        %unpack3A_448 = tpu.unpack_subelements %mul3A_447, 0 {pack_format = #tpu.pack_format<interleaved>} : vector<32xbf16> -> vector<16xf32>
        %unpack3A_449 = tpu.unpack_subelements %mul3A_447, 1 {pack_format = #tpu.pack_format<interleaved>} : vector<32xbf16> -> vector<16xf32>
        %add3A_450 = arith.addf %add3A_437, %unpack3A_448 : vector<16xf32>
        %add3A_451 = arith.addf %add3A_438, %unpack3A_449 : vector<16xf32>
        %get3A_452 = arith.index_cast %add3A_412 : i32 to index
        %get3A_453 = arith.constant 48 : index
        %get3A_454 = tpu.vector_load %arg8[%get3A_452, %get3A_453] {strides = array<i32>} : memref<200x64xi32, #tpu.memory_space<vmem>>, vector<16xi32>,
        %bitcast3A_455 = vector.bitcast %get3A_454 : vector<16xi32> to vector<32xbf16>
        %get3A_456 = arith.index_cast %add3A_412 : i32 to index
        %get3A_457 = arith.constant 48 : index
        %get3A_458 = tpu.vector_load %arg9[%get3A_456, %get3A_457] {strides = array<i32>} : memref<200x64xi32, #tpu.memory_space<vmem>>, vector<16xi32>,
        %bitcast3A_459 = vector.bitcast %get3A_458 : vector<16xi32> to vector<32xbf16>
        %mul3A_460 = arith.mulf %bitcast3A_455, %bitcast3A_459 : vector<32xbf16>
        %unpack3A_461 = tpu.unpack_subelements %mul3A_460, 0 {pack_format = #tpu.pack_format<interleaved>} : vector<32xbf16> -> vector<16xf32>
        %unpack3A_462 = tpu.unpack_subelements %mul3A_460, 1 {pack_format = #tpu.pack_format<interleaved>} : vector<32xbf16> -> vector<16xf32>
        %add3A_463 = arith.addf %add3A_450, %unpack3A_461 : vector<16xf32>
        %add3A_464 = arith.addf %add3A_451, %unpack3A_462 : vector<16xf32>
        %add3A_465 = arith.addf %add3A_463, %add3A_464 : vector<16xf32>
        %swap3A_466 = arith.constant 5 : i32
        %swap3A_467 = arith.index_cast %swap3A_466 : i32 to index
        %swap3A_468 = arith.constant 0 : index
        %swap3A_469 = tpu.vector_load %arg14[%swap3A_467, %swap3A_468] {strides = array<i32>} : memref<16x17xf32, #tpu.memory_space<vmem>>, vector<16xf32>,
        tpu.vector_store %arg14[%swap3A_467, %swap3A_468], %add3A_465 {strides = array<i32>} : memref<16x17xf32, #tpu.memory_space<vmem>>, vector<16xf32>,
        %add3A_470 = arith.constant 6 : i32
        %add3A_471 = arith.addi %min3A_119, %add3A_470 : i32
        %get3A_472 = arith.index_cast %add3A_471 : i32 to index
        %get3A_473 = arith.constant 0 : index
        %get3A_474 = tpu.vector_load %arg8[%get3A_472, %get3A_473] {strides = array<i32>} : memref<200x64xi32, #tpu.memory_space<vmem>>, vector<16xi32>,
        %bitcast3A_475 = vector.bitcast %get3A_474 : vector<16xi32> to vector<32xbf16>
        %get3A_476 = arith.index_cast %add3A_471 : i32 to index
        %get3A_477 = arith.constant 0 : index
        %get3A_478 = tpu.vector_load %arg9[%get3A_476, %get3A_477] {strides = array<i32>} : memref<200x64xi32, #tpu.memory_space<vmem>>, vector<16xi32>,
        %bitcast3A_479 = vector.bitcast %get3A_478 : vector<16xi32> to vector<32xbf16>
        %mul3A_480 = arith.mulf %bitcast3A_475, %bitcast3A_479 : vector<32xbf16>
        %unpack3A_481 = tpu.unpack_subelements %mul3A_480, 0 {pack_format = #tpu.pack_format<interleaved>} : vector<32xbf16> -> vector<16xf32>
        %unpack3A_482 = tpu.unpack_subelements %mul3A_480, 1 {pack_format = #tpu.pack_format<interleaved>} : vector<32xbf16> -> vector<16xf32>
        %add3A_483 = arith.addf %broadcast_in_dim3A_3, %unpack3A_481 : vector<16xf32>
        %add3A_484 = arith.addf %broadcast_in_dim3A_3, %unpack3A_482 : vector<16xf32>
        %get3A_485 = arith.index_cast %add3A_471 : i32 to index
        %get3A_486 = arith.constant 16 : index
        %get3A_487 = tpu.vector_load %arg8[%get3A_485, %get3A_486] {strides = array<i32>} : memref<200x64xi32, #tpu.memory_space<vmem>>, vector<16xi32>,
        %bitcast3A_488 = vector.bitcast %get3A_487 : vector<16xi32> to vector<32xbf16>
        %get3A_489 = arith.index_cast %add3A_471 : i32 to index
        %get3A_490 = arith.constant 16 : index
        %get3A_491 = tpu.vector_load %arg9[%get3A_489, %get3A_490] {strides = array<i32>} : memref<200x64xi32, #tpu.memory_space<vmem>>, vector<16xi32>,
        %bitcast3A_492 = vector.bitcast %get3A_491 : vector<16xi32> to vector<32xbf16>
        %mul3A_493 = arith.mulf %bitcast3A_488, %bitcast3A_492 : vector<32xbf16>
        %unpack3A_494 = tpu.unpack_subelements %mul3A_493, 0 {pack_format = #tpu.pack_format<interleaved>} : vector<32xbf16> -> vector<16xf32>
        %unpack3A_495 = tpu.unpack_subelements %mul3A_493, 1 {pack_format = #tpu.pack_format<interleaved>} : vector<32xbf16> -> vector<16xf32>
        %add3A_496 = arith.addf %add3A_483, %unpack3A_494 : vector<16xf32>
        %add3A_497 = arith.addf %add3A_484, %unpack3A_495 : vector<16xf32>
        %get3A_498 = arith.index_cast %add3A_471 : i32 to index
        %get3A_499 = arith.constant 32 : index
        %get3A_500 = tpu.vector_load %arg8[%get3A_498, %get3A_499] {strides = array<i32>} : memref<200x64xi32, #tpu.memory_space<vmem>>, vector<16xi32>,
        %bitcast3A_501 = vector.bitcast %get3A_500 : vector<16xi32> to vector<32xbf16>
        %get3A_502 = arith.index_cast %add3A_471 : i32 to index
        %get3A_503 = arith.constant 32 : index
        %get3A_504 = tpu.vector_load %arg9[%get3A_502, %get3A_503] {strides = array<i32>} : memref<200x64xi32, #tpu.memory_space<vmem>>, vector<16xi32>,
        %bitcast3A_505 = vector.bitcast %get3A_504 : vector<16xi32> to vector<32xbf16>
        %mul3A_506 = arith.mulf %bitcast3A_501, %bitcast3A_505 : vector<32xbf16>
        %unpack3A_507 = tpu.unpack_subelements %mul3A_506, 0 {pack_format = #tpu.pack_format<interleaved>} : vector<32xbf16> -> vector<16xf32>
        %unpack3A_508 = tpu.unpack_subelements %mul3A_506, 1 {pack_format = #tpu.pack_format<interleaved>} : vector<32xbf16> -> vector<16xf32>
        %add3A_509 = arith.addf %add3A_496, %unpack3A_507 : vector<16xf32>
        %add3A_510 = arith.addf %add3A_497, %unpack3A_508 : vector<16xf32>
        %get3A_511 = arith.index_cast %add3A_471 : i32 to index
        %get3A_512 = arith.constant 48 : index
        %get3A_513 = tpu.vector_load %arg8[%get3A_511, %get3A_512] {strides = array<i32>} : memref<200x64xi32, #tpu.memory_space<vmem>>, vector<16xi32>,
        %bitcast3A_514 = vector.bitcast %get3A_513 : vector<16xi32> to vector<32xbf16>
        %get3A_515 = arith.index_cast %add3A_471 : i32 to index
        %get3A_516 = arith.constant 48 : index
        %get3A_517 = tpu.vector_load %arg9[%get3A_515, %get3A_516] {strides = array<i32>} : memref<200x64xi32, #tpu.memory_space<vmem>>, vector<16xi32>,
        %bitcast3A_518 = vector.bitcast %get3A_517 : vector<16xi32> to vector<32xbf16>
        %mul3A_519 = arith.mulf %bitcast3A_514, %bitcast3A_518 : vector<32xbf16>
        %unpack3A_520 = tpu.unpack_subelements %mul3A_519, 0 {pack_format = #tpu.pack_format<interleaved>} : vector<32xbf16> -> vector<16xf32>
        %unpack3A_521 = tpu.unpack_subelements %mul3A_519, 1 {pack_format = #tpu.pack_format<interleaved>} : vector<32xbf16> -> vector<16xf32>
        %add3A_522 = arith.addf %add3A_509, %unpack3A_520 : vector<16xf32>
        %add3A_523 = arith.addf %add3A_510, %unpack3A_521 : vector<16xf32>
        %add3A_524 = arith.addf %add3A_522, %add3A_523 : vector<16xf32>
        %swap3A_525 = arith.constant 6 : i32
        %swap3A_526 = arith.index_cast %swap3A_525 : i32 to index
        %swap3A_527 = arith.constant 0 : index
        %swap3A_528 = tpu.vector_load %arg14[%swap3A_526, %swap3A_527] {strides = array<i32>} : memref<16x17xf32, #tpu.memory_space<vmem>>, vector<16xf32>,
        tpu.vector_store %arg14[%swap3A_526, %swap3A_527], %add3A_524 {strides = array<i32>} : memref<16x17xf32, #tpu.memory_space<vmem>>, vector<16xf32>,
        %add3A_529 = arith.constant 7 : i32
        %add3A_530 = arith.addi %min3A_119, %add3A_529 : i32
        %get3A_531 = arith.index_cast %add3A_530 : i32 to index
        %get3A_532 = arith.constant 0 : index
        %get3A_533 = tpu.vector_load %arg8[%get3A_531, %get3A_532] {strides = array<i32>} : memref<200x64xi32, #tpu.memory_space<vmem>>, vector<16xi32>,
        %bitcast3A_534 = vector.bitcast %get3A_533 : vector<16xi32> to vector<32xbf16>
        %get3A_535 = arith.index_cast %add3A_530 : i32 to index
        %get3A_536 = arith.constant 0 : index
        %get3A_537 = tpu.vector_load %arg9[%get3A_535, %get3A_536] {strides = array<i32>} : memref<200x64xi32, #tpu.memory_space<vmem>>, vector<16xi32>,
        %bitcast3A_538 = vector.bitcast %get3A_537 : vector<16xi32> to vector<32xbf16>
        %mul3A_539 = arith.mulf %bitcast3A_534, %bitcast3A_538 : vector<32xbf16>
        %unpack3A_540 = tpu.unpack_subelements %mul3A_539, 0 {pack_format = #tpu.pack_format<interleaved>} : vector<32xbf16> -> vector<16xf32>
        %unpack3A_541 = tpu.unpack_subelements %mul3A_539, 1 {pack_format = #tpu.pack_format<interleaved>} : vector<32xbf16> -> vector<16xf32>
        %add3A_542 = arith.addf %broadcast_in_dim3A_3, %unpack3A_540 : vector<16xf32>
        %add3A_543 = arith.addf %broadcast_in_dim3A_3, %unpack3A_541 : vector<16xf32>
        %get3A_544 = arith.index_cast %add3A_530 : i32 to index
        %get3A_545 = arith.constant 16 : index
        %get3A_546 = tpu.vector_load %arg8[%get3A_544, %get3A_545] {strides = array<i32>} : memref<200x64xi32, #tpu.memory_space<vmem>>, vector<16xi32>,
        %bitcast3A_547 = vector.bitcast %get3A_546 : vector<16xi32> to vector<32xbf16>
        %get3A_548 = arith.index_cast %add3A_530 : i32 to index
        %get3A_549 = arith.constant 16 : index
        %get3A_550 = tpu.vector_load %arg9[%get3A_548, %get3A_549] {strides = array<i32>} : memref<200x64xi32, #tpu.memory_space<vmem>>, vector<16xi32>,
        %bitcast3A_551 = vector.bitcast %get3A_550 : vector<16xi32> to vector<32xbf16>
        %mul3A_552 = arith.mulf %bitcast3A_547, %bitcast3A_551 : vector<32xbf16>
        %unpack3A_553 = tpu.unpack_subelements %mul3A_552, 0 {pack_format = #tpu.pack_format<interleaved>} : vector<32xbf16> -> vector<16xf32>
        %unpack3A_554 = tpu.unpack_subelements %mul3A_552, 1 {pack_format = #tpu.pack_format<interleaved>} : vector<32xbf16> -> vector<16xf32>
        %add3A_555 = arith.addf %add3A_542, %unpack3A_553 : vector<16xf32>
        %add3A_556 = arith.addf %add3A_543, %unpack3A_554 : vector<16xf32>
        %get3A_557 = arith.index_cast %add3A_530 : i32 to index
        %get3A_558 = arith.constant 32 : index
        %get3A_559 = tpu.vector_load %arg8[%get3A_557, %get3A_558] {strides = array<i32>} : memref<200x64xi32, #tpu.memory_space<vmem>>, vector<16xi32>,
        %bitcast3A_560 = vector.bitcast %get3A_559 : vector<16xi32> to vector<32xbf16>
        %get3A_561 = arith.index_cast %add3A_530 : i32 to index
        %get3A_562 = arith.constant 32 : index
        %get3A_563 = tpu.vector_load %arg9[%get3A_561, %get3A_562] {strides = array<i32>} : memref<200x64xi32, #tpu.memory_space<vmem>>, vector<16xi32>,
        %bitcast3A_564 = vector.bitcast %get3A_563 : vector<16xi32> to vector<32xbf16>
        %mul3A_565 = arith.mulf %bitcast3A_560, %bitcast3A_564 : vector<32xbf16>
        %unpack3A_566 = tpu.unpack_subelements %mul3A_565, 0 {pack_format = #tpu.pack_format<interleaved>} : vector<32xbf16> -> vector<16xf32>
        %unpack3A_567 = tpu.unpack_subelements %mul3A_565, 1 {pack_format = #tpu.pack_format<interleaved>} : vector<32xbf16> -> vector<16xf32>
        %add3A_568 = arith.addf %add3A_555, %unpack3A_566 : vector<16xf32>
        %add3A_569 = arith.addf %add3A_556, %unpack3A_567 : vector<16xf32>
        %get3A_570 = arith.index_cast %add3A_530 : i32 to index
        %get3A_571 = arith.constant 48 : index
        %get3A_572 = tpu.vector_load %arg8[%get3A_570, %get3A_571] {strides = array<i32>} : memref<200x64xi32, #tpu.memory_space<vmem>>, vector<16xi32>,
        %bitcast3A_573 = vector.bitcast %get3A_572 : vector<16xi32> to vector<32xbf16>
        %get3A_574 = arith.index_cast %add3A_530 : i32 to index
        %get3A_575 = arith.constant 48 : index
        %get3A_576 = tpu.vector_load %arg9[%get3A_574, %get3A_575] {strides = array<i32>} : memref<200x64xi32, #tpu.memory_space<vmem>>, vector<16xi32>,
        %bitcast3A_577 = vector.bitcast %get3A_576 : vector<16xi32> to vector<32xbf16>
        %mul3A_578 = arith.mulf %bitcast3A_573, %bitcast3A_577 : vector<32xbf16>
        %unpack3A_579 = tpu.unpack_subelements %mul3A_578, 0 {pack_format = #tpu.pack_format<interleaved>} : vector<32xbf16> -> vector<16xf32>
        %unpack3A_580 = tpu.unpack_subelements %mul3A_578, 1 {pack_format = #tpu.pack_format<interleaved>} : vector<32xbf16> -> vector<16xf32>
        %add3A_581 = arith.addf %add3A_568, %unpack3A_579 : vector<16xf32>
        %add3A_582 = arith.addf %add3A_569, %unpack3A_580 : vector<16xf32>
        %add3A_583 = arith.addf %add3A_581, %add3A_582 : vector<16xf32>
        %swap3A_584 = arith.constant 7 : i32
        %swap3A_585 = arith.index_cast %swap3A_584 : i32 to index
        %swap3A_586 = arith.constant 0 : index
        %swap3A_587 = tpu.vector_load %arg14[%swap3A_585, %swap3A_586] {strides = array<i32>} : memref<16x17xf32, #tpu.memory_space<vmem>>, vector<16xf32>,
        tpu.vector_store %arg14[%swap3A_585, %swap3A_586], %add3A_583 {strides = array<i32>} : memref<16x17xf32, #tpu.memory_space<vmem>>, vector<16xf32>,
        %add3A_588 = arith.constant 8 : i32
        %add3A_589 = arith.addi %min3A_119, %add3A_588 : i32
        %get3A_590 = arith.index_cast %add3A_589 : i32 to index
        %get3A_591 = arith.constant 0 : index
        %get3A_592 = tpu.vector_load %arg8[%get3A_590, %get3A_591] {strides = array<i32>} : memref<200x64xi32, #tpu.memory_space<vmem>>, vector<16xi32>,
        %bitcast3A_593 = vector.bitcast %get3A_592 : vector<16xi32> to vector<32xbf16>
        %get3A_594 = arith.index_cast %add3A_589 : i32 to index
        %get3A_595 = arith.constant 0 : index
        %get3A_596 = tpu.vector_load %arg9[%get3A_594, %get3A_595] {strides = array<i32>} : memref<200x64xi32, #tpu.memory_space<vmem>>, vector<16xi32>,
        %bitcast3A_597 = vector.bitcast %get3A_596 : vector<16xi32> to vector<32xbf16>
        %mul3A_598 = arith.mulf %bitcast3A_593, %bitcast3A_597 : vector<32xbf16>
        %unpack3A_599 = tpu.unpack_subelements %mul3A_598, 0 {pack_format = #tpu.pack_format<interleaved>} : vector<32xbf16> -> vector<16xf32>
        %unpack3A_600 = tpu.unpack_subelements %mul3A_598, 1 {pack_format = #tpu.pack_format<interleaved>} : vector<32xbf16> -> vector<16xf32>
        %add3A_601 = arith.addf %broadcast_in_dim3A_3, %unpack3A_599 : vector<16xf32>
        %add3A_602 = arith.addf %broadcast_in_dim3A_3, %unpack3A_600 : vector<16xf32>
        %get3A_603 = arith.index_cast %add3A_589 : i32 to index
        %get3A_604 = arith.constant 16 : index
        %get3A_605 = tpu.vector_load %arg8[%get3A_603, %get3A_604] {strides = array<i32>} : memref<200x64xi32, #tpu.memory_space<vmem>>, vector<16xi32>,
        %bitcast3A_606 = vector.bitcast %get3A_605 : vector<16xi32> to vector<32xbf16>
        %get3A_607 = arith.index_cast %add3A_589 : i32 to index
        %get3A_608 = arith.constant 16 : index
        %get3A_609 = tpu.vector_load %arg9[%get3A_607, %get3A_608] {strides = array<i32>} : memref<200x64xi32, #tpu.memory_space<vmem>>, vector<16xi32>,
        %bitcast3A_610 = vector.bitcast %get3A_609 : vector<16xi32> to vector<32xbf16>
        %mul3A_611 = arith.mulf %bitcast3A_606, %bitcast3A_610 : vector<32xbf16>
        %unpack3A_612 = tpu.unpack_subelements %mul3A_611, 0 {pack_format = #tpu.pack_format<interleaved>} : vector<32xbf16> -> vector<16xf32>
        %unpack3A_613 = tpu.unpack_subelements %mul3A_611, 1 {pack_format = #tpu.pack_format<interleaved>} : vector<32xbf16> -> vector<16xf32>
        %add3A_614 = arith.addf %add3A_601, %unpack3A_612 : vector<16xf32>
        %add3A_615 = arith.addf %add3A_602, %unpack3A_613 : vector<16xf32>
        %get3A_616 = arith.index_cast %add3A_589 : i32 to index
        %get3A_617 = arith.constant 32 : index
        %get3A_618 = tpu.vector_load %arg8[%get3A_616, %get3A_617] {strides = array<i32>} : memref<200x64xi32, #tpu.memory_space<vmem>>, vector<16xi32>,
        %bitcast3A_619 = vector.bitcast %get3A_618 : vector<16xi32> to vector<32xbf16>
        %get3A_620 = arith.index_cast %add3A_589 : i32 to index
        %get3A_621 = arith.constant 32 : index
        %get3A_622 = tpu.vector_load %arg9[%get3A_620, %get3A_621] {strides = array<i32>} : memref<200x64xi32, #tpu.memory_space<vmem>>, vector<16xi32>,
        %bitcast3A_623 = vector.bitcast %get3A_622 : vector<16xi32> to vector<32xbf16>
        %mul3A_624 = arith.mulf %bitcast3A_619, %bitcast3A_623 : vector<32xbf16>
        %unpack3A_625 = tpu.unpack_subelements %mul3A_624, 0 {pack_format = #tpu.pack_format<interleaved>} : vector<32xbf16> -> vector<16xf32>
        %unpack3A_626 = tpu.unpack_subelements %mul3A_624, 1 {pack_format = #tpu.pack_format<interleaved>} : vector<32xbf16> -> vector<16xf32>
        %add3A_627 = arith.addf %add3A_614, %unpack3A_625 : vector<16xf32>
        %add3A_628 = arith.addf %add3A_615, %unpack3A_626 : vector<16xf32>
        %get3A_629 = arith.index_cast %add3A_589 : i32 to index
        %get3A_630 = arith.constant 48 : index
        %get3A_631 = tpu.vector_load %arg8[%get3A_629, %get3A_630] {strides = array<i32>} : memref<200x64xi32, #tpu.memory_space<vmem>>, vector<16xi32>,
        %bitcast3A_632 = vector.bitcast %get3A_631 : vector<16xi32> to vector<32xbf16>
        %get3A_633 = arith.index_cast %add3A_589 : i32 to index
        %get3A_634 = arith.constant 48 : index
        %get3A_635 = tpu.vector_load %arg9[%get3A_633, %get3A_634] {strides = array<i32>} : memref<200x64xi32, #tpu.memory_space<vmem>>, vector<16xi32>,
        %bitcast3A_636 = vector.bitcast %get3A_635 : vector<16xi32> to vector<32xbf16>
        %mul3A_637 = arith.mulf %bitcast3A_632, %bitcast3A_636 : vector<32xbf16>
        %unpack3A_638 = tpu.unpack_subelements %mul3A_637, 0 {pack_format = #tpu.pack_format<interleaved>} : vector<32xbf16> -> vector<16xf32>
        %unpack3A_639 = tpu.unpack_subelements %mul3A_637, 1 {pack_format = #tpu.pack_format<interleaved>} : vector<32xbf16> -> vector<16xf32>
        %add3A_640 = arith.addf %add3A_627, %unpack3A_638 : vector<16xf32>
        %add3A_641 = arith.addf %add3A_628, %unpack3A_639 : vector<16xf32>
        %add3A_642 = arith.addf %add3A_640, %add3A_641 : vector<16xf32>
        %swap3A_643 = arith.constant 8 : i32
        %swap3A_644 = arith.index_cast %swap3A_643 : i32 to index
        %swap3A_645 = arith.constant 0 : index
        %swap3A_646 = tpu.vector_load %arg14[%swap3A_644, %swap3A_645] {strides = array<i32>} : memref<16x17xf32, #tpu.memory_space<vmem>>, vector<16xf32>,
        tpu.vector_store %arg14[%swap3A_644, %swap3A_645], %add3A_642 {strides = array<i32>} : memref<16x17xf32, #tpu.memory_space<vmem>>, vector<16xf32>,
        %add3A_647 = arith.constant 9 : i32
        %add3A_648 = arith.addi %min3A_119, %add3A_647 : i32
        %get3A_649 = arith.index_cast %add3A_648 : i32 to index
        %get3A_650 = arith.constant 0 : index
        %get3A_651 = tpu.vector_load %arg8[%get3A_649, %get3A_650] {strides = array<i32>} : memref<200x64xi32, #tpu.memory_space<vmem>>, vector<16xi32>,
        %bitcast3A_652 = vector.bitcast %get3A_651 : vector<16xi32> to vector<32xbf16>
        %get3A_653 = arith.index_cast %add3A_648 : i32 to index
        %get3A_654 = arith.constant 0 : index
        %get3A_655 = tpu.vector_load %arg9[%get3A_653, %get3A_654] {strides = array<i32>} : memref<200x64xi32, #tpu.memory_space<vmem>>, vector<16xi32>,
        %bitcast3A_656 = vector.bitcast %get3A_655 : vector<16xi32> to vector<32xbf16>
        %mul3A_657 = arith.mulf %bitcast3A_652, %bitcast3A_656 : vector<32xbf16>
        %unpack3A_658 = tpu.unpack_subelements %mul3A_657, 0 {pack_format = #tpu.pack_format<interleaved>} : vector<32xbf16> -> vector<16xf32>
        %unpack3A_659 = tpu.unpack_subelements %mul3A_657, 1 {pack_format = #tpu.pack_format<interleaved>} : vector<32xbf16> -> vector<16xf32>
        %add3A_660 = arith.addf %broadcast_in_dim3A_3, %unpack3A_658 : vector<16xf32>
        %add3A_661 = arith.addf %broadcast_in_dim3A_3, %unpack3A_659 : vector<16xf32>
        %get3A_662 = arith.index_cast %add3A_648 : i32 to index
        %get3A_663 = arith.constant 16 : index
        %get3A_664 = tpu.vector_load %arg8[%get3A_662, %get3A_663] {strides = array<i32>} : memref<200x64xi32, #tpu.memory_space<vmem>>, vector<16xi32>,
        %bitcast3A_665 = vector.bitcast %get3A_664 : vector<16xi32> to vector<32xbf16>
        %get3A_666 = arith.index_cast %add3A_648 : i32 to index
        %get3A_667 = arith.constant 16 : index
        %get3A_668 = tpu.vector_load %arg9[%get3A_666, %get3A_667] {strides = array<i32>} : memref<200x64xi32, #tpu.memory_space<vmem>>, vector<16xi32>,
        %bitcast3A_669 = vector.bitcast %get3A_668 : vector<16xi32> to vector<32xbf16>
        %mul3A_670 = arith.mulf %bitcast3A_665, %bitcast3A_669 : vector<32xbf16>
        %unpack3A_671 = tpu.unpack_subelements %mul3A_670, 0 {pack_format = #tpu.pack_format<interleaved>} : vector<32xbf16> -> vector<16xf32>
        %unpack3A_672 = tpu.unpack_subelements %mul3A_670, 1 {pack_format = #tpu.pack_format<interleaved>} : vector<32xbf16> -> vector<16xf32>
        %add3A_673 = arith.addf %add3A_660, %unpack3A_671 : vector<16xf32>
        %add3A_674 = arith.addf %add3A_661, %unpack3A_672 : vector<16xf32>
        %get3A_675 = arith.index_cast %add3A_648 : i32 to index
        %get3A_676 = arith.constant 32 : index
        %get3A_677 = tpu.vector_load %arg8[%get3A_675, %get3A_676] {strides = array<i32>} : memref<200x64xi32, #tpu.memory_space<vmem>>, vector<16xi32>,
        %bitcast3A_678 = vector.bitcast %get3A_677 : vector<16xi32> to vector<32xbf16>
        %get3A_679 = arith.index_cast %add3A_648 : i32 to index
        %get3A_680 = arith.constant 32 : index
        %get3A_681 = tpu.vector_load %arg9[%get3A_679, %get3A_680] {strides = array<i32>} : memref<200x64xi32, #tpu.memory_space<vmem>>, vector<16xi32>,
        %bitcast3A_682 = vector.bitcast %get3A_681 : vector<16xi32> to vector<32xbf16>
        %mul3A_683 = arith.mulf %bitcast3A_678, %bitcast3A_682 : vector<32xbf16>
        %unpack3A_684 = tpu.unpack_subelements %mul3A_683, 0 {pack_format = #tpu.pack_format<interleaved>} : vector<32xbf16> -> vector<16xf32>
        %unpack3A_685 = tpu.unpack_subelements %mul3A_683, 1 {pack_format = #tpu.pack_format<interleaved>} : vector<32xbf16> -> vector<16xf32>
        %add3A_686 = arith.addf %add3A_673, %unpack3A_684 : vector<16xf32>
        %add3A_687 = arith.addf %add3A_674, %unpack3A_685 : vector<16xf32>
        %get3A_688 = arith.index_cast %add3A_648 : i32 to index
        %get3A_689 = arith.constant 48 : index
        %get3A_690 = tpu.vector_load %arg8[%get3A_688, %get3A_689] {strides = array<i32>} : memref<200x64xi32, #tpu.memory_space<vmem>>, vector<16xi32>,
        %bitcast3A_691 = vector.bitcast %get3A_690 : vector<16xi32> to vector<32xbf16>
        %get3A_692 = arith.index_cast %add3A_648 : i32 to index
        %get3A_693 = arith.constant 48 : index
        %get3A_694 = tpu.vector_load %arg9[%get3A_692, %get3A_693] {strides = array<i32>} : memref<200x64xi32, #tpu.memory_space<vmem>>, vector<16xi32>,
        %bitcast3A_695 = vector.bitcast %get3A_694 : vector<16xi32> to vector<32xbf16>
        %mul3A_696 = arith.mulf %bitcast3A_691, %bitcast3A_695 : vector<32xbf16>
        %unpack3A_697 = tpu.unpack_subelements %mul3A_696, 0 {pack_format = #tpu.pack_format<interleaved>} : vector<32xbf16> -> vector<16xf32>
        %unpack3A_698 = tpu.unpack_subelements %mul3A_696, 1 {pack_format = #tpu.pack_format<interleaved>} : vector<32xbf16> -> vector<16xf32>
        %add3A_699 = arith.addf %add3A_686, %unpack3A_697 : vector<16xf32>
        %add3A_700 = arith.addf %add3A_687, %unpack3A_698 : vector<16xf32>
        %add3A_701 = arith.addf %add3A_699, %add3A_700 : vector<16xf32>
        %swap3A_702 = arith.constant 9 : i32
        %swap3A_703 = arith.index_cast %swap3A_702 : i32 to index
        %swap3A_704 = arith.constant 0 : index
        %swap3A_705 = tpu.vector_load %arg14[%swap3A_703, %swap3A_704] {strides = array<i32>} : memref<16x17xf32, #tpu.memory_space<vmem>>, vector<16xf32>,
        tpu.vector_store %arg14[%swap3A_703, %swap3A_704], %add3A_701 {strides = array<i32>} : memref<16x17xf32, #tpu.memory_space<vmem>>, vector<16xf32>,
        %add3A_706 = arith.constant 10 : i32
        %add3A_707 = arith.addi %min3A_119, %add3A_706 : i32
        %get3A_708 = arith.index_cast %add3A_707 : i32 to index
        %get3A_709 = arith.constant 0 : index
        %get3A_710 = tpu.vector_load %arg8[%get3A_708, %get3A_709] {strides = array<i32>} : memref<200x64xi32, #tpu.memory_space<vmem>>, vector<16xi32>,
        %bitcast3A_711 = vector.bitcast %get3A_710 : vector<16xi32> to vector<32xbf16>
        %get3A_712 = arith.index_cast %add3A_707 : i32 to index
        %get3A_713 = arith.constant 0 : index
        %get3A_714 = tpu.vector_load %arg9[%get3A_712, %get3A_713] {strides = array<i32>} : memref<200x64xi32, #tpu.memory_space<vmem>>, vector<16xi32>,
        %bitcast3A_715 = vector.bitcast %get3A_714 : vector<16xi32> to vector<32xbf16>
        %mul3A_716 = arith.mulf %bitcast3A_711, %bitcast3A_715 : vector<32xbf16>
        %unpack3A_717 = tpu.unpack_subelements %mul3A_716, 0 {pack_format = #tpu.pack_format<interleaved>} : vector<32xbf16> -> vector<16xf32>
        %unpack3A_718 = tpu.unpack_subelements %mul3A_716, 1 {pack_format = #tpu.pack_format<interleaved>} : vector<32xbf16> -> vector<16xf32>
        %add3A_719 = arith.addf %broadcast_in_dim3A_3, %unpack3A_717 : vector<16xf32>
        %add3A_720 = arith.addf %broadcast_in_dim3A_3, %unpack3A_718 : vector<16xf32>
        %get3A_721 = arith.index_cast %add3A_707 : i32 to index
        %get3A_722 = arith.constant 16 : index
        %get3A_723 = tpu.vector_load %arg8[%get3A_721, %get3A_722] {strides = array<i32>} : memref<200x64xi32, #tpu.memory_space<vmem>>, vector<16xi32>,
        %bitcast3A_724 = vector.bitcast %get3A_723 : vector<16xi32> to vector<32xbf16>
        %get3A_725 = arith.index_cast %add3A_707 : i32 to index
        %get3A_726 = arith.constant 16 : index
        %get3A_727 = tpu.vector_load %arg9[%get3A_725, %get3A_726] {strides = array<i32>} : memref<200x64xi32, #tpu.memory_space<vmem>>, vector<16xi32>,
        %bitcast3A_728 = vector.bitcast %get3A_727 : vector<16xi32> to vector<32xbf16>
        %mul3A_729 = arith.mulf %bitcast3A_724, %bitcast3A_728 : vector<32xbf16>
        %unpack3A_730 = tpu.unpack_subelements %mul3A_729, 0 {pack_format = #tpu.pack_format<interleaved>} : vector<32xbf16> -> vector<16xf32>
        %unpack3A_731 = tpu.unpack_subelements %mul3A_729, 1 {pack_format = #tpu.pack_format<interleaved>} : vector<32xbf16> -> vector<16xf32>
        %add3A_732 = arith.addf %add3A_719, %unpack3A_730 : vector<16xf32>
        %add3A_733 = arith.addf %add3A_720, %unpack3A_731 : vector<16xf32>
        %get3A_734 = arith.index_cast %add3A_707 : i32 to index
        %get3A_735 = arith.constant 32 : index
        %get3A_736 = tpu.vector_load %arg8[%get3A_734, %get3A_735] {strides = array<i32>} : memref<200x64xi32, #tpu.memory_space<vmem>>, vector<16xi32>,
        %bitcast3A_737 = vector.bitcast %get3A_736 : vector<16xi32> to vector<32xbf16>
        %get3A_738 = arith.index_cast %add3A_707 : i32 to index
        %get3A_739 = arith.constant 32 : index
        %get3A_740 = tpu.vector_load %arg9[%get3A_738, %get3A_739] {strides = array<i32>} : memref<200x64xi32, #tpu.memory_space<vmem>>, vector<16xi32>,
        %bitcast3A_741 = vector.bitcast %get3A_740 : vector<16xi32> to vector<32xbf16>
        %mul3A_742 = arith.mulf %bitcast3A_737, %bitcast3A_741 : vector<32xbf16>
        %unpack3A_743 = tpu.unpack_subelements %mul3A_742, 0 {pack_format = #tpu.pack_format<interleaved>} : vector<32xbf16> -> vector<16xf32>
        %unpack3A_744 = tpu.unpack_subelements %mul3A_742, 1 {pack_format = #tpu.pack_format<interleaved>} : vector<32xbf16> -> vector<16xf32>
        %add3A_745 = arith.addf %add3A_732, %unpack3A_743 : vector<16xf32>
        %add3A_746 = arith.addf %add3A_733, %unpack3A_744 : vector<16xf32>
        %get3A_747 = arith.index_cast %add3A_707 : i32 to index
        %get3A_748 = arith.constant 48 : index
        %get3A_749 = tpu.vector_load %arg8[%get3A_747, %get3A_748] {strides = array<i32>} : memref<200x64xi32, #tpu.memory_space<vmem>>, vector<16xi32>,
        %bitcast3A_750 = vector.bitcast %get3A_749 : vector<16xi32> to vector<32xbf16>
        %get3A_751 = arith.index_cast %add3A_707 : i32 to index
        %get3A_752 = arith.constant 48 : index
        %get3A_753 = tpu.vector_load %arg9[%get3A_751, %get3A_752] {strides = array<i32>} : memref<200x64xi32, #tpu.memory_space<vmem>>, vector<16xi32>,
        %bitcast3A_754 = vector.bitcast %get3A_753 : vector<16xi32> to vector<32xbf16>
        %mul3A_755 = arith.mulf %bitcast3A_750, %bitcast3A_754 : vector<32xbf16>
        %unpack3A_756 = tpu.unpack_subelements %mul3A_755, 0 {pack_format = #tpu.pack_format<interleaved>} : vector<32xbf16> -> vector<16xf32>
        %unpack3A_757 = tpu.unpack_subelements %mul3A_755, 1 {pack_format = #tpu.pack_format<interleaved>} : vector<32xbf16> -> vector<16xf32>
        %add3A_758 = arith.addf %add3A_745, %unpack3A_756 : vector<16xf32>
        %add3A_759 = arith.addf %add3A_746, %unpack3A_757 : vector<16xf32>
        %add3A_760 = arith.addf %add3A_758, %add3A_759 : vector<16xf32>
        %swap3A_761 = arith.constant 10 : i32
        %swap3A_762 = arith.index_cast %swap3A_761 : i32 to index
        %swap3A_763 = arith.constant 0 : index
        %swap3A_764 = tpu.vector_load %arg14[%swap3A_762, %swap3A_763] {strides = array<i32>} : memref<16x17xf32, #tpu.memory_space<vmem>>, vector<16xf32>,
        tpu.vector_store %arg14[%swap3A_762, %swap3A_763], %add3A_760 {strides = array<i32>} : memref<16x17xf32, #tpu.memory_space<vmem>>, vector<16xf32>,
        %add3A_765 = arith.constant 11 : i32
        %add3A_766 = arith.addi %min3A_119, %add3A_765 : i32
        %get3A_767 = arith.index_cast %add3A_766 : i32 to index
        %get3A_768 = arith.constant 0 : index
        %get3A_769 = tpu.vector_load %arg8[%get3A_767, %get3A_768] {strides = array<i32>} : memref<200x64xi32, #tpu.memory_space<vmem>>, vector<16xi32>,
        %bitcast3A_770 = vector.bitcast %get3A_769 : vector<16xi32> to vector<32xbf16>
        %get3A_771 = arith.index_cast %add3A_766 : i32 to index
        %get3A_772 = arith.constant 0 : index
        %get3A_773 = tpu.vector_load %arg9[%get3A_771, %get3A_772] {strides = array<i32>} : memref<200x64xi32, #tpu.memory_space<vmem>>, vector<16xi32>,
        %bitcast3A_774 = vector.bitcast %get3A_773 : vector<16xi32> to vector<32xbf16>
        %mul3A_775 = arith.mulf %bitcast3A_770, %bitcast3A_774 : vector<32xbf16>
        %unpack3A_776 = tpu.unpack_subelements %mul3A_775, 0 {pack_format = #tpu.pack_format<interleaved>} : vector<32xbf16> -> vector<16xf32>
        %unpack3A_777 = tpu.unpack_subelements %mul3A_775, 1 {pack_format = #tpu.pack_format<interleaved>} : vector<32xbf16> -> vector<16xf32>
        %add3A_778 = arith.addf %broadcast_in_dim3A_3, %unpack3A_776 : vector<16xf32>
        %add3A_779 = arith.addf %broadcast_in_dim3A_3, %unpack3A_777 : vector<16xf32>
        %get3A_780 = arith.index_cast %add3A_766 : i32 to index
        %get3A_781 = arith.constant 16 : index
        %get3A_782 = tpu.vector_load %arg8[%get3A_780, %get3A_781] {strides = array<i32>} : memref<200x64xi32, #tpu.memory_space<vmem>>, vector<16xi32>,
        %bitcast3A_783 = vector.bitcast %get3A_782 : vector<16xi32> to vector<32xbf16>
        %get3A_784 = arith.index_cast %add3A_766 : i32 to index
        %get3A_785 = arith.constant 16 : index
        %get3A_786 = tpu.vector_load %arg9[%get3A_784, %get3A_785] {strides = array<i32>} : memref<200x64xi32, #tpu.memory_space<vmem>>, vector<16xi32>,
        %bitcast3A_787 = vector.bitcast %get3A_786 : vector<16xi32> to vector<32xbf16>
        %mul3A_788 = arith.mulf %bitcast3A_783, %bitcast3A_787 : vector<32xbf16>
        %unpack3A_789 = tpu.unpack_subelements %mul3A_788, 0 {pack_format = #tpu.pack_format<interleaved>} : vector<32xbf16> -> vector<16xf32>
        %unpack3A_790 = tpu.unpack_subelements %mul3A_788, 1 {pack_format = #tpu.pack_format<interleaved>} : vector<32xbf16> -> vector<16xf32>
        %add3A_791 = arith.addf %add3A_778, %unpack3A_789 : vector<16xf32>
        %add3A_792 = arith.addf %add3A_779, %unpack3A_790 : vector<16xf32>
        %get3A_793 = arith.index_cast %add3A_766 : i32 to index
        %get3A_794 = arith.constant 32 : index
        %get3A_795 = tpu.vector_load %arg8[%get3A_793, %get3A_794] {strides = array<i32>} : memref<200x64xi32, #tpu.memory_space<vmem>>, vector<16xi32>,
        %bitcast3A_796 = vector.bitcast %get3A_795 : vector<16xi32> to vector<32xbf16>
        %get3A_797 = arith.index_cast %add3A_766 : i32 to index
        %get3A_798 = arith.constant 32 : index
        %get3A_799 = tpu.vector_load %arg9[%get3A_797, %get3A_798] {strides = array<i32>} : memref<200x64xi32, #tpu.memory_space<vmem>>, vector<16xi32>,
        %bitcast3A_800 = vector.bitcast %get3A_799 : vector<16xi32> to vector<32xbf16>
        %mul3A_801 = arith.mulf %bitcast3A_796, %bitcast3A_800 : vector<32xbf16>
        %unpack3A_802 = tpu.unpack_subelements %mul3A_801, 0 {pack_format = #tpu.pack_format<interleaved>} : vector<32xbf16> -> vector<16xf32>
        %unpack3A_803 = tpu.unpack_subelements %mul3A_801, 1 {pack_format = #tpu.pack_format<interleaved>} : vector<32xbf16> -> vector<16xf32>
        %add3A_804 = arith.addf %add3A_791, %unpack3A_802 : vector<16xf32>
        %add3A_805 = arith.addf %add3A_792, %unpack3A_803 : vector<16xf32>
        %get3A_806 = arith.index_cast %add3A_766 : i32 to index
        %get3A_807 = arith.constant 48 : index
        %get3A_808 = tpu.vector_load %arg8[%get3A_806, %get3A_807] {strides = array<i32>} : memref<200x64xi32, #tpu.memory_space<vmem>>, vector<16xi32>,
        %bitcast3A_809 = vector.bitcast %get3A_808 : vector<16xi32> to vector<32xbf16>
        %get3A_810 = arith.index_cast %add3A_766 : i32 to index
        %get3A_811 = arith.constant 48 : index
        %get3A_812 = tpu.vector_load %arg9[%get3A_810, %get3A_811] {strides = array<i32>} : memref<200x64xi32, #tpu.memory_space<vmem>>, vector<16xi32>,
        %bitcast3A_813 = vector.bitcast %get3A_812 : vector<16xi32> to vector<32xbf16>
        %mul3A_814 = arith.mulf %bitcast3A_809, %bitcast3A_813 : vector<32xbf16>
        %unpack3A_815 = tpu.unpack_subelements %mul3A_814, 0 {pack_format = #tpu.pack_format<interleaved>} : vector<32xbf16> -> vector<16xf32>
        %unpack3A_816 = tpu.unpack_subelements %mul3A_814, 1 {pack_format = #tpu.pack_format<interleaved>} : vector<32xbf16> -> vector<16xf32>
        %add3A_817 = arith.addf %add3A_804, %unpack3A_815 : vector<16xf32>
        %add3A_818 = arith.addf %add3A_805, %unpack3A_816 : vector<16xf32>
        %add3A_819 = arith.addf %add3A_817, %add3A_818 : vector<16xf32>
        %swap3A_820 = arith.constant 11 : i32
        %swap3A_821 = arith.index_cast %swap3A_820 : i32 to index
        %swap3A_822 = arith.constant 0 : index
        %swap3A_823 = tpu.vector_load %arg14[%swap3A_821, %swap3A_822] {strides = array<i32>} : memref<16x17xf32, #tpu.memory_space<vmem>>, vector<16xf32>,
        tpu.vector_store %arg14[%swap3A_821, %swap3A_822], %add3A_819 {strides = array<i32>} : memref<16x17xf32, #tpu.memory_space<vmem>>, vector<16xf32>,
        %add3A_824 = arith.constant 12 : i32
        %add3A_825 = arith.addi %min3A_119, %add3A_824 : i32
        %get3A_826 = arith.index_cast %add3A_825 : i32 to index
        %get3A_827 = arith.constant 0 : index
        %get3A_828 = tpu.vector_load %arg8[%get3A_826, %get3A_827] {strides = array<i32>} : memref<200x64xi32, #tpu.memory_space<vmem>>, vector<16xi32>,
        %bitcast3A_829 = vector.bitcast %get3A_828 : vector<16xi32> to vector<32xbf16>
        %get3A_830 = arith.index_cast %add3A_825 : i32 to index
        %get3A_831 = arith.constant 0 : index
        %get3A_832 = tpu.vector_load %arg9[%get3A_830, %get3A_831] {strides = array<i32>} : memref<200x64xi32, #tpu.memory_space<vmem>>, vector<16xi32>,
        %bitcast3A_833 = vector.bitcast %get3A_832 : vector<16xi32> to vector<32xbf16>
        %mul3A_834 = arith.mulf %bitcast3A_829, %bitcast3A_833 : vector<32xbf16>
        %unpack3A_835 = tpu.unpack_subelements %mul3A_834, 0 {pack_format = #tpu.pack_format<interleaved>} : vector<32xbf16> -> vector<16xf32>
        %unpack3A_836 = tpu.unpack_subelements %mul3A_834, 1 {pack_format = #tpu.pack_format<interleaved>} : vector<32xbf16> -> vector<16xf32>
        %add3A_837 = arith.addf %broadcast_in_dim3A_3, %unpack3A_835 : vector<16xf32>
        %add3A_838 = arith.addf %broadcast_in_dim3A_3, %unpack3A_836 : vector<16xf32>
        %get3A_839 = arith.index_cast %add3A_825 : i32 to index
        %get3A_840 = arith.constant 16 : index
        %get3A_841 = tpu.vector_load %arg8[%get3A_839, %get3A_840] {strides = array<i32>} : memref<200x64xi32, #tpu.memory_space<vmem>>, vector<16xi32>,
        %bitcast3A_842 = vector.bitcast %get3A_841 : vector<16xi32> to vector<32xbf16>
        %get3A_843 = arith.index_cast %add3A_825 : i32 to index
        %get3A_844 = arith.constant 16 : index
        %get3A_845 = tpu.vector_load %arg9[%get3A_843, %get3A_844] {strides = array<i32>} : memref<200x64xi32, #tpu.memory_space<vmem>>, vector<16xi32>,
        %bitcast3A_846 = vector.bitcast %get3A_845 : vector<16xi32> to vector<32xbf16>
        %mul3A_847 = arith.mulf %bitcast3A_842, %bitcast3A_846 : vector<32xbf16>
        %unpack3A_848 = tpu.unpack_subelements %mul3A_847, 0 {pack_format = #tpu.pack_format<interleaved>} : vector<32xbf16> -> vector<16xf32>
        %unpack3A_849 = tpu.unpack_subelements %mul3A_847, 1 {pack_format = #tpu.pack_format<interleaved>} : vector<32xbf16> -> vector<16xf32>
        %add3A_850 = arith.addf %add3A_837, %unpack3A_848 : vector<16xf32>
        %add3A_851 = arith.addf %add3A_838, %unpack3A_849 : vector<16xf32>
        %get3A_852 = arith.index_cast %add3A_825 : i32 to index
        %get3A_853 = arith.constant 32 : index
        %get3A_854 = tpu.vector_load %arg8[%get3A_852, %get3A_853] {strides = array<i32>} : memref<200x64xi32, #tpu.memory_space<vmem>>, vector<16xi32>,
        %bitcast3A_855 = vector.bitcast %get3A_854 : vector<16xi32> to vector<32xbf16>
        %get3A_856 = arith.index_cast %add3A_825 : i32 to index
        %get3A_857 = arith.constant 32 : index
        %get3A_858 = tpu.vector_load %arg9[%get3A_856, %get3A_857] {strides = array<i32>} : memref<200x64xi32, #tpu.memory_space<vmem>>, vector<16xi32>,
        %bitcast3A_859 = vector.bitcast %get3A_858 : vector<16xi32> to vector<32xbf16>
        %mul3A_860 = arith.mulf %bitcast3A_855, %bitcast3A_859 : vector<32xbf16>
        %unpack3A_861 = tpu.unpack_subelements %mul3A_860, 0 {pack_format = #tpu.pack_format<interleaved>} : vector<32xbf16> -> vector<16xf32>
        %unpack3A_862 = tpu.unpack_subelements %mul3A_860, 1 {pack_format = #tpu.pack_format<interleaved>} : vector<32xbf16> -> vector<16xf32>
        %add3A_863 = arith.addf %add3A_850, %unpack3A_861 : vector<16xf32>
        %add3A_864 = arith.addf %add3A_851, %unpack3A_862 : vector<16xf32>
        %get3A_865 = arith.index_cast %add3A_825 : i32 to index
        %get3A_866 = arith.constant 48 : index
        %get3A_867 = tpu.vector_load %arg8[%get3A_865, %get3A_866] {strides = array<i32>} : memref<200x64xi32, #tpu.memory_space<vmem>>, vector<16xi32>,
        %bitcast3A_868 = vector.bitcast %get3A_867 : vector<16xi32> to vector<32xbf16>
        %get3A_869 = arith.index_cast %add3A_825 : i32 to index
        %get3A_870 = arith.constant 48 : index
        %get3A_871 = tpu.vector_load %arg9[%get3A_869, %get3A_870] {strides = array<i32>} : memref<200x64xi32, #tpu.memory_space<vmem>>, vector<16xi32>,
        %bitcast3A_872 = vector.bitcast %get3A_871 : vector<16xi32> to vector<32xbf16>
        %mul3A_873 = arith.mulf %bitcast3A_868, %bitcast3A_872 : vector<32xbf16>
        %unpack3A_874 = tpu.unpack_subelements %mul3A_873, 0 {pack_format = #tpu.pack_format<interleaved>} : vector<32xbf16> -> vector<16xf32>
        %unpack3A_875 = tpu.unpack_subelements %mul3A_873, 1 {pack_format = #tpu.pack_format<interleaved>} : vector<32xbf16> -> vector<16xf32>
        %add3A_876 = arith.addf %add3A_863, %unpack3A_874 : vector<16xf32>
        %add3A_877 = arith.addf %add3A_864, %unpack3A_875 : vector<16xf32>
        %add3A_878 = arith.addf %add3A_876, %add3A_877 : vector<16xf32>
        %swap3A_879 = arith.constant 12 : i32
        %swap3A_880 = arith.index_cast %swap3A_879 : i32 to index
        %swap3A_881 = arith.constant 0 : index
        %swap3A_882 = tpu.vector_load %arg14[%swap3A_880, %swap3A_881] {strides = array<i32>} : memref<16x17xf32, #tpu.memory_space<vmem>>, vector<16xf32>,
        tpu.vector_store %arg14[%swap3A_880, %swap3A_881], %add3A_878 {strides = array<i32>} : memref<16x17xf32, #tpu.memory_space<vmem>>, vector<16xf32>,
        %add3A_883 = arith.constant 13 : i32
        %add3A_884 = arith.addi %min3A_119, %add3A_883 : i32
        %get3A_885 = arith.index_cast %add3A_884 : i32 to index
        %get3A_886 = arith.constant 0 : index
        %get3A_887 = tpu.vector_load %arg8[%get3A_885, %get3A_886] {strides = array<i32>} : memref<200x64xi32, #tpu.memory_space<vmem>>, vector<16xi32>,
        %bitcast3A_888 = vector.bitcast %get3A_887 : vector<16xi32> to vector<32xbf16>
        %get3A_889 = arith.index_cast %add3A_884 : i32 to index
        %get3A_890 = arith.constant 0 : index
        %get3A_891 = tpu.vector_load %arg9[%get3A_889, %get3A_890] {strides = array<i32>} : memref<200x64xi32, #tpu.memory_space<vmem>>, vector<16xi32>,
        %bitcast3A_892 = vector.bitcast %get3A_891 : vector<16xi32> to vector<32xbf16>
        %mul3A_893 = arith.mulf %bitcast3A_888, %bitcast3A_892 : vector<32xbf16>
        %unpack3A_894 = tpu.unpack_subelements %mul3A_893, 0 {pack_format = #tpu.pack_format<interleaved>} : vector<32xbf16> -> vector<16xf32>
        %unpack3A_895 = tpu.unpack_subelements %mul3A_893, 1 {pack_format = #tpu.pack_format<interleaved>} : vector<32xbf16> -> vector<16xf32>
        %add3A_896 = arith.addf %broadcast_in_dim3A_3, %unpack3A_894 : vector<16xf32>
        %add3A_897 = arith.addf %broadcast_in_dim3A_3, %unpack3A_895 : vector<16xf32>
        %get3A_898 = arith.index_cast %add3A_884 : i32 to index
        %get3A_899 = arith.constant 16 : index
        %get3A_900 = tpu.vector_load %arg8[%get3A_898, %get3A_899] {strides = array<i32>} : memref<200x64xi32, #tpu.memory_space<vmem>>, vector<16xi32>,
        %bitcast3A_901 = vector.bitcast %get3A_900 : vector<16xi32> to vector<32xbf16>
        %get3A_902 = arith.index_cast %add3A_884 : i32 to index
        %get3A_903 = arith.constant 16 : index
        %get3A_904 = tpu.vector_load %arg9[%get3A_902, %get3A_903] {strides = array<i32>} : memref<200x64xi32, #tpu.memory_space<vmem>>, vector<16xi32>,
        %bitcast3A_905 = vector.bitcast %get3A_904 : vector<16xi32> to vector<32xbf16>
        %mul3A_906 = arith.mulf %bitcast3A_901, %bitcast3A_905 : vector<32xbf16>
        %unpack3A_907 = tpu.unpack_subelements %mul3A_906, 0 {pack_format = #tpu.pack_format<interleaved>} : vector<32xbf16> -> vector<16xf32>
        %unpack3A_908 = tpu.unpack_subelements %mul3A_906, 1 {pack_format = #tpu.pack_format<interleaved>} : vector<32xbf16> -> vector<16xf32>
        %add3A_909 = arith.addf %add3A_896, %unpack3A_907 : vector<16xf32>
        %add3A_910 = arith.addf %add3A_897, %unpack3A_908 : vector<16xf32>
        %get3A_911 = arith.index_cast %add3A_884 : i32 to index
        %get3A_912 = arith.constant 32 : index
        %get3A_913 = tpu.vector_load %arg8[%get3A_911, %get3A_912] {strides = array<i32>} : memref<200x64xi32, #tpu.memory_space<vmem>>, vector<16xi32>,
        %bitcast3A_914 = vector.bitcast %get3A_913 : vector<16xi32> to vector<32xbf16>
        %get3A_915 = arith.index_cast %add3A_884 : i32 to index
        %get3A_916 = arith.constant 32 : index
        %get3A_917 = tpu.vector_load %arg9[%get3A_915, %get3A_916] {strides = array<i32>} : memref<200x64xi32, #tpu.memory_space<vmem>>, vector<16xi32>,
        %bitcast3A_918 = vector.bitcast %get3A_917 : vector<16xi32> to vector<32xbf16>
        %mul3A_919 = arith.mulf %bitcast3A_914, %bitcast3A_918 : vector<32xbf16>
        %unpack3A_920 = tpu.unpack_subelements %mul3A_919, 0 {pack_format = #tpu.pack_format<interleaved>} : vector<32xbf16> -> vector<16xf32>
        %unpack3A_921 = tpu.unpack_subelements %mul3A_919, 1 {pack_format = #tpu.pack_format<interleaved>} : vector<32xbf16> -> vector<16xf32>
        %add3A_922 = arith.addf %add3A_909, %unpack3A_920 : vector<16xf32>
        %add3A_923 = arith.addf %add3A_910, %unpack3A_921 : vector<16xf32>
        %get3A_924 = arith.index_cast %add3A_884 : i32 to index
        %get3A_925 = arith.constant 48 : index
        %get3A_926 = tpu.vector_load %arg8[%get3A_924, %get3A_925] {strides = array<i32>} : memref<200x64xi32, #tpu.memory_space<vmem>>, vector<16xi32>,
        %bitcast3A_927 = vector.bitcast %get3A_926 : vector<16xi32> to vector<32xbf16>
        %get3A_928 = arith.index_cast %add3A_884 : i32 to index
        %get3A_929 = arith.constant 48 : index
        %get3A_930 = tpu.vector_load %arg9[%get3A_928, %get3A_929] {strides = array<i32>} : memref<200x64xi32, #tpu.memory_space<vmem>>, vector<16xi32>,
        %bitcast3A_931 = vector.bitcast %get3A_930 : vector<16xi32> to vector<32xbf16>
        %mul3A_932 = arith.mulf %bitcast3A_927, %bitcast3A_931 : vector<32xbf16>
        %unpack3A_933 = tpu.unpack_subelements %mul3A_932, 0 {pack_format = #tpu.pack_format<interleaved>} : vector<32xbf16> -> vector<16xf32>
        %unpack3A_934 = tpu.unpack_subelements %mul3A_932, 1 {pack_format = #tpu.pack_format<interleaved>} : vector<32xbf16> -> vector<16xf32>
        %add3A_935 = arith.addf %add3A_922, %unpack3A_933 : vector<16xf32>
        %add3A_936 = arith.addf %add3A_923, %unpack3A_934 : vector<16xf32>
        %add3A_937 = arith.addf %add3A_935, %add3A_936 : vector<16xf32>
        %swap3A_938 = arith.constant 13 : i32
        %swap3A_939 = arith.index_cast %swap3A_938 : i32 to index
        %swap3A_940 = arith.constant 0 : index
        %swap3A_941 = tpu.vector_load %arg14[%swap3A_939, %swap3A_940] {strides = array<i32>} : memref<16x17xf32, #tpu.memory_space<vmem>>, vector<16xf32>,
        tpu.vector_store %arg14[%swap3A_939, %swap3A_940], %add3A_937 {strides = array<i32>} : memref<16x17xf32, #tpu.memory_space<vmem>>, vector<16xf32>,
        %add3A_942 = arith.constant 14 : i32
        %add3A_943 = arith.addi %min3A_119, %add3A_942 : i32
        %get3A_944 = arith.index_cast %add3A_943 : i32 to index
        %get3A_945 = arith.constant 0 : index
        %get3A_946 = tpu.vector_load %arg8[%get3A_944, %get3A_945] {strides = array<i32>} : memref<200x64xi32, #tpu.memory_space<vmem>>, vector<16xi32>,
        %bitcast3A_947 = vector.bitcast %get3A_946 : vector<16xi32> to vector<32xbf16>
        %get3A_948 = arith.index_cast %add3A_943 : i32 to index
        %get3A_949 = arith.constant 0 : index
        %get3A_950 = tpu.vector_load %arg9[%get3A_948, %get3A_949] {strides = array<i32>} : memref<200x64xi32, #tpu.memory_space<vmem>>, vector<16xi32>,
        %bitcast3A_951 = vector.bitcast %get3A_950 : vector<16xi32> to vector<32xbf16>
        %mul3A_952 = arith.mulf %bitcast3A_947, %bitcast3A_951 : vector<32xbf16>
        %unpack3A_953 = tpu.unpack_subelements %mul3A_952, 0 {pack_format = #tpu.pack_format<interleaved>} : vector<32xbf16> -> vector<16xf32>
        %unpack3A_954 = tpu.unpack_subelements %mul3A_952, 1 {pack_format = #tpu.pack_format<interleaved>} : vector<32xbf16> -> vector<16xf32>
        %add3A_955 = arith.addf %broadcast_in_dim3A_3, %unpack3A_953 : vector<16xf32>
        %add3A_956 = arith.addf %broadcast_in_dim3A_3, %unpack3A_954 : vector<16xf32>
        %get3A_957 = arith.index_cast %add3A_943 : i32 to index
        %get3A_958 = arith.constant 16 : index
        %get3A_959 = tpu.vector_load %arg8[%get3A_957, %get3A_958] {strides = array<i32>} : memref<200x64xi32, #tpu.memory_space<vmem>>, vector<16xi32>,
        %bitcast3A_960 = vector.bitcast %get3A_959 : vector<16xi32> to vector<32xbf16>
        %get3A_961 = arith.index_cast %add3A_943 : i32 to index
        %get3A_962 = arith.constant 16 : index
        %get3A_963 = tpu.vector_load %arg9[%get3A_961, %get3A_962] {strides = array<i32>} : memref<200x64xi32, #tpu.memory_space<vmem>>, vector<16xi32>,
        %bitcast3A_964 = vector.bitcast %get3A_963 : vector<16xi32> to vector<32xbf16>
        %mul3A_965 = arith.mulf %bitcast3A_960, %bitcast3A_964 : vector<32xbf16>
        %unpack3A_966 = tpu.unpack_subelements %mul3A_965, 0 {pack_format = #tpu.pack_format<interleaved>} : vector<32xbf16> -> vector<16xf32>
        %unpack3A_967 = tpu.unpack_subelements %mul3A_965, 1 {pack_format = #tpu.pack_format<interleaved>} : vector<32xbf16> -> vector<16xf32>
        %add3A_968 = arith.addf %add3A_955, %unpack3A_966 : vector<16xf32>
        %add3A_969 = arith.addf %add3A_956, %unpack3A_967 : vector<16xf32>
        %get3A_970 = arith.index_cast %add3A_943 : i32 to index
        %get3A_971 = arith.constant 32 : index
        %get3A_972 = tpu.vector_load %arg8[%get3A_970, %get3A_971] {strides = array<i32>} : memref<200x64xi32, #tpu.memory_space<vmem>>, vector<16xi32>,
        %bitcast3A_973 = vector.bitcast %get3A_972 : vector<16xi32> to vector<32xbf16>
        %get3A_974 = arith.index_cast %add3A_943 : i32 to index
        %get3A_975 = arith.constant 32 : index
        %get3A_976 = tpu.vector_load %arg9[%get3A_974, %get3A_975] {strides = array<i32>} : memref<200x64xi32, #tpu.memory_space<vmem>>, vector<16xi32>,
        %bitcast3A_977 = vector.bitcast %get3A_976 : vector<16xi32> to vector<32xbf16>
        %mul3A_978 = arith.mulf %bitcast3A_973, %bitcast3A_977 : vector<32xbf16>
        %unpack3A_979 = tpu.unpack_subelements %mul3A_978, 0 {pack_format = #tpu.pack_format<interleaved>} : vector<32xbf16> -> vector<16xf32>
        %unpack3A_980 = tpu.unpack_subelements %mul3A_978, 1 {pack_format = #tpu.pack_format<interleaved>} : vector<32xbf16> -> vector<16xf32>
        %add3A_981 = arith.addf %add3A_968, %unpack3A_979 : vector<16xf32>
        %add3A_982 = arith.addf %add3A_969, %unpack3A_980 : vector<16xf32>
        %get3A_983 = arith.index_cast %add3A_943 : i32 to index
        %get3A_984 = arith.constant 48 : index
        %get3A_985 = tpu.vector_load %arg8[%get3A_983, %get3A_984] {strides = array<i32>} : memref<200x64xi32, #tpu.memory_space<vmem>>, vector<16xi32>,
        %bitcast3A_986 = vector.bitcast %get3A_985 : vector<16xi32> to vector<32xbf16>
        %get3A_987 = arith.index_cast %add3A_943 : i32 to index
        %get3A_988 = arith.constant 48 : index
        %get3A_989 = tpu.vector_load %arg9[%get3A_987, %get3A_988] {strides = array<i32>} : memref<200x64xi32, #tpu.memory_space<vmem>>, vector<16xi32>,
        %bitcast3A_990 = vector.bitcast %get3A_989 : vector<16xi32> to vector<32xbf16>
        %mul3A_991 = arith.mulf %bitcast3A_986, %bitcast3A_990 : vector<32xbf16>
        %unpack3A_992 = tpu.unpack_subelements %mul3A_991, 0 {pack_format = #tpu.pack_format<interleaved>} : vector<32xbf16> -> vector<16xf32>
        %unpack3A_993 = tpu.unpack_subelements %mul3A_991, 1 {pack_format = #tpu.pack_format<interleaved>} : vector<32xbf16> -> vector<16xf32>
        %add3A_994 = arith.addf %add3A_981, %unpack3A_992 : vector<16xf32>
        %add3A_995 = arith.addf %add3A_982, %unpack3A_993 : vector<16xf32>
        %add3A_996 = arith.addf %add3A_994, %add3A_995 : vector<16xf32>
        %swap3A_997 = arith.constant 14 : i32
        %swap3A_998 = arith.index_cast %swap3A_997 : i32 to index
        %swap3A_999 = arith.constant 0 : index
        %swap3A_1000 = tpu.vector_load %arg14[%swap3A_998, %swap3A_999] {strides = array<i32>} : memref<16x17xf32, #tpu.memory_space<vmem>>, vector<16xf32>,
        tpu.vector_store %arg14[%swap3A_998, %swap3A_999], %add3A_996 {strides = array<i32>} : memref<16x17xf32, #tpu.memory_space<vmem>>, vector<16xf32>,
        %add3A_1001 = arith.constant 15 : i32
        %add3A_1002 = arith.addi %min3A_119, %add3A_1001 : i32
        %get3A_1003 = arith.index_cast %add3A_1002 : i32 to index
        %get3A_1004 = arith.constant 0 : index
        %get3A_1005 = tpu.vector_load %arg8[%get3A_1003, %get3A_1004] {strides = array<i32>} : memref<200x64xi32, #tpu.memory_space<vmem>>, vector<16xi32>,
        %bitcast3A_1006 = vector.bitcast %get3A_1005 : vector<16xi32> to vector<32xbf16>
        %get3A_1007 = arith.index_cast %add3A_1002 : i32 to index
        %get3A_1008 = arith.constant 0 : index
        %get3A_1009 = tpu.vector_load %arg9[%get3A_1007, %get3A_1008] {strides = array<i32>} : memref<200x64xi32, #tpu.memory_space<vmem>>, vector<16xi32>,
        %bitcast3A_1010 = vector.bitcast %get3A_1009 : vector<16xi32> to vector<32xbf16>
        %mul3A_1011 = arith.mulf %bitcast3A_1006, %bitcast3A_1010 : vector<32xbf16>
        %unpack3A_1012 = tpu.unpack_subelements %mul3A_1011, 0 {pack_format = #tpu.pack_format<interleaved>} : vector<32xbf16> -> vector<16xf32>
        %unpack3A_1013 = tpu.unpack_subelements %mul3A_1011, 1 {pack_format = #tpu.pack_format<interleaved>} : vector<32xbf16> -> vector<16xf32>
        %add3A_1014 = arith.addf %broadcast_in_dim3A_3, %unpack3A_1012 : vector<16xf32>
        %add3A_1015 = arith.addf %broadcast_in_dim3A_3, %unpack3A_1013 : vector<16xf32>
        %get3A_1016 = arith.index_cast %add3A_1002 : i32 to index
        %get3A_1017 = arith.constant 16 : index
        %get3A_1018 = tpu.vector_load %arg8[%get3A_1016, %get3A_1017] {strides = array<i32>} : memref<200x64xi32, #tpu.memory_space<vmem>>, vector<16xi32>,
        %bitcast3A_1019 = vector.bitcast %get3A_1018 : vector<16xi32> to vector<32xbf16>
        %get3A_1020 = arith.index_cast %add3A_1002 : i32 to index
        %get3A_1021 = arith.constant 16 : index
        %get3A_1022 = tpu.vector_load %arg9[%get3A_1020, %get3A_1021] {strides = array<i32>} : memref<200x64xi32, #tpu.memory_space<vmem>>, vector<16xi32>,
        %bitcast3A_1023 = vector.bitcast %get3A_1022 : vector<16xi32> to vector<32xbf16>
        %mul3A_1024 = arith.mulf %bitcast3A_1019, %bitcast3A_1023 : vector<32xbf16>
        %unpack3A_1025 = tpu.unpack_subelements %mul3A_1024, 0 {pack_format = #tpu.pack_format<interleaved>} : vector<32xbf16> -> vector<16xf32>
        %unpack3A_1026 = tpu.unpack_subelements %mul3A_1024, 1 {pack_format = #tpu.pack_format<interleaved>} : vector<32xbf16> -> vector<16xf32>
        %add3A_1027 = arith.addf %add3A_1014, %unpack3A_1025 : vector<16xf32>
        %add3A_1028 = arith.addf %add3A_1015, %unpack3A_1026 : vector<16xf32>
        %get3A_1029 = arith.index_cast %add3A_1002 : i32 to index
        %get3A_1030 = arith.constant 32 : index
        %get3A_1031 = tpu.vector_load %arg8[%get3A_1029, %get3A_1030] {strides = array<i32>} : memref<200x64xi32, #tpu.memory_space<vmem>>, vector<16xi32>,
        %bitcast3A_1032 = vector.bitcast %get3A_1031 : vector<16xi32> to vector<32xbf16>
        %get3A_1033 = arith.index_cast %add3A_1002 : i32 to index
        %get3A_1034 = arith.constant 32 : index
        %get3A_1035 = tpu.vector_load %arg9[%get3A_1033, %get3A_1034] {strides = array<i32>} : memref<200x64xi32, #tpu.memory_space<vmem>>, vector<16xi32>,
        %bitcast3A_1036 = vector.bitcast %get3A_1035 : vector<16xi32> to vector<32xbf16>
        %mul3A_1037 = arith.mulf %bitcast3A_1032, %bitcast3A_1036 : vector<32xbf16>
        %unpack3A_1038 = tpu.unpack_subelements %mul3A_1037, 0 {pack_format = #tpu.pack_format<interleaved>} : vector<32xbf16> -> vector<16xf32>
        %unpack3A_1039 = tpu.unpack_subelements %mul3A_1037, 1 {pack_format = #tpu.pack_format<interleaved>} : vector<32xbf16> -> vector<16xf32>
        %add3A_1040 = arith.addf %add3A_1027, %unpack3A_1038 : vector<16xf32>
        %add3A_1041 = arith.addf %add3A_1028, %unpack3A_1039 : vector<16xf32>
        %get3A_1042 = arith.index_cast %add3A_1002 : i32 to index
        %get3A_1043 = arith.constant 48 : index
        %get3A_1044 = tpu.vector_load %arg8[%get3A_1042, %get3A_1043] {strides = array<i32>} : memref<200x64xi32, #tpu.memory_space<vmem>>, vector<16xi32>,
        %bitcast3A_1045 = vector.bitcast %get3A_1044 : vector<16xi32> to vector<32xbf16>
        %get3A_1046 = arith.index_cast %add3A_1002 : i32 to index
        %get3A_1047 = arith.constant 48 : index
        %get3A_1048 = tpu.vector_load %arg9[%get3A_1046, %get3A_1047] {strides = array<i32>} : memref<200x64xi32, #tpu.memory_space<vmem>>, vector<16xi32>,
        %bitcast3A_1049 = vector.bitcast %get3A_1048 : vector<16xi32> to vector<32xbf16>
        %mul3A_1050 = arith.mulf %bitcast3A_1045, %bitcast3A_1049 : vector<32xbf16>
        %unpack3A_1051 = tpu.unpack_subelements %mul3A_1050, 0 {pack_format = #tpu.pack_format<interleaved>} : vector<32xbf16> -> vector<16xf32>
        %unpack3A_1052 = tpu.unpack_subelements %mul3A_1050, 1 {pack_format = #tpu.pack_format<interleaved>} : vector<32xbf16> -> vector<16xf32>
        %add3A_1053 = arith.addf %add3A_1040, %unpack3A_1051 : vector<16xf32>
        %add3A_1054 = arith.addf %add3A_1041, %unpack3A_1052 : vector<16xf32>
        %add3A_1055 = arith.addf %add3A_1053, %add3A_1054 : vector<16xf32>
        %swap3A_1056 = arith.constant 15 : i32
        %swap3A_1057 = arith.index_cast %swap3A_1056 : i32 to index
        %swap3A_1058 = arith.constant 0 : index
        %swap3A_1059 = tpu.vector_load %arg14[%swap3A_1057, %swap3A_1058] {strides = array<i32>} : memref<16x17xf32, #tpu.memory_space<vmem>>, vector<16xf32>,
        tpu.vector_store %arg14[%swap3A_1057, %swap3A_1058], %add3A_1055 {strides = array<i32>} : memref<16x17xf32, #tpu.memory_space<vmem>>, vector<16xf32>,
        %broadcast_in_dim3A_1060 = arith.constant 0 : i32
        %broadcast_in_dim3A_1061 = vector.broadcast %broadcast_in_dim3A_1060 : i32 to vector<16xi32>
        %gather3A = tpu.vector_load_idx %arg14[%iota3A, %broadcast_in_dim3A_1061] : memref<16x17xf32, #tpu.memory_space<vmem>>[vector<16xi32>, vector<16xi32>], vector<16xf32>,
        %add3A_1062 = arith.addf %broadcast_in_dim3A_3, %gather3A : vector<16xf32>
        %broadcast_in_dim3A_1063 = arith.constant 1 : i32
        %broadcast_in_dim3A_1064 = vector.broadcast %broadcast_in_dim3A_1063 : i32 to vector<16xi32>
        %gather3A_1065 = tpu.vector_load_idx %arg14[%iota3A, %broadcast_in_dim3A_1064] : memref<16x17xf32, #tpu.memory_space<vmem>>[vector<16xi32>, vector<16xi32>], vector<16xf32>,
        %add3A_1066 = arith.addf %broadcast_in_dim3A_3, %gather3A_1065 : vector<16xf32>
        %broadcast_in_dim3A_1067 = arith.constant 2 : i32
        %broadcast_in_dim3A_1068 = vector.broadcast %broadcast_in_dim3A_1067 : i32 to vector<16xi32>
        %gather3A_1069 = tpu.vector_load_idx %arg14[%iota3A, %broadcast_in_dim3A_1068] : memref<16x17xf32, #tpu.memory_space<vmem>>[vector<16xi32>, vector<16xi32>], vector<16xf32>,
        %add3A_1070 = arith.addf %broadcast_in_dim3A_3, %gather3A_1069 : vector<16xf32>
        %broadcast_in_dim3A_1071 = arith.constant 3 : i32
        %broadcast_in_dim3A_1072 = vector.broadcast %broadcast_in_dim3A_1071 : i32 to vector<16xi32>
        %gather3A_1073 = tpu.vector_load_idx %arg14[%iota3A, %broadcast_in_dim3A_1072] : memref<16x17xf32, #tpu.memory_space<vmem>>[vector<16xi32>, vector<16xi32>], vector<16xf32>,
        %add3A_1074 = arith.addf %broadcast_in_dim3A_3, %gather3A_1073 : vector<16xf32>
        %broadcast_in_dim3A_1075 = arith.constant 4 : i32
        %broadcast_in_dim3A_1076 = vector.broadcast %broadcast_in_dim3A_1075 : i32 to vector<16xi32>
        %gather3A_1077 = tpu.vector_load_idx %arg14[%iota3A, %broadcast_in_dim3A_1076] : memref<16x17xf32, #tpu.memory_space<vmem>>[vector<16xi32>, vector<16xi32>], vector<16xf32>,
        %add3A_1078 = arith.addf %add3A_1062, %gather3A_1077 : vector<16xf32>
        %broadcast_in_dim3A_1079 = arith.constant 5 : i32
        %broadcast_in_dim3A_1080 = vector.broadcast %broadcast_in_dim3A_1079 : i32 to vector<16xi32>
        %gather3A_1081 = tpu.vector_load_idx %arg14[%iota3A, %broadcast_in_dim3A_1080] : memref<16x17xf32, #tpu.memory_space<vmem>>[vector<16xi32>, vector<16xi32>], vector<16xf32>,
        %add3A_1082 = arith.addf %add3A_1066, %gather3A_1081 : vector<16xf32>
        %broadcast_in_dim3A_1083 = arith.constant 6 : i32
        %broadcast_in_dim3A_1084 = vector.broadcast %broadcast_in_dim3A_1083 : i32 to vector<16xi32>
        %gather3A_1085 = tpu.vector_load_idx %arg14[%iota3A, %broadcast_in_dim3A_1084] : memref<16x17xf32, #tpu.memory_space<vmem>>[vector<16xi32>, vector<16xi32>], vector<16xf32>,
        %add3A_1086 = arith.addf %add3A_1070, %gather3A_1085 : vector<16xf32>
        %broadcast_in_dim3A_1087 = arith.constant 7 : i32
        %broadcast_in_dim3A_1088 = vector.broadcast %broadcast_in_dim3A_1087 : i32 to vector<16xi32>
        %gather3A_1089 = tpu.vector_load_idx %arg14[%iota3A, %broadcast_in_dim3A_1088] : memref<16x17xf32, #tpu.memory_space<vmem>>[vector<16xi32>, vector<16xi32>], vector<16xf32>,
        %add3A_1090 = arith.addf %add3A_1074, %gather3A_1089 : vector<16xf32>
        %broadcast_in_dim3A_1091 = arith.constant 8 : i32
        %broadcast_in_dim3A_1092 = vector.broadcast %broadcast_in_dim3A_1091 : i32 to vector<16xi32>
        %gather3A_1093 = tpu.vector_load_idx %arg14[%iota3A, %broadcast_in_dim3A_1092] : memref<16x17xf32, #tpu.memory_space<vmem>>[vector<16xi32>, vector<16xi32>], vector<16xf32>,
        %add3A_1094 = arith.addf %add3A_1078, %gather3A_1093 : vector<16xf32>
        %broadcast_in_dim3A_1095 = arith.constant 9 : i32
        %broadcast_in_dim3A_1096 = vector.broadcast %broadcast_in_dim3A_1095 : i32 to vector<16xi32>
        %gather3A_1097 = tpu.vector_load_idx %arg14[%iota3A, %broadcast_in_dim3A_1096] : memref<16x17xf32, #tpu.memory_space<vmem>>[vector<16xi32>, vector<16xi32>], vector<16xf32>,
        %add3A_1098 = arith.addf %add3A_1082, %gather3A_1097 : vector<16xf32>
        %broadcast_in_dim3A_1099 = arith.constant 10 : i32
        %broadcast_in_dim3A_1100 = vector.broadcast %broadcast_in_dim3A_1099 : i32 to vector<16xi32>
        %gather3A_1101 = tpu.vector_load_idx %arg14[%iota3A, %broadcast_in_dim3A_1100] : memref<16x17xf32, #tpu.memory_space<vmem>>[vector<16xi32>, vector<16xi32>], vector<16xf32>,
        %add3A_1102 = arith.addf %add3A_1086, %gather3A_1101 : vector<16xf32>
        %broadcast_in_dim3A_1103 = arith.constant 11 : i32
        %broadcast_in_dim3A_1104 = vector.broadcast %broadcast_in_dim3A_1103 : i32 to vector<16xi32>
        %gather3A_1105 = tpu.vector_load_idx %arg14[%iota3A, %broadcast_in_dim3A_1104] : memref<16x17xf32, #tpu.memory_space<vmem>>[vector<16xi32>, vector<16xi32>], vector<16xf32>,
        %add3A_1106 = arith.addf %add3A_1090, %gather3A_1105 : vector<16xf32>
        %broadcast_in_dim3A_1107 = arith.constant 12 : i32
        %broadcast_in_dim3A_1108 = vector.broadcast %broadcast_in_dim3A_1107 : i32 to vector<16xi32>
        %gather3A_1109 = tpu.vector_load_idx %arg14[%iota3A, %broadcast_in_dim3A_1108] : memref<16x17xf32, #tpu.memory_space<vmem>>[vector<16xi32>, vector<16xi32>], vector<16xf32>,
        %add3A_1110 = arith.addf %add3A_1094, %gather3A_1109 : vector<16xf32>
        %broadcast_in_dim3A_1111 = arith.constant 13 : i32
        %broadcast_in_dim3A_1112 = vector.broadcast %broadcast_in_dim3A_1111 : i32 to vector<16xi32>
        %gather3A_1113 = tpu.vector_load_idx %arg14[%iota3A, %broadcast_in_dim3A_1112] : memref<16x17xf32, #tpu.memory_space<vmem>>[vector<16xi32>, vector<16xi32>], vector<16xf32>,
        %add3A_1114 = arith.addf %add3A_1098, %gather3A_1113 : vector<16xf32>
        %broadcast_in_dim3A_1115 = arith.constant 14 : i32
        %broadcast_in_dim3A_1116 = vector.broadcast %broadcast_in_dim3A_1115 : i32 to vector<16xi32>
        %gather3A_1117 = tpu.vector_load_idx %arg14[%iota3A, %broadcast_in_dim3A_1116] : memref<16x17xf32, #tpu.memory_space<vmem>>[vector<16xi32>, vector<16xi32>], vector<16xf32>,
        %add3A_1118 = arith.addf %add3A_1102, %gather3A_1117 : vector<16xf32>
        %broadcast_in_dim3A_1119 = arith.constant 15 : i32
        %broadcast_in_dim3A_1120 = vector.broadcast %broadcast_in_dim3A_1119 : i32 to vector<16xi32>
        %gather3A_1121 = tpu.vector_load_idx %arg14[%iota3A, %broadcast_in_dim3A_1120] : memref<16x17xf32, #tpu.memory_space<vmem>>[vector<16xi32>, vector<16xi32>], vector<16xf32>,
        %add3A_1122 = arith.addf %add3A_1106, %gather3A_1121 : vector<16xf32>
        %add3A_1123 = arith.addf %add3A_1110, %add3A_1114 : vector<16xf32>
        %add3A_1124 = arith.addf %add3A_1118, %add3A_1122 : vector<16xf32>
        %add3A_1125 = arith.addf %add3A_1123, %add3A_1124 : vector<16xf32>
        %swap3A_1126 = arith.index_cast %min3A_119 : i32 to index
        %swap3A_1127 = tpu.vector_load %arg12[%swap3A_1126] {strides = array<i32>} : memref<200xf32, #tpu.memory_space<vmem>>, vector<16xf32>,
        tpu.vector_store %arg12[%swap3A_1126], %add3A_1125 {strides = array<i32>} : memref<200xf32, #tpu.memory_space<vmem>>, vector<16xf32>,
      }
      %scan3A_66 = arith.constant 13 : i32
      %mul3A_67 = arith.constant 200 : i32
      %mul3A_68 = arith.muli %mul3A_35, %mul3A_67 : i32
      %add3A_69 = arith.addi %mul3A_2, %mul3A_68 : i32
      %dma_start3A_70 = arith.constant 0 : i32
      %dma_start3A_71 = tpu.memref_slice %arg12[%dma_start3A_70] : memref<200xf32, #tpu.memory_space<vmem>> -> memref<200xf32, #tpu.memory_space<vmem>>
      %dma_start3A_72 = tpu.memref_slice %arg5[%add3A_69] : memref<320000xf32, #tpu.memory_space<hbm>> -> memref<200xf32, #tpu.memory_space<hbm>>
      %dma_start3A_73 = tpu.memref_slice %arg5[%add3A_69] : memref<320000xf32, #tpu.memory_space<hbm>> -> memref<200xf32, #tpu.memory_space<hbm>>
      %dma_start3A_74 = arith.constant 0 : i32
      %dma_start3A_75 = tpu.memref_slice %arg12[%dma_start3A_74] : memref<200xf32, #tpu.memory_space<vmem>> -> memref<200xf32, #tpu.memory_space<vmem>>
      tpu.enqueue_dma source(%dma_start3A_75 : memref<200xf32, #tpu.memory_space<vmem>>) target(%dma_start3A_73 : memref<200xf32, #tpu.memory_space<hbm>>) target_semaphore(%arg17 : memref<!tpu.dma_semaphore, #tpu.memory_space<semaphore_mem>>)
      %lt3A = arith.constant 24 : i32
      %lt3A_76 = arith.cmpi slt, %scan3A_33, %lt3A : i32
      %convert_element_type3A_77 = arith.extui %lt3A_76 : i1 to i32
      %cond3A_78 = arith.constant 0 : i32
      %cond3A_79 = arith.cmpi ne, %convert_element_type3A_77, %cond3A_78 : i32
      scf.if %cond3A_79 {
        %add3A_116 = arith.constant 2 : i32
        %add3A_117 = arith.addi %mul3A_35, %add3A_116 : i32
        %mul3A_118 = arith.constant 200 : i32
        %mul3A_119 = arith.muli %add3A_117, %mul3A_118 : i32
        %dma_start3A_120 = tpu.memref_slice %arg6[%mul3A_119] : memref<10000xi32, #tpu.memory_space<vmem>> -> memref<200xi32, #tpu.memory_space<vmem>>
        %dma_start3A_121 = arith.constant 0 : i32
        %dma_start3A_122 = arith.constant 0 : i32
        %dma_start3A_123 = tpu.memref_slice %arg2[%dma_start3A_121, %dma_start3A_122] : memref<10000x64xi32, #tpu.memory_space<hbm>> -> memref<10000x64xi32, #tpu.memory_space<hbm>>
        tpu.enqueue_indirect_dma source(%dma_start3A_123 : memref<10000x64xi32, #tpu.memory_space<hbm>>) target(%arg8 : memref<200x64xi32, #tpu.memory_space<vmem>>) offsets(%dma_start3A_120 : memref<200xi32, #tpu.memory_space<vmem>>) semaphore(%arg15 : memref<!tpu.dma_semaphore, #tpu.memory_space<semaphore_mem>>)
        %dma_start3A_124 = tpu.memref_slice %arg7[%mul3A_119] : memref<10000xi32, #tpu.memory_space<vmem>> -> memref<200xi32, #tpu.memory_space<vmem>>
        %dma_start3A_125 = arith.constant 0 : i32
        %dma_start3A_126 = arith.constant 0 : i32
        %dma_start3A_127 = tpu.memref_slice %arg2[%dma_start3A_125, %dma_start3A_126] : memref<10000x64xi32, #tpu.memory_space<hbm>> -> memref<10000x64xi32, #tpu.memory_space<hbm>>
        tpu.enqueue_indirect_dma source(%dma_start3A_127 : memref<10000x64xi32, #tpu.memory_space<hbm>>) target(%arg9 : memref<200x64xi32, #tpu.memory_space<vmem>>) offsets(%dma_start3A_124 : memref<200xi32, #tpu.memory_space<vmem>>) semaphore(%arg15 : memref<!tpu.dma_semaphore, #tpu.memory_space<semaphore_mem>>)
      } else {
      }
      %add3A_80 = arith.constant 1 : i32
      %add3A_81 = arith.addi %mul3A_35, %add3A_80 : i32
      %mul3A_82 = arith.constant 200 : i32
      %mul3A_83 = arith.muli %add3A_81, %mul3A_82 : i32
      %dma_wait3A_84 = tpu.memref_slice %arg6[%mul3A_83] : memref<10000xi32, #tpu.memory_space<vmem>> -> memref<200xi32, #tpu.memory_space<vmem>>
      %dma_wait3A_85 = arith.constant 0 : i32
      %dma_wait3A_86 = arith.constant 0 : i32
      %dma_wait3A_87 = tpu.memref_slice %arg2[%dma_wait3A_85, %dma_wait3A_86] : memref<10000x64xi32, #tpu.memory_space<hbm>> -> memref<10000x64xi32, #tpu.memory_space<hbm>>
      tpu.wait_indirect_dma semaphore(%arg16 : memref<!tpu.dma_semaphore, #tpu.memory_space<semaphore_mem>>) src(%dma_wait3A_87 : memref<10000x64xi32, #tpu.memory_space<hbm>>) dst(%arg10 : memref<200x64xi32, #tpu.memory_space<vmem>>)
      %dma_wait3A_88 = tpu.memref_slice %arg7[%mul3A_83] : memref<10000xi32, #tpu.memory_space<vmem>> -> memref<200xi32, #tpu.memory_space<vmem>>
      %dma_wait3A_89 = arith.constant 0 : i32
      %dma_wait3A_90 = arith.constant 0 : i32
      %dma_wait3A_91 = tpu.memref_slice %arg2[%dma_wait3A_89, %dma_wait3A_90] : memref<10000x64xi32, #tpu.memory_space<hbm>> -> memref<10000x64xi32, #tpu.memory_space<hbm>>
      tpu.wait_indirect_dma semaphore(%arg16 : memref<!tpu.dma_semaphore, #tpu.memory_space<semaphore_mem>>) src(%dma_wait3A_91 : memref<10000x64xi32, #tpu.memory_space<hbm>>) dst(%arg11 : memref<200x64xi32, #tpu.memory_space<vmem>>)
      %add3A_92 = arith.constant 1 : i32
      %add3A_93 = arith.addi %mul3A_35, %add3A_92 : i32
      %eq3A_94 = arith.constant 0 : i32
      %eq3A_95 = arith.cmpi eq, %scan3A_33, %eq3A_94 : i32
      %not3A_96 = arith.constant true
      %not3A_97 = arith.xori %eq3A_95, %not3A_96 : i1
      %convert_element_type3A_98 = arith.extui %not3A_97 : i1 to i32
      %cond3A_99 = arith.constant 0 : i32
      %cond3A_100 = arith.cmpi ne, %convert_element_type3A_98, %cond3A_99 : i32
      scf.if %cond3A_100 {
        %sub3A = arith.constant 2 : i32
        %sub3A_116 = arith.subi %add3A_93, %sub3A : i32
        %mul3A_117 = arith.constant 200 : i32
        %mul3A_118 = arith.muli %sub3A_116, %mul3A_117 : i32
        %add3A_119 = arith.addi %mul3A_2, %mul3A_118 : i32
        %dma_wait3A_120 = arith.constant 0 : i32
        %dma_wait3A_121 = tpu.memref_slice %arg13[%dma_wait3A_120] : memref<200xf32, #tpu.memory_space<vmem>> -> memref<200xf32, #tpu.memory_space<vmem>>
        %dma_wait3A_122 = tpu.memref_slice %arg5[%add3A_119] : memref<320000xf32, #tpu.memory_space<hbm>> -> memref<200xf32, #tpu.memory_space<hbm>>
        %dma_wait3A_123 = tpu.memref_slice %arg5[%add3A_119] : memref<320000xf32, #tpu.memory_space<hbm>> -> memref<200xf32, #tpu.memory_space<hbm>>
        %dma_wait3A_124 = arith.constant 0 : i32
        %dma_wait3A_125 = tpu.memref_slice %arg13[%dma_wait3A_124] : memref<200xf32, #tpu.memory_space<vmem>> -> memref<200xf32, #tpu.memory_space<vmem>>
        tpu.wait_dma2 semaphore(%arg18 : memref<!tpu.dma_semaphore, #tpu.memory_space<semaphore_mem>>) src(%dma_wait3A_125 : memref<200xf32, #tpu.memory_space<vmem>>) dst(%dma_wait3A_123 : memref<200xf32, #tpu.memory_space<hbm>>)
      } else {
      }
      %scan3A_101 = arith.constant 0 : i32
      %scan3A_102 = arith.constant 0 : i32
      %scan3A_103 = arith.constant 13 : i32
      %scan3A_104 = arith.addi %scan3A_102, %scan3A_103 : i32
      %scan3A_105 = arith.constant 1 : i32
      scf.for %scan3A_116 = %scan3A_102 to %scan3A_104 step %scan3A_105  : i32 {
        %mul3A_117 = arith.constant 16 : i32
        %mul3A_118 = arith.muli %scan3A_116, %mul3A_117 : i32
        %min3A = arith.constant 184 : i32
        %min3A_119 = arith.minsi %mul3A_118, %min3A : i32
        %add3A_120 = arith.constant 0 : i32
        %add3A_121 = arith.addi %min3A_119, %add3A_120 : i32
        %get3A = arith.index_cast %add3A_121 : i32 to index
        %get3A_122 = arith.constant 0 : index
        %get3A_123 = tpu.vector_load %arg10[%get3A, %get3A_122] {strides = array<i32>} : memref<200x64xi32, #tpu.memory_space<vmem>>, vector<16xi32>,
        %bitcast3A = vector.bitcast %get3A_123 : vector<16xi32> to vector<32xbf16>
        %get3A_124 = arith.index_cast %add3A_121 : i32 to index
        %get3A_125 = arith.constant 0 : index
        %get3A_126 = tpu.vector_load %arg11[%get3A_124, %get3A_125] {strides = array<i32>} : memref<200x64xi32, #tpu.memory_space<vmem>>, vector<16xi32>,
        %bitcast3A_127 = vector.bitcast %get3A_126 : vector<16xi32> to vector<32xbf16>
        %mul3A_128 = arith.mulf %bitcast3A, %bitcast3A_127 : vector<32xbf16>
        %unpack3A = tpu.unpack_subelements %mul3A_128, 0 {pack_format = #tpu.pack_format<interleaved>} : vector<32xbf16> -> vector<16xf32>
        %unpack3A_129 = tpu.unpack_subelements %mul3A_128, 1 {pack_format = #tpu.pack_format<interleaved>} : vector<32xbf16> -> vector<16xf32>
        %add3A_130 = arith.addf %broadcast_in_dim3A_3, %unpack3A : vector<16xf32>
        %add3A_131 = arith.addf %broadcast_in_dim3A_3, %unpack3A_129 : vector<16xf32>
        %get3A_132 = arith.index_cast %add3A_121 : i32 to index
        %get3A_133 = arith.constant 16 : index
        %get3A_134 = tpu.vector_load %arg10[%get3A_132, %get3A_133] {strides = array<i32>} : memref<200x64xi32, #tpu.memory_space<vmem>>, vector<16xi32>,
        %bitcast3A_135 = vector.bitcast %get3A_134 : vector<16xi32> to vector<32xbf16>
        %get3A_136 = arith.index_cast %add3A_121 : i32 to index
        %get3A_137 = arith.constant 16 : index
        %get3A_138 = tpu.vector_load %arg11[%get3A_136, %get3A_137] {strides = array<i32>} : memref<200x64xi32, #tpu.memory_space<vmem>>, vector<16xi32>,
        %bitcast3A_139 = vector.bitcast %get3A_138 : vector<16xi32> to vector<32xbf16>
        %mul3A_140 = arith.mulf %bitcast3A_135, %bitcast3A_139 : vector<32xbf16>
        %unpack3A_141 = tpu.unpack_subelements %mul3A_140, 0 {pack_format = #tpu.pack_format<interleaved>} : vector<32xbf16> -> vector<16xf32>
        %unpack3A_142 = tpu.unpack_subelements %mul3A_140, 1 {pack_format = #tpu.pack_format<interleaved>} : vector<32xbf16> -> vector<16xf32>
        %add3A_143 = arith.addf %add3A_130, %unpack3A_141 : vector<16xf32>
        %add3A_144 = arith.addf %add3A_131, %unpack3A_142 : vector<16xf32>
        %get3A_145 = arith.index_cast %add3A_121 : i32 to index
        %get3A_146 = arith.constant 32 : index
        %get3A_147 = tpu.vector_load %arg10[%get3A_145, %get3A_146] {strides = array<i32>} : memref<200x64xi32, #tpu.memory_space<vmem>>, vector<16xi32>,
        %bitcast3A_148 = vector.bitcast %get3A_147 : vector<16xi32> to vector<32xbf16>
        %get3A_149 = arith.index_cast %add3A_121 : i32 to index
        %get3A_150 = arith.constant 32 : index
        %get3A_151 = tpu.vector_load %arg11[%get3A_149, %get3A_150] {strides = array<i32>} : memref<200x64xi32, #tpu.memory_space<vmem>>, vector<16xi32>,
        %bitcast3A_152 = vector.bitcast %get3A_151 : vector<16xi32> to vector<32xbf16>
        %mul3A_153 = arith.mulf %bitcast3A_148, %bitcast3A_152 : vector<32xbf16>
        %unpack3A_154 = tpu.unpack_subelements %mul3A_153, 0 {pack_format = #tpu.pack_format<interleaved>} : vector<32xbf16> -> vector<16xf32>
        %unpack3A_155 = tpu.unpack_subelements %mul3A_153, 1 {pack_format = #tpu.pack_format<interleaved>} : vector<32xbf16> -> vector<16xf32>
        %add3A_156 = arith.addf %add3A_143, %unpack3A_154 : vector<16xf32>
        %add3A_157 = arith.addf %add3A_144, %unpack3A_155 : vector<16xf32>
        %get3A_158 = arith.index_cast %add3A_121 : i32 to index
        %get3A_159 = arith.constant 48 : index
        %get3A_160 = tpu.vector_load %arg10[%get3A_158, %get3A_159] {strides = array<i32>} : memref<200x64xi32, #tpu.memory_space<vmem>>, vector<16xi32>,
        %bitcast3A_161 = vector.bitcast %get3A_160 : vector<16xi32> to vector<32xbf16>
        %get3A_162 = arith.index_cast %add3A_121 : i32 to index
        %get3A_163 = arith.constant 48 : index
        %get3A_164 = tpu.vector_load %arg11[%get3A_162, %get3A_163] {strides = array<i32>} : memref<200x64xi32, #tpu.memory_space<vmem>>, vector<16xi32>,
        %bitcast3A_165 = vector.bitcast %get3A_164 : vector<16xi32> to vector<32xbf16>
        %mul3A_166 = arith.mulf %bitcast3A_161, %bitcast3A_165 : vector<32xbf16>
        %unpack3A_167 = tpu.unpack_subelements %mul3A_166, 0 {pack_format = #tpu.pack_format<interleaved>} : vector<32xbf16> -> vector<16xf32>
        %unpack3A_168 = tpu.unpack_subelements %mul3A_166, 1 {pack_format = #tpu.pack_format<interleaved>} : vector<32xbf16> -> vector<16xf32>
        %add3A_169 = arith.addf %add3A_156, %unpack3A_167 : vector<16xf32>
        %add3A_170 = arith.addf %add3A_157, %unpack3A_168 : vector<16xf32>
        %add3A_171 = arith.addf %add3A_169, %add3A_170 : vector<16xf32>
        %swap3A = arith.constant 0 : i32
        %swap3A_172 = arith.index_cast %swap3A : i32 to index
        %swap3A_173 = arith.constant 0 : index
        %swap3A_174 = tpu.vector_load %arg14[%swap3A_172, %swap3A_173] {strides = array<i32>} : memref<16x17xf32, #tpu.memory_space<vmem>>, vector<16xf32>,
        tpu.vector_store %arg14[%swap3A_172, %swap3A_173], %add3A_171 {strides = array<i32>} : memref<16x17xf32, #tpu.memory_space<vmem>>, vector<16xf32>,
        %add3A_175 = arith.constant 1 : i32
        %add3A_176 = arith.addi %min3A_119, %add3A_175 : i32
        %get3A_177 = arith.index_cast %add3A_176 : i32 to index
        %get3A_178 = arith.constant 0 : index
        %get3A_179 = tpu.vector_load %arg10[%get3A_177, %get3A_178] {strides = array<i32>} : memref<200x64xi32, #tpu.memory_space<vmem>>, vector<16xi32>,
        %bitcast3A_180 = vector.bitcast %get3A_179 : vector<16xi32> to vector<32xbf16>
        %get3A_181 = arith.index_cast %add3A_176 : i32 to index
        %get3A_182 = arith.constant 0 : index
        %get3A_183 = tpu.vector_load %arg11[%get3A_181, %get3A_182] {strides = array<i32>} : memref<200x64xi32, #tpu.memory_space<vmem>>, vector<16xi32>,
        %bitcast3A_184 = vector.bitcast %get3A_183 : vector<16xi32> to vector<32xbf16>
        %mul3A_185 = arith.mulf %bitcast3A_180, %bitcast3A_184 : vector<32xbf16>
        %unpack3A_186 = tpu.unpack_subelements %mul3A_185, 0 {pack_format = #tpu.pack_format<interleaved>} : vector<32xbf16> -> vector<16xf32>
        %unpack3A_187 = tpu.unpack_subelements %mul3A_185, 1 {pack_format = #tpu.pack_format<interleaved>} : vector<32xbf16> -> vector<16xf32>
        %add3A_188 = arith.addf %broadcast_in_dim3A_3, %unpack3A_186 : vector<16xf32>
        %add3A_189 = arith.addf %broadcast_in_dim3A_3, %unpack3A_187 : vector<16xf32>
        %get3A_190 = arith.index_cast %add3A_176 : i32 to index
        %get3A_191 = arith.constant 16 : index
        %get3A_192 = tpu.vector_load %arg10[%get3A_190, %get3A_191] {strides = array<i32>} : memref<200x64xi32, #tpu.memory_space<vmem>>, vector<16xi32>,
        %bitcast3A_193 = vector.bitcast %get3A_192 : vector<16xi32> to vector<32xbf16>
        %get3A_194 = arith.index_cast %add3A_176 : i32 to index
        %get3A_195 = arith.constant 16 : index
        %get3A_196 = tpu.vector_load %arg11[%get3A_194, %get3A_195] {strides = array<i32>} : memref<200x64xi32, #tpu.memory_space<vmem>>, vector<16xi32>,
        %bitcast3A_197 = vector.bitcast %get3A_196 : vector<16xi32> to vector<32xbf16>
        %mul3A_198 = arith.mulf %bitcast3A_193, %bitcast3A_197 : vector<32xbf16>
        %unpack3A_199 = tpu.unpack_subelements %mul3A_198, 0 {pack_format = #tpu.pack_format<interleaved>} : vector<32xbf16> -> vector<16xf32>
        %unpack3A_200 = tpu.unpack_subelements %mul3A_198, 1 {pack_format = #tpu.pack_format<interleaved>} : vector<32xbf16> -> vector<16xf32>
        %add3A_201 = arith.addf %add3A_188, %unpack3A_199 : vector<16xf32>
        %add3A_202 = arith.addf %add3A_189, %unpack3A_200 : vector<16xf32>
        %get3A_203 = arith.index_cast %add3A_176 : i32 to index
        %get3A_204 = arith.constant 32 : index
        %get3A_205 = tpu.vector_load %arg10[%get3A_203, %get3A_204] {strides = array<i32>} : memref<200x64xi32, #tpu.memory_space<vmem>>, vector<16xi32>,
        %bitcast3A_206 = vector.bitcast %get3A_205 : vector<16xi32> to vector<32xbf16>
        %get3A_207 = arith.index_cast %add3A_176 : i32 to index
        %get3A_208 = arith.constant 32 : index
        %get3A_209 = tpu.vector_load %arg11[%get3A_207, %get3A_208] {strides = array<i32>} : memref<200x64xi32, #tpu.memory_space<vmem>>, vector<16xi32>,
        %bitcast3A_210 = vector.bitcast %get3A_209 : vector<16xi32> to vector<32xbf16>
        %mul3A_211 = arith.mulf %bitcast3A_206, %bitcast3A_210 : vector<32xbf16>
        %unpack3A_212 = tpu.unpack_subelements %mul3A_211, 0 {pack_format = #tpu.pack_format<interleaved>} : vector<32xbf16> -> vector<16xf32>
        %unpack3A_213 = tpu.unpack_subelements %mul3A_211, 1 {pack_format = #tpu.pack_format<interleaved>} : vector<32xbf16> -> vector<16xf32>
        %add3A_214 = arith.addf %add3A_201, %unpack3A_212 : vector<16xf32>
        %add3A_215 = arith.addf %add3A_202, %unpack3A_213 : vector<16xf32>
        %get3A_216 = arith.index_cast %add3A_176 : i32 to index
        %get3A_217 = arith.constant 48 : index
        %get3A_218 = tpu.vector_load %arg10[%get3A_216, %get3A_217] {strides = array<i32>} : memref<200x64xi32, #tpu.memory_space<vmem>>, vector<16xi32>,
        %bitcast3A_219 = vector.bitcast %get3A_218 : vector<16xi32> to vector<32xbf16>
        %get3A_220 = arith.index_cast %add3A_176 : i32 to index
        %get3A_221 = arith.constant 48 : index
        %get3A_222 = tpu.vector_load %arg11[%get3A_220, %get3A_221] {strides = array<i32>} : memref<200x64xi32, #tpu.memory_space<vmem>>, vector<16xi32>,
        %bitcast3A_223 = vector.bitcast %get3A_222 : vector<16xi32> to vector<32xbf16>
        %mul3A_224 = arith.mulf %bitcast3A_219, %bitcast3A_223 : vector<32xbf16>
        %unpack3A_225 = tpu.unpack_subelements %mul3A_224, 0 {pack_format = #tpu.pack_format<interleaved>} : vector<32xbf16> -> vector<16xf32>
        %unpack3A_226 = tpu.unpack_subelements %mul3A_224, 1 {pack_format = #tpu.pack_format<interleaved>} : vector<32xbf16> -> vector<16xf32>
        %add3A_227 = arith.addf %add3A_214, %unpack3A_225 : vector<16xf32>
        %add3A_228 = arith.addf %add3A_215, %unpack3A_226 : vector<16xf32>
        %add3A_229 = arith.addf %add3A_227, %add3A_228 : vector<16xf32>
        %swap3A_230 = arith.constant 1 : i32
        %swap3A_231 = arith.index_cast %swap3A_230 : i32 to index
        %swap3A_232 = arith.constant 0 : index
        %swap3A_233 = tpu.vector_load %arg14[%swap3A_231, %swap3A_232] {strides = array<i32>} : memref<16x17xf32, #tpu.memory_space<vmem>>, vector<16xf32>,
        tpu.vector_store %arg14[%swap3A_231, %swap3A_232], %add3A_229 {strides = array<i32>} : memref<16x17xf32, #tpu.memory_space<vmem>>, vector<16xf32>,
        %add3A_234 = arith.constant 2 : i32
        %add3A_235 = arith.addi %min3A_119, %add3A_234 : i32
        %get3A_236 = arith.index_cast %add3A_235 : i32 to index
        %get3A_237 = arith.constant 0 : index
        %get3A_238 = tpu.vector_load %arg10[%get3A_236, %get3A_237] {strides = array<i32>} : memref<200x64xi32, #tpu.memory_space<vmem>>, vector<16xi32>,
        %bitcast3A_239 = vector.bitcast %get3A_238 : vector<16xi32> to vector<32xbf16>
        %get3A_240 = arith.index_cast %add3A_235 : i32 to index
        %get3A_241 = arith.constant 0 : index
        %get3A_242 = tpu.vector_load %arg11[%get3A_240, %get3A_241] {strides = array<i32>} : memref<200x64xi32, #tpu.memory_space<vmem>>, vector<16xi32>,
        %bitcast3A_243 = vector.bitcast %get3A_242 : vector<16xi32> to vector<32xbf16>
        %mul3A_244 = arith.mulf %bitcast3A_239, %bitcast3A_243 : vector<32xbf16>
        %unpack3A_245 = tpu.unpack_subelements %mul3A_244, 0 {pack_format = #tpu.pack_format<interleaved>} : vector<32xbf16> -> vector<16xf32>
        %unpack3A_246 = tpu.unpack_subelements %mul3A_244, 1 {pack_format = #tpu.pack_format<interleaved>} : vector<32xbf16> -> vector<16xf32>
        %add3A_247 = arith.addf %broadcast_in_dim3A_3, %unpack3A_245 : vector<16xf32>
        %add3A_248 = arith.addf %broadcast_in_dim3A_3, %unpack3A_246 : vector<16xf32>
        %get3A_249 = arith.index_cast %add3A_235 : i32 to index
        %get3A_250 = arith.constant 16 : index
        %get3A_251 = tpu.vector_load %arg10[%get3A_249, %get3A_250] {strides = array<i32>} : memref<200x64xi32, #tpu.memory_space<vmem>>, vector<16xi32>,
        %bitcast3A_252 = vector.bitcast %get3A_251 : vector<16xi32> to vector<32xbf16>
        %get3A_253 = arith.index_cast %add3A_235 : i32 to index
        %get3A_254 = arith.constant 16 : index
        %get3A_255 = tpu.vector_load %arg11[%get3A_253, %get3A_254] {strides = array<i32>} : memref<200x64xi32, #tpu.memory_space<vmem>>, vector<16xi32>,
        %bitcast3A_256 = vector.bitcast %get3A_255 : vector<16xi32> to vector<32xbf16>
        %mul3A_257 = arith.mulf %bitcast3A_252, %bitcast3A_256 : vector<32xbf16>
        %unpack3A_258 = tpu.unpack_subelements %mul3A_257, 0 {pack_format = #tpu.pack_format<interleaved>} : vector<32xbf16> -> vector<16xf32>
        %unpack3A_259 = tpu.unpack_subelements %mul3A_257, 1 {pack_format = #tpu.pack_format<interleaved>} : vector<32xbf16> -> vector<16xf32>
        %add3A_260 = arith.addf %add3A_247, %unpack3A_258 : vector<16xf32>
        %add3A_261 = arith.addf %add3A_248, %unpack3A_259 : vector<16xf32>
        %get3A_262 = arith.index_cast %add3A_235 : i32 to index
        %get3A_263 = arith.constant 32 : index
        %get3A_264 = tpu.vector_load %arg10[%get3A_262, %get3A_263] {strides = array<i32>} : memref<200x64xi32, #tpu.memory_space<vmem>>, vector<16xi32>,
        %bitcast3A_265 = vector.bitcast %get3A_264 : vector<16xi32> to vector<32xbf16>
        %get3A_266 = arith.index_cast %add3A_235 : i32 to index
        %get3A_267 = arith.constant 32 : index
        %get3A_268 = tpu.vector_load %arg11[%get3A_266, %get3A_267] {strides = array<i32>} : memref<200x64xi32, #tpu.memory_space<vmem>>, vector<16xi32>,
        %bitcast3A_269 = vector.bitcast %get3A_268 : vector<16xi32> to vector<32xbf16>
        %mul3A_270 = arith.mulf %bitcast3A_265, %bitcast3A_269 : vector<32xbf16>
        %unpack3A_271 = tpu.unpack_subelements %mul3A_270, 0 {pack_format = #tpu.pack_format<interleaved>} : vector<32xbf16> -> vector<16xf32>
        %unpack3A_272 = tpu.unpack_subelements %mul3A_270, 1 {pack_format = #tpu.pack_format<interleaved>} : vector<32xbf16> -> vector<16xf32>
        %add3A_273 = arith.addf %add3A_260, %unpack3A_271 : vector<16xf32>
        %add3A_274 = arith.addf %add3A_261, %unpack3A_272 : vector<16xf32>
        %get3A_275 = arith.index_cast %add3A_235 : i32 to index
        %get3A_276 = arith.constant 48 : index
        %get3A_277 = tpu.vector_load %arg10[%get3A_275, %get3A_276] {strides = array<i32>} : memref<200x64xi32, #tpu.memory_space<vmem>>, vector<16xi32>,
        %bitcast3A_278 = vector.bitcast %get3A_277 : vector<16xi32> to vector<32xbf16>
        %get3A_279 = arith.index_cast %add3A_235 : i32 to index
        %get3A_280 = arith.constant 48 : index
        %get3A_281 = tpu.vector_load %arg11[%get3A_279, %get3A_280] {strides = array<i32>} : memref<200x64xi32, #tpu.memory_space<vmem>>, vector<16xi32>,
        %bitcast3A_282 = vector.bitcast %get3A_281 : vector<16xi32> to vector<32xbf16>
        %mul3A_283 = arith.mulf %bitcast3A_278, %bitcast3A_282 : vector<32xbf16>
        %unpack3A_284 = tpu.unpack_subelements %mul3A_283, 0 {pack_format = #tpu.pack_format<interleaved>} : vector<32xbf16> -> vector<16xf32>
        %unpack3A_285 = tpu.unpack_subelements %mul3A_283, 1 {pack_format = #tpu.pack_format<interleaved>} : vector<32xbf16> -> vector<16xf32>
        %add3A_286 = arith.addf %add3A_273, %unpack3A_284 : vector<16xf32>
        %add3A_287 = arith.addf %add3A_274, %unpack3A_285 : vector<16xf32>
        %add3A_288 = arith.addf %add3A_286, %add3A_287 : vector<16xf32>
        %swap3A_289 = arith.constant 2 : i32
        %swap3A_290 = arith.index_cast %swap3A_289 : i32 to index
        %swap3A_291 = arith.constant 0 : index
        %swap3A_292 = tpu.vector_load %arg14[%swap3A_290, %swap3A_291] {strides = array<i32>} : memref<16x17xf32, #tpu.memory_space<vmem>>, vector<16xf32>,
        tpu.vector_store %arg14[%swap3A_290, %swap3A_291], %add3A_288 {strides = array<i32>} : memref<16x17xf32, #tpu.memory_space<vmem>>, vector<16xf32>,
        %add3A_293 = arith.constant 3 : i32
        %add3A_294 = arith.addi %min3A_119, %add3A_293 : i32
        %get3A_295 = arith.index_cast %add3A_294 : i32 to index
        %get3A_296 = arith.constant 0 : index
        %get3A_297 = tpu.vector_load %arg10[%get3A_295, %get3A_296] {strides = array<i32>} : memref<200x64xi32, #tpu.memory_space<vmem>>, vector<16xi32>,
        %bitcast3A_298 = vector.bitcast %get3A_297 : vector<16xi32> to vector<32xbf16>
        %get3A_299 = arith.index_cast %add3A_294 : i32 to index
        %get3A_300 = arith.constant 0 : index
        %get3A_301 = tpu.vector_load %arg11[%get3A_299, %get3A_300] {strides = array<i32>} : memref<200x64xi32, #tpu.memory_space<vmem>>, vector<16xi32>,
        %bitcast3A_302 = vector.bitcast %get3A_301 : vector<16xi32> to vector<32xbf16>
        %mul3A_303 = arith.mulf %bitcast3A_298, %bitcast3A_302 : vector<32xbf16>
        %unpack3A_304 = tpu.unpack_subelements %mul3A_303, 0 {pack_format = #tpu.pack_format<interleaved>} : vector<32xbf16> -> vector<16xf32>
        %unpack3A_305 = tpu.unpack_subelements %mul3A_303, 1 {pack_format = #tpu.pack_format<interleaved>} : vector<32xbf16> -> vector<16xf32>
        %add3A_306 = arith.addf %broadcast_in_dim3A_3, %unpack3A_304 : vector<16xf32>
        %add3A_307 = arith.addf %broadcast_in_dim3A_3, %unpack3A_305 : vector<16xf32>
        %get3A_308 = arith.index_cast %add3A_294 : i32 to index
        %get3A_309 = arith.constant 16 : index
        %get3A_310 = tpu.vector_load %arg10[%get3A_308, %get3A_309] {strides = array<i32>} : memref<200x64xi32, #tpu.memory_space<vmem>>, vector<16xi32>,
        %bitcast3A_311 = vector.bitcast %get3A_310 : vector<16xi32> to vector<32xbf16>
        %get3A_312 = arith.index_cast %add3A_294 : i32 to index
        %get3A_313 = arith.constant 16 : index
        %get3A_314 = tpu.vector_load %arg11[%get3A_312, %get3A_313] {strides = array<i32>} : memref<200x64xi32, #tpu.memory_space<vmem>>, vector<16xi32>,
        %bitcast3A_315 = vector.bitcast %get3A_314 : vector<16xi32> to vector<32xbf16>
        %mul3A_316 = arith.mulf %bitcast3A_311, %bitcast3A_315 : vector<32xbf16>
        %unpack3A_317 = tpu.unpack_subelements %mul3A_316, 0 {pack_format = #tpu.pack_format<interleaved>} : vector<32xbf16> -> vector<16xf32>
        %unpack3A_318 = tpu.unpack_subelements %mul3A_316, 1 {pack_format = #tpu.pack_format<interleaved>} : vector<32xbf16> -> vector<16xf32>
        %add3A_319 = arith.addf %add3A_306, %unpack3A_317 : vector<16xf32>
        %add3A_320 = arith.addf %add3A_307, %unpack3A_318 : vector<16xf32>
        %get3A_321 = arith.index_cast %add3A_294 : i32 to index
        %get3A_322 = arith.constant 32 : index
        %get3A_323 = tpu.vector_load %arg10[%get3A_321, %get3A_322] {strides = array<i32>} : memref<200x64xi32, #tpu.memory_space<vmem>>, vector<16xi32>,
        %bitcast3A_324 = vector.bitcast %get3A_323 : vector<16xi32> to vector<32xbf16>
        %get3A_325 = arith.index_cast %add3A_294 : i32 to index
        %get3A_326 = arith.constant 32 : index
        %get3A_327 = tpu.vector_load %arg11[%get3A_325, %get3A_326] {strides = array<i32>} : memref<200x64xi32, #tpu.memory_space<vmem>>, vector<16xi32>,
        %bitcast3A_328 = vector.bitcast %get3A_327 : vector<16xi32> to vector<32xbf16>
        %mul3A_329 = arith.mulf %bitcast3A_324, %bitcast3A_328 : vector<32xbf16>
        %unpack3A_330 = tpu.unpack_subelements %mul3A_329, 0 {pack_format = #tpu.pack_format<interleaved>} : vector<32xbf16> -> vector<16xf32>
        %unpack3A_331 = tpu.unpack_subelements %mul3A_329, 1 {pack_format = #tpu.pack_format<interleaved>} : vector<32xbf16> -> vector<16xf32>
        %add3A_332 = arith.addf %add3A_319, %unpack3A_330 : vector<16xf32>
        %add3A_333 = arith.addf %add3A_320, %unpack3A_331 : vector<16xf32>
        %get3A_334 = arith.index_cast %add3A_294 : i32 to index
        %get3A_335 = arith.constant 48 : index
        %get3A_336 = tpu.vector_load %arg10[%get3A_334, %get3A_335] {strides = array<i32>} : memref<200x64xi32, #tpu.memory_space<vmem>>, vector<16xi32>,
        %bitcast3A_337 = vector.bitcast %get3A_336 : vector<16xi32> to vector<32xbf16>
        %get3A_338 = arith.index_cast %add3A_294 : i32 to index
        %get3A_339 = arith.constant 48 : index
        %get3A_340 = tpu.vector_load %arg11[%get3A_338, %get3A_339] {strides = array<i32>} : memref<200x64xi32, #tpu.memory_space<vmem>>, vector<16xi32>,
        %bitcast3A_341 = vector.bitcast %get3A_340 : vector<16xi32> to vector<32xbf16>
        %mul3A_342 = arith.mulf %bitcast3A_337, %bitcast3A_341 : vector<32xbf16>
        %unpack3A_343 = tpu.unpack_subelements %mul3A_342, 0 {pack_format = #tpu.pack_format<interleaved>} : vector<32xbf16> -> vector<16xf32>
        %unpack3A_344 = tpu.unpack_subelements %mul3A_342, 1 {pack_format = #tpu.pack_format<interleaved>} : vector<32xbf16> -> vector<16xf32>
        %add3A_345 = arith.addf %add3A_332, %unpack3A_343 : vector<16xf32>
        %add3A_346 = arith.addf %add3A_333, %unpack3A_344 : vector<16xf32>
        %add3A_347 = arith.addf %add3A_345, %add3A_346 : vector<16xf32>
        %swap3A_348 = arith.constant 3 : i32
        %swap3A_349 = arith.index_cast %swap3A_348 : i32 to index
        %swap3A_350 = arith.constant 0 : index
        %swap3A_351 = tpu.vector_load %arg14[%swap3A_349, %swap3A_350] {strides = array<i32>} : memref<16x17xf32, #tpu.memory_space<vmem>>, vector<16xf32>,
        tpu.vector_store %arg14[%swap3A_349, %swap3A_350], %add3A_347 {strides = array<i32>} : memref<16x17xf32, #tpu.memory_space<vmem>>, vector<16xf32>,
        %add3A_352 = arith.constant 4 : i32
        %add3A_353 = arith.addi %min3A_119, %add3A_352 : i32
        %get3A_354 = arith.index_cast %add3A_353 : i32 to index
        %get3A_355 = arith.constant 0 : index
        %get3A_356 = tpu.vector_load %arg10[%get3A_354, %get3A_355] {strides = array<i32>} : memref<200x64xi32, #tpu.memory_space<vmem>>, vector<16xi32>,
        %bitcast3A_357 = vector.bitcast %get3A_356 : vector<16xi32> to vector<32xbf16>
        %get3A_358 = arith.index_cast %add3A_353 : i32 to index
        %get3A_359 = arith.constant 0 : index
        %get3A_360 = tpu.vector_load %arg11[%get3A_358, %get3A_359] {strides = array<i32>} : memref<200x64xi32, #tpu.memory_space<vmem>>, vector<16xi32>,
        %bitcast3A_361 = vector.bitcast %get3A_360 : vector<16xi32> to vector<32xbf16>
        %mul3A_362 = arith.mulf %bitcast3A_357, %bitcast3A_361 : vector<32xbf16>
        %unpack3A_363 = tpu.unpack_subelements %mul3A_362, 0 {pack_format = #tpu.pack_format<interleaved>} : vector<32xbf16> -> vector<16xf32>
        %unpack3A_364 = tpu.unpack_subelements %mul3A_362, 1 {pack_format = #tpu.pack_format<interleaved>} : vector<32xbf16> -> vector<16xf32>
        %add3A_365 = arith.addf %broadcast_in_dim3A_3, %unpack3A_363 : vector<16xf32>
        %add3A_366 = arith.addf %broadcast_in_dim3A_3, %unpack3A_364 : vector<16xf32>
        %get3A_367 = arith.index_cast %add3A_353 : i32 to index
        %get3A_368 = arith.constant 16 : index
        %get3A_369 = tpu.vector_load %arg10[%get3A_367, %get3A_368] {strides = array<i32>} : memref<200x64xi32, #tpu.memory_space<vmem>>, vector<16xi32>,
        %bitcast3A_370 = vector.bitcast %get3A_369 : vector<16xi32> to vector<32xbf16>
        %get3A_371 = arith.index_cast %add3A_353 : i32 to index
        %get3A_372 = arith.constant 16 : index
        %get3A_373 = tpu.vector_load %arg11[%get3A_371, %get3A_372] {strides = array<i32>} : memref<200x64xi32, #tpu.memory_space<vmem>>, vector<16xi32>,
        %bitcast3A_374 = vector.bitcast %get3A_373 : vector<16xi32> to vector<32xbf16>
        %mul3A_375 = arith.mulf %bitcast3A_370, %bitcast3A_374 : vector<32xbf16>
        %unpack3A_376 = tpu.unpack_subelements %mul3A_375, 0 {pack_format = #tpu.pack_format<interleaved>} : vector<32xbf16> -> vector<16xf32>
        %unpack3A_377 = tpu.unpack_subelements %mul3A_375, 1 {pack_format = #tpu.pack_format<interleaved>} : vector<32xbf16> -> vector<16xf32>
        %add3A_378 = arith.addf %add3A_365, %unpack3A_376 : vector<16xf32>
        %add3A_379 = arith.addf %add3A_366, %unpack3A_377 : vector<16xf32>
        %get3A_380 = arith.index_cast %add3A_353 : i32 to index
        %get3A_381 = arith.constant 32 : index
        %get3A_382 = tpu.vector_load %arg10[%get3A_380, %get3A_381] {strides = array<i32>} : memref<200x64xi32, #tpu.memory_space<vmem>>, vector<16xi32>,
        %bitcast3A_383 = vector.bitcast %get3A_382 : vector<16xi32> to vector<32xbf16>
        %get3A_384 = arith.index_cast %add3A_353 : i32 to index
        %get3A_385 = arith.constant 32 : index
        %get3A_386 = tpu.vector_load %arg11[%get3A_384, %get3A_385] {strides = array<i32>} : memref<200x64xi32, #tpu.memory_space<vmem>>, vector<16xi32>,
        %bitcast3A_387 = vector.bitcast %get3A_386 : vector<16xi32> to vector<32xbf16>
        %mul3A_388 = arith.mulf %bitcast3A_383, %bitcast3A_387 : vector<32xbf16>
        %unpack3A_389 = tpu.unpack_subelements %mul3A_388, 0 {pack_format = #tpu.pack_format<interleaved>} : vector<32xbf16> -> vector<16xf32>
        %unpack3A_390 = tpu.unpack_subelements %mul3A_388, 1 {pack_format = #tpu.pack_format<interleaved>} : vector<32xbf16> -> vector<16xf32>
        %add3A_391 = arith.addf %add3A_378, %unpack3A_389 : vector<16xf32>
        %add3A_392 = arith.addf %add3A_379, %unpack3A_390 : vector<16xf32>
        %get3A_393 = arith.index_cast %add3A_353 : i32 to index
        %get3A_394 = arith.constant 48 : index
        %get3A_395 = tpu.vector_load %arg10[%get3A_393, %get3A_394] {strides = array<i32>} : memref<200x64xi32, #tpu.memory_space<vmem>>, vector<16xi32>,
        %bitcast3A_396 = vector.bitcast %get3A_395 : vector<16xi32> to vector<32xbf16>
        %get3A_397 = arith.index_cast %add3A_353 : i32 to index
        %get3A_398 = arith.constant 48 : index
        %get3A_399 = tpu.vector_load %arg11[%get3A_397, %get3A_398] {strides = array<i32>} : memref<200x64xi32, #tpu.memory_space<vmem>>, vector<16xi32>,
        %bitcast3A_400 = vector.bitcast %get3A_399 : vector<16xi32> to vector<32xbf16>
        %mul3A_401 = arith.mulf %bitcast3A_396, %bitcast3A_400 : vector<32xbf16>
        %unpack3A_402 = tpu.unpack_subelements %mul3A_401, 0 {pack_format = #tpu.pack_format<interleaved>} : vector<32xbf16> -> vector<16xf32>
        %unpack3A_403 = tpu.unpack_subelements %mul3A_401, 1 {pack_format = #tpu.pack_format<interleaved>} : vector<32xbf16> -> vector<16xf32>
        %add3A_404 = arith.addf %add3A_391, %unpack3A_402 : vector<16xf32>
        %add3A_405 = arith.addf %add3A_392, %unpack3A_403 : vector<16xf32>
        %add3A_406 = arith.addf %add3A_404, %add3A_405 : vector<16xf32>
        %swap3A_407 = arith.constant 4 : i32
        %swap3A_408 = arith.index_cast %swap3A_407 : i32 to index
        %swap3A_409 = arith.constant 0 : index
        %swap3A_410 = tpu.vector_load %arg14[%swap3A_408, %swap3A_409] {strides = array<i32>} : memref<16x17xf32, #tpu.memory_space<vmem>>, vector<16xf32>,
        tpu.vector_store %arg14[%swap3A_408, %swap3A_409], %add3A_406 {strides = array<i32>} : memref<16x17xf32, #tpu.memory_space<vmem>>, vector<16xf32>,
        %add3A_411 = arith.constant 5 : i32
        %add3A_412 = arith.addi %min3A_119, %add3A_411 : i32
        %get3A_413 = arith.index_cast %add3A_412 : i32 to index
        %get3A_414 = arith.constant 0 : index
        %get3A_415 = tpu.vector_load %arg10[%get3A_413, %get3A_414] {strides = array<i32>} : memref<200x64xi32, #tpu.memory_space<vmem>>, vector<16xi32>,
        %bitcast3A_416 = vector.bitcast %get3A_415 : vector<16xi32> to vector<32xbf16>
        %get3A_417 = arith.index_cast %add3A_412 : i32 to index
        %get3A_418 = arith.constant 0 : index
        %get3A_419 = tpu.vector_load %arg11[%get3A_417, %get3A_418] {strides = array<i32>} : memref<200x64xi32, #tpu.memory_space<vmem>>, vector<16xi32>,
        %bitcast3A_420 = vector.bitcast %get3A_419 : vector<16xi32> to vector<32xbf16>
        %mul3A_421 = arith.mulf %bitcast3A_416, %bitcast3A_420 : vector<32xbf16>
        %unpack3A_422 = tpu.unpack_subelements %mul3A_421, 0 {pack_format = #tpu.pack_format<interleaved>} : vector<32xbf16> -> vector<16xf32>
        %unpack3A_423 = tpu.unpack_subelements %mul3A_421, 1 {pack_format = #tpu.pack_format<interleaved>} : vector<32xbf16> -> vector<16xf32>
        %add3A_424 = arith.addf %broadcast_in_dim3A_3, %unpack3A_422 : vector<16xf32>
        %add3A_425 = arith.addf %broadcast_in_dim3A_3, %unpack3A_423 : vector<16xf32>
        %get3A_426 = arith.index_cast %add3A_412 : i32 to index
        %get3A_427 = arith.constant 16 : index
        %get3A_428 = tpu.vector_load %arg10[%get3A_426, %get3A_427] {strides = array<i32>} : memref<200x64xi32, #tpu.memory_space<vmem>>, vector<16xi32>,
        %bitcast3A_429 = vector.bitcast %get3A_428 : vector<16xi32> to vector<32xbf16>
        %get3A_430 = arith.index_cast %add3A_412 : i32 to index
        %get3A_431 = arith.constant 16 : index
        %get3A_432 = tpu.vector_load %arg11[%get3A_430, %get3A_431] {strides = array<i32>} : memref<200x64xi32, #tpu.memory_space<vmem>>, vector<16xi32>,
        %bitcast3A_433 = vector.bitcast %get3A_432 : vector<16xi32> to vector<32xbf16>
        %mul3A_434 = arith.mulf %bitcast3A_429, %bitcast3A_433 : vector<32xbf16>
        %unpack3A_435 = tpu.unpack_subelements %mul3A_434, 0 {pack_format = #tpu.pack_format<interleaved>} : vector<32xbf16> -> vector<16xf32>
        %unpack3A_436 = tpu.unpack_subelements %mul3A_434, 1 {pack_format = #tpu.pack_format<interleaved>} : vector<32xbf16> -> vector<16xf32>
        %add3A_437 = arith.addf %add3A_424, %unpack3A_435 : vector<16xf32>
        %add3A_438 = arith.addf %add3A_425, %unpack3A_436 : vector<16xf32>
        %get3A_439 = arith.index_cast %add3A_412 : i32 to index
        %get3A_440 = arith.constant 32 : index
        %get3A_441 = tpu.vector_load %arg10[%get3A_439, %get3A_440] {strides = array<i32>} : memref<200x64xi32, #tpu.memory_space<vmem>>, vector<16xi32>,
        %bitcast3A_442 = vector.bitcast %get3A_441 : vector<16xi32> to vector<32xbf16>
        %get3A_443 = arith.index_cast %add3A_412 : i32 to index
        %get3A_444 = arith.constant 32 : index
        %get3A_445 = tpu.vector_load %arg11[%get3A_443, %get3A_444] {strides = array<i32>} : memref<200x64xi32, #tpu.memory_space<vmem>>, vector<16xi32>,
        %bitcast3A_446 = vector.bitcast %get3A_445 : vector<16xi32> to vector<32xbf16>
        %mul3A_447 = arith.mulf %bitcast3A_442, %bitcast3A_446 : vector<32xbf16>
        %unpack3A_448 = tpu.unpack_subelements %mul3A_447, 0 {pack_format = #tpu.pack_format<interleaved>} : vector<32xbf16> -> vector<16xf32>
        %unpack3A_449 = tpu.unpack_subelements %mul3A_447, 1 {pack_format = #tpu.pack_format<interleaved>} : vector<32xbf16> -> vector<16xf32>
        %add3A_450 = arith.addf %add3A_437, %unpack3A_448 : vector<16xf32>
        %add3A_451 = arith.addf %add3A_438, %unpack3A_449 : vector<16xf32>
        %get3A_452 = arith.index_cast %add3A_412 : i32 to index
        %get3A_453 = arith.constant 48 : index
        %get3A_454 = tpu.vector_load %arg10[%get3A_452, %get3A_453] {strides = array<i32>} : memref<200x64xi32, #tpu.memory_space<vmem>>, vector<16xi32>,
        %bitcast3A_455 = vector.bitcast %get3A_454 : vector<16xi32> to vector<32xbf16>
        %get3A_456 = arith.index_cast %add3A_412 : i32 to index
        %get3A_457 = arith.constant 48 : index
        %get3A_458 = tpu.vector_load %arg11[%get3A_456, %get3A_457] {strides = array<i32>} : memref<200x64xi32, #tpu.memory_space<vmem>>, vector<16xi32>,
        %bitcast3A_459 = vector.bitcast %get3A_458 : vector<16xi32> to vector<32xbf16>
        %mul3A_460 = arith.mulf %bitcast3A_455, %bitcast3A_459 : vector<32xbf16>
        %unpack3A_461 = tpu.unpack_subelements %mul3A_460, 0 {pack_format = #tpu.pack_format<interleaved>} : vector<32xbf16> -> vector<16xf32>
        %unpack3A_462 = tpu.unpack_subelements %mul3A_460, 1 {pack_format = #tpu.pack_format<interleaved>} : vector<32xbf16> -> vector<16xf32>
        %add3A_463 = arith.addf %add3A_450, %unpack3A_461 : vector<16xf32>
        %add3A_464 = arith.addf %add3A_451, %unpack3A_462 : vector<16xf32>
        %add3A_465 = arith.addf %add3A_463, %add3A_464 : vector<16xf32>
        %swap3A_466 = arith.constant 5 : i32
        %swap3A_467 = arith.index_cast %swap3A_466 : i32 to index
        %swap3A_468 = arith.constant 0 : index
        %swap3A_469 = tpu.vector_load %arg14[%swap3A_467, %swap3A_468] {strides = array<i32>} : memref<16x17xf32, #tpu.memory_space<vmem>>, vector<16xf32>,
        tpu.vector_store %arg14[%swap3A_467, %swap3A_468], %add3A_465 {strides = array<i32>} : memref<16x17xf32, #tpu.memory_space<vmem>>, vector<16xf32>,
        %add3A_470 = arith.constant 6 : i32
        %add3A_471 = arith.addi %min3A_119, %add3A_470 : i32
        %get3A_472 = arith.index_cast %add3A_471 : i32 to index
        %get3A_473 = arith.constant 0 : index
        %get3A_474 = tpu.vector_load %arg10[%get3A_472, %get3A_473] {strides = array<i32>} : memref<200x64xi32, #tpu.memory_space<vmem>>, vector<16xi32>,
        %bitcast3A_475 = vector.bitcast %get3A_474 : vector<16xi32> to vector<32xbf16>
        %get3A_476 = arith.index_cast %add3A_471 : i32 to index
        %get3A_477 = arith.constant 0 : index
        %get3A_478 = tpu.vector_load %arg11[%get3A_476, %get3A_477] {strides = array<i32>} : memref<200x64xi32, #tpu.memory_space<vmem>>, vector<16xi32>,
        %bitcast3A_479 = vector.bitcast %get3A_478 : vector<16xi32> to vector<32xbf16>
        %mul3A_480 = arith.mulf %bitcast3A_475, %bitcast3A_479 : vector<32xbf16>
        %unpack3A_481 = tpu.unpack_subelements %mul3A_480, 0 {pack_format = #tpu.pack_format<interleaved>} : vector<32xbf16> -> vector<16xf32>
        %unpack3A_482 = tpu.unpack_subelements %mul3A_480, 1 {pack_format = #tpu.pack_format<interleaved>} : vector<32xbf16> -> vector<16xf32>
        %add3A_483 = arith.addf %broadcast_in_dim3A_3, %unpack3A_481 : vector<16xf32>
        %add3A_484 = arith.addf %broadcast_in_dim3A_3, %unpack3A_482 : vector<16xf32>
        %get3A_485 = arith.index_cast %add3A_471 : i32 to index
        %get3A_486 = arith.constant 16 : index
        %get3A_487 = tpu.vector_load %arg10[%get3A_485, %get3A_486] {strides = array<i32>} : memref<200x64xi32, #tpu.memory_space<vmem>>, vector<16xi32>,
        %bitcast3A_488 = vector.bitcast %get3A_487 : vector<16xi32> to vector<32xbf16>
        %get3A_489 = arith.index_cast %add3A_471 : i32 to index
        %get3A_490 = arith.constant 16 : index
        %get3A_491 = tpu.vector_load %arg11[%get3A_489, %get3A_490] {strides = array<i32>} : memref<200x64xi32, #tpu.memory_space<vmem>>, vector<16xi32>,
        %bitcast3A_492 = vector.bitcast %get3A_491 : vector<16xi32> to vector<32xbf16>
        %mul3A_493 = arith.mulf %bitcast3A_488, %bitcast3A_492 : vector<32xbf16>
        %unpack3A_494 = tpu.unpack_subelements %mul3A_493, 0 {pack_format = #tpu.pack_format<interleaved>} : vector<32xbf16> -> vector<16xf32>
        %unpack3A_495 = tpu.unpack_subelements %mul3A_493, 1 {pack_format = #tpu.pack_format<interleaved>} : vector<32xbf16> -> vector<16xf32>
        %add3A_496 = arith.addf %add3A_483, %unpack3A_494 : vector<16xf32>
        %add3A_497 = arith.addf %add3A_484, %unpack3A_495 : vector<16xf32>
        %get3A_498 = arith.index_cast %add3A_471 : i32 to index
        %get3A_499 = arith.constant 32 : index
        %get3A_500 = tpu.vector_load %arg10[%get3A_498, %get3A_499] {strides = array<i32>} : memref<200x64xi32, #tpu.memory_space<vmem>>, vector<16xi32>,
        %bitcast3A_501 = vector.bitcast %get3A_500 : vector<16xi32> to vector<32xbf16>
        %get3A_502 = arith.index_cast %add3A_471 : i32 to index
        %get3A_503 = arith.constant 32 : index
        %get3A_504 = tpu.vector_load %arg11[%get3A_502, %get3A_503] {strides = array<i32>} : memref<200x64xi32, #tpu.memory_space<vmem>>, vector<16xi32>,
        %bitcast3A_505 = vector.bitcast %get3A_504 : vector<16xi32> to vector<32xbf16>
        %mul3A_506 = arith.mulf %bitcast3A_501, %bitcast3A_505 : vector<32xbf16>
        %unpack3A_507 = tpu.unpack_subelements %mul3A_506, 0 {pack_format = #tpu.pack_format<interleaved>} : vector<32xbf16> -> vector<16xf32>
        %unpack3A_508 = tpu.unpack_subelements %mul3A_506, 1 {pack_format = #tpu.pack_format<interleaved>} : vector<32xbf16> -> vector<16xf32>
        %add3A_509 = arith.addf %add3A_496, %unpack3A_507 : vector<16xf32>
        %add3A_510 = arith.addf %add3A_497, %unpack3A_508 : vector<16xf32>
        %get3A_511 = arith.index_cast %add3A_471 : i32 to index
        %get3A_512 = arith.constant 48 : index
        %get3A_513 = tpu.vector_load %arg10[%get3A_511, %get3A_512] {strides = array<i32>} : memref<200x64xi32, #tpu.memory_space<vmem>>, vector<16xi32>,
        %bitcast3A_514 = vector.bitcast %get3A_513 : vector<16xi32> to vector<32xbf16>
        %get3A_515 = arith.index_cast %add3A_471 : i32 to index
        %get3A_516 = arith.constant 48 : index
        %get3A_517 = tpu.vector_load %arg11[%get3A_515, %get3A_516] {strides = array<i32>} : memref<200x64xi32, #tpu.memory_space<vmem>>, vector<16xi32>,
        %bitcast3A_518 = vector.bitcast %get3A_517 : vector<16xi32> to vector<32xbf16>
        %mul3A_519 = arith.mulf %bitcast3A_514, %bitcast3A_518 : vector<32xbf16>
        %unpack3A_520 = tpu.unpack_subelements %mul3A_519, 0 {pack_format = #tpu.pack_format<interleaved>} : vector<32xbf16> -> vector<16xf32>
        %unpack3A_521 = tpu.unpack_subelements %mul3A_519, 1 {pack_format = #tpu.pack_format<interleaved>} : vector<32xbf16> -> vector<16xf32>
        %add3A_522 = arith.addf %add3A_509, %unpack3A_520 : vector<16xf32>
        %add3A_523 = arith.addf %add3A_510, %unpack3A_521 : vector<16xf32>
        %add3A_524 = arith.addf %add3A_522, %add3A_523 : vector<16xf32>
        %swap3A_525 = arith.constant 6 : i32
        %swap3A_526 = arith.index_cast %swap3A_525 : i32 to index
        %swap3A_527 = arith.constant 0 : index
        %swap3A_528 = tpu.vector_load %arg14[%swap3A_526, %swap3A_527] {strides = array<i32>} : memref<16x17xf32, #tpu.memory_space<vmem>>, vector<16xf32>,
        tpu.vector_store %arg14[%swap3A_526, %swap3A_527], %add3A_524 {strides = array<i32>} : memref<16x17xf32, #tpu.memory_space<vmem>>, vector<16xf32>,
        %add3A_529 = arith.constant 7 : i32
        %add3A_530 = arith.addi %min3A_119, %add3A_529 : i32
        %get3A_531 = arith.index_cast %add3A_530 : i32 to index
        %get3A_532 = arith.constant 0 : index
        %get3A_533 = tpu.vector_load %arg10[%get3A_531, %get3A_532] {strides = array<i32>} : memref<200x64xi32, #tpu.memory_space<vmem>>, vector<16xi32>,
        %bitcast3A_534 = vector.bitcast %get3A_533 : vector<16xi32> to vector<32xbf16>
        %get3A_535 = arith.index_cast %add3A_530 : i32 to index
        %get3A_536 = arith.constant 0 : index
        %get3A_537 = tpu.vector_load %arg11[%get3A_535, %get3A_536] {strides = array<i32>} : memref<200x64xi32, #tpu.memory_space<vmem>>, vector<16xi32>,
        %bitcast3A_538 = vector.bitcast %get3A_537 : vector<16xi32> to vector<32xbf16>
        %mul3A_539 = arith.mulf %bitcast3A_534, %bitcast3A_538 : vector<32xbf16>
        %unpack3A_540 = tpu.unpack_subelements %mul3A_539, 0 {pack_format = #tpu.pack_format<interleaved>} : vector<32xbf16> -> vector<16xf32>
        %unpack3A_541 = tpu.unpack_subelements %mul3A_539, 1 {pack_format = #tpu.pack_format<interleaved>} : vector<32xbf16> -> vector<16xf32>
        %add3A_542 = arith.addf %broadcast_in_dim3A_3, %unpack3A_540 : vector<16xf32>
        %add3A_543 = arith.addf %broadcast_in_dim3A_3, %unpack3A_541 : vector<16xf32>
        %get3A_544 = arith.index_cast %add3A_530 : i32 to index
        %get3A_545 = arith.constant 16 : index
        %get3A_546 = tpu.vector_load %arg10[%get3A_544, %get3A_545] {strides = array<i32>} : memref<200x64xi32, #tpu.memory_space<vmem>>, vector<16xi32>,
        %bitcast3A_547 = vector.bitcast %get3A_546 : vector<16xi32> to vector<32xbf16>
        %get3A_548 = arith.index_cast %add3A_530 : i32 to index
        %get3A_549 = arith.constant 16 : index
        %get3A_550 = tpu.vector_load %arg11[%get3A_548, %get3A_549] {strides = array<i32>} : memref<200x64xi32, #tpu.memory_space<vmem>>, vector<16xi32>,
        %bitcast3A_551 = vector.bitcast %get3A_550 : vector<16xi32> to vector<32xbf16>
        %mul3A_552 = arith.mulf %bitcast3A_547, %bitcast3A_551 : vector<32xbf16>
        %unpack3A_553 = tpu.unpack_subelements %mul3A_552, 0 {pack_format = #tpu.pack_format<interleaved>} : vector<32xbf16> -> vector<16xf32>
        %unpack3A_554 = tpu.unpack_subelements %mul3A_552, 1 {pack_format = #tpu.pack_format<interleaved>} : vector<32xbf16> -> vector<16xf32>
        %add3A_555 = arith.addf %add3A_542, %unpack3A_553 : vector<16xf32>
        %add3A_556 = arith.addf %add3A_543, %unpack3A_554 : vector<16xf32>
        %get3A_557 = arith.index_cast %add3A_530 : i32 to index
        %get3A_558 = arith.constant 32 : index
        %get3A_559 = tpu.vector_load %arg10[%get3A_557, %get3A_558] {strides = array<i32>} : memref<200x64xi32, #tpu.memory_space<vmem>>, vector<16xi32>,
        %bitcast3A_560 = vector.bitcast %get3A_559 : vector<16xi32> to vector<32xbf16>
        %get3A_561 = arith.index_cast %add3A_530 : i32 to index
        %get3A_562 = arith.constant 32 : index
        %get3A_563 = tpu.vector_load %arg11[%get3A_561, %get3A_562] {strides = array<i32>} : memref<200x64xi32, #tpu.memory_space<vmem>>, vector<16xi32>,
        %bitcast3A_564 = vector.bitcast %get3A_563 : vector<16xi32> to vector<32xbf16>
        %mul3A_565 = arith.mulf %bitcast3A_560, %bitcast3A_564 : vector<32xbf16>
        %unpack3A_566 = tpu.unpack_subelements %mul3A_565, 0 {pack_format = #tpu.pack_format<interleaved>} : vector<32xbf16> -> vector<16xf32>
        %unpack3A_567 = tpu.unpack_subelements %mul3A_565, 1 {pack_format = #tpu.pack_format<interleaved>} : vector<32xbf16> -> vector<16xf32>
        %add3A_568 = arith.addf %add3A_555, %unpack3A_566 : vector<16xf32>
        %add3A_569 = arith.addf %add3A_556, %unpack3A_567 : vector<16xf32>
        %get3A_570 = arith.index_cast %add3A_530 : i32 to index
        %get3A_571 = arith.constant 48 : index
        %get3A_572 = tpu.vector_load %arg10[%get3A_570, %get3A_571] {strides = array<i32>} : memref<200x64xi32, #tpu.memory_space<vmem>>, vector<16xi32>,
        %bitcast3A_573 = vector.bitcast %get3A_572 : vector<16xi32> to vector<32xbf16>
        %get3A_574 = arith.index_cast %add3A_530 : i32 to index
        %get3A_575 = arith.constant 48 : index
        %get3A_576 = tpu.vector_load %arg11[%get3A_574, %get3A_575] {strides = array<i32>} : memref<200x64xi32, #tpu.memory_space<vmem>>, vector<16xi32>,
        %bitcast3A_577 = vector.bitcast %get3A_576 : vector<16xi32> to vector<32xbf16>
        %mul3A_578 = arith.mulf %bitcast3A_573, %bitcast3A_577 : vector<32xbf16>
        %unpack3A_579 = tpu.unpack_subelements %mul3A_578, 0 {pack_format = #tpu.pack_format<interleaved>} : vector<32xbf16> -> vector<16xf32>
        %unpack3A_580 = tpu.unpack_subelements %mul3A_578, 1 {pack_format = #tpu.pack_format<interleaved>} : vector<32xbf16> -> vector<16xf32>
        %add3A_581 = arith.addf %add3A_568, %unpack3A_579 : vector<16xf32>
        %add3A_582 = arith.addf %add3A_569, %unpack3A_580 : vector<16xf32>
        %add3A_583 = arith.addf %add3A_581, %add3A_582 : vector<16xf32>
        %swap3A_584 = arith.constant 7 : i32
        %swap3A_585 = arith.index_cast %swap3A_584 : i32 to index
        %swap3A_586 = arith.constant 0 : index
        %swap3A_587 = tpu.vector_load %arg14[%swap3A_585, %swap3A_586] {strides = array<i32>} : memref<16x17xf32, #tpu.memory_space<vmem>>, vector<16xf32>,
        tpu.vector_store %arg14[%swap3A_585, %swap3A_586], %add3A_583 {strides = array<i32>} : memref<16x17xf32, #tpu.memory_space<vmem>>, vector<16xf32>,
        %add3A_588 = arith.constant 8 : i32
        %add3A_589 = arith.addi %min3A_119, %add3A_588 : i32
        %get3A_590 = arith.index_cast %add3A_589 : i32 to index
        %get3A_591 = arith.constant 0 : index
        %get3A_592 = tpu.vector_load %arg10[%get3A_590, %get3A_591] {strides = array<i32>} : memref<200x64xi32, #tpu.memory_space<vmem>>, vector<16xi32>,
        %bitcast3A_593 = vector.bitcast %get3A_592 : vector<16xi32> to vector<32xbf16>
        %get3A_594 = arith.index_cast %add3A_589 : i32 to index
        %get3A_595 = arith.constant 0 : index
        %get3A_596 = tpu.vector_load %arg11[%get3A_594, %get3A_595] {strides = array<i32>} : memref<200x64xi32, #tpu.memory_space<vmem>>, vector<16xi32>,
        %bitcast3A_597 = vector.bitcast %get3A_596 : vector<16xi32> to vector<32xbf16>
        %mul3A_598 = arith.mulf %bitcast3A_593, %bitcast3A_597 : vector<32xbf16>
        %unpack3A_599 = tpu.unpack_subelements %mul3A_598, 0 {pack_format = #tpu.pack_format<interleaved>} : vector<32xbf16> -> vector<16xf32>
        %unpack3A_600 = tpu.unpack_subelements %mul3A_598, 1 {pack_format = #tpu.pack_format<interleaved>} : vector<32xbf16> -> vector<16xf32>
        %add3A_601 = arith.addf %broadcast_in_dim3A_3, %unpack3A_599 : vector<16xf32>
        %add3A_602 = arith.addf %broadcast_in_dim3A_3, %unpack3A_600 : vector<16xf32>
        %get3A_603 = arith.index_cast %add3A_589 : i32 to index
        %get3A_604 = arith.constant 16 : index
        %get3A_605 = tpu.vector_load %arg10[%get3A_603, %get3A_604] {strides = array<i32>} : memref<200x64xi32, #tpu.memory_space<vmem>>, vector<16xi32>,
        %bitcast3A_606 = vector.bitcast %get3A_605 : vector<16xi32> to vector<32xbf16>
        %get3A_607 = arith.index_cast %add3A_589 : i32 to index
        %get3A_608 = arith.constant 16 : index
        %get3A_609 = tpu.vector_load %arg11[%get3A_607, %get3A_608] {strides = array<i32>} : memref<200x64xi32, #tpu.memory_space<vmem>>, vector<16xi32>,
        %bitcast3A_610 = vector.bitcast %get3A_609 : vector<16xi32> to vector<32xbf16>
        %mul3A_611 = arith.mulf %bitcast3A_606, %bitcast3A_610 : vector<32xbf16>
        %unpack3A_612 = tpu.unpack_subelements %mul3A_611, 0 {pack_format = #tpu.pack_format<interleaved>} : vector<32xbf16> -> vector<16xf32>
        %unpack3A_613 = tpu.unpack_subelements %mul3A_611, 1 {pack_format = #tpu.pack_format<interleaved>} : vector<32xbf16> -> vector<16xf32>
        %add3A_614 = arith.addf %add3A_601, %unpack3A_612 : vector<16xf32>
        %add3A_615 = arith.addf %add3A_602, %unpack3A_613 : vector<16xf32>
        %get3A_616 = arith.index_cast %add3A_589 : i32 to index
        %get3A_617 = arith.constant 32 : index
        %get3A_618 = tpu.vector_load %arg10[%get3A_616, %get3A_617] {strides = array<i32>} : memref<200x64xi32, #tpu.memory_space<vmem>>, vector<16xi32>,
        %bitcast3A_619 = vector.bitcast %get3A_618 : vector<16xi32> to vector<32xbf16>
        %get3A_620 = arith.index_cast %add3A_589 : i32 to index
        %get3A_621 = arith.constant 32 : index
        %get3A_622 = tpu.vector_load %arg11[%get3A_620, %get3A_621] {strides = array<i32>} : memref<200x64xi32, #tpu.memory_space<vmem>>, vector<16xi32>,
        %bitcast3A_623 = vector.bitcast %get3A_622 : vector<16xi32> to vector<32xbf16>
        %mul3A_624 = arith.mulf %bitcast3A_619, %bitcast3A_623 : vector<32xbf16>
        %unpack3A_625 = tpu.unpack_subelements %mul3A_624, 0 {pack_format = #tpu.pack_format<interleaved>} : vector<32xbf16> -> vector<16xf32>
        %unpack3A_626 = tpu.unpack_subelements %mul3A_624, 1 {pack_format = #tpu.pack_format<interleaved>} : vector<32xbf16> -> vector<16xf32>
        %add3A_627 = arith.addf %add3A_614, %unpack3A_625 : vector<16xf32>
        %add3A_628 = arith.addf %add3A_615, %unpack3A_626 : vector<16xf32>
        %get3A_629 = arith.index_cast %add3A_589 : i32 to index
        %get3A_630 = arith.constant 48 : index
        %get3A_631 = tpu.vector_load %arg10[%get3A_629, %get3A_630] {strides = array<i32>} : memref<200x64xi32, #tpu.memory_space<vmem>>, vector<16xi32>,
        %bitcast3A_632 = vector.bitcast %get3A_631 : vector<16xi32> to vector<32xbf16>
        %get3A_633 = arith.index_cast %add3A_589 : i32 to index
        %get3A_634 = arith.constant 48 : index
        %get3A_635 = tpu.vector_load %arg11[%get3A_633, %get3A_634] {strides = array<i32>} : memref<200x64xi32, #tpu.memory_space<vmem>>, vector<16xi32>,
        %bitcast3A_636 = vector.bitcast %get3A_635 : vector<16xi32> to vector<32xbf16>
        %mul3A_637 = arith.mulf %bitcast3A_632, %bitcast3A_636 : vector<32xbf16>
        %unpack3A_638 = tpu.unpack_subelements %mul3A_637, 0 {pack_format = #tpu.pack_format<interleaved>} : vector<32xbf16> -> vector<16xf32>
        %unpack3A_639 = tpu.unpack_subelements %mul3A_637, 1 {pack_format = #tpu.pack_format<interleaved>} : vector<32xbf16> -> vector<16xf32>
        %add3A_640 = arith.addf %add3A_627, %unpack3A_638 : vector<16xf32>
        %add3A_641 = arith.addf %add3A_628, %unpack3A_639 : vector<16xf32>
        %add3A_642 = arith.addf %add3A_640, %add3A_641 : vector<16xf32>
        %swap3A_643 = arith.constant 8 : i32
        %swap3A_644 = arith.index_cast %swap3A_643 : i32 to index
        %swap3A_645 = arith.constant 0 : index
        %swap3A_646 = tpu.vector_load %arg14[%swap3A_644, %swap3A_645] {strides = array<i32>} : memref<16x17xf32, #tpu.memory_space<vmem>>, vector<16xf32>,
        tpu.vector_store %arg14[%swap3A_644, %swap3A_645], %add3A_642 {strides = array<i32>} : memref<16x17xf32, #tpu.memory_space<vmem>>, vector<16xf32>,
        %add3A_647 = arith.constant 9 : i32
        %add3A_648 = arith.addi %min3A_119, %add3A_647 : i32
        %get3A_649 = arith.index_cast %add3A_648 : i32 to index
        %get3A_650 = arith.constant 0 : index
        %get3A_651 = tpu.vector_load %arg10[%get3A_649, %get3A_650] {strides = array<i32>} : memref<200x64xi32, #tpu.memory_space<vmem>>, vector<16xi32>,
        %bitcast3A_652 = vector.bitcast %get3A_651 : vector<16xi32> to vector<32xbf16>
        %get3A_653 = arith.index_cast %add3A_648 : i32 to index
        %get3A_654 = arith.constant 0 : index
        %get3A_655 = tpu.vector_load %arg11[%get3A_653, %get3A_654] {strides = array<i32>} : memref<200x64xi32, #tpu.memory_space<vmem>>, vector<16xi32>,
        %bitcast3A_656 = vector.bitcast %get3A_655 : vector<16xi32> to vector<32xbf16>
        %mul3A_657 = arith.mulf %bitcast3A_652, %bitcast3A_656 : vector<32xbf16>
        %unpack3A_658 = tpu.unpack_subelements %mul3A_657, 0 {pack_format = #tpu.pack_format<interleaved>} : vector<32xbf16> -> vector<16xf32>
        %unpack3A_659 = tpu.unpack_subelements %mul3A_657, 1 {pack_format = #tpu.pack_format<interleaved>} : vector<32xbf16> -> vector<16xf32>
        %add3A_660 = arith.addf %broadcast_in_dim3A_3, %unpack3A_658 : vector<16xf32>
        %add3A_661 = arith.addf %broadcast_in_dim3A_3, %unpack3A_659 : vector<16xf32>
        %get3A_662 = arith.index_cast %add3A_648 : i32 to index
        %get3A_663 = arith.constant 16 : index
        %get3A_664 = tpu.vector_load %arg10[%get3A_662, %get3A_663] {strides = array<i32>} : memref<200x64xi32, #tpu.memory_space<vmem>>, vector<16xi32>,
        %bitcast3A_665 = vector.bitcast %get3A_664 : vector<16xi32> to vector<32xbf16>
        %get3A_666 = arith.index_cast %add3A_648 : i32 to index
        %get3A_667 = arith.constant 16 : index
        %get3A_668 = tpu.vector_load %arg11[%get3A_666, %get3A_667] {strides = array<i32>} : memref<200x64xi32, #tpu.memory_space<vmem>>, vector<16xi32>,
        %bitcast3A_669 = vector.bitcast %get3A_668 : vector<16xi32> to vector<32xbf16>
        %mul3A_670 = arith.mulf %bitcast3A_665, %bitcast3A_669 : vector<32xbf16>
        %unpack3A_671 = tpu.unpack_subelements %mul3A_670, 0 {pack_format = #tpu.pack_format<interleaved>} : vector<32xbf16> -> vector<16xf32>
        %unpack3A_672 = tpu.unpack_subelements %mul3A_670, 1 {pack_format = #tpu.pack_format<interleaved>} : vector<32xbf16> -> vector<16xf32>
        %add3A_673 = arith.addf %add3A_660, %unpack3A_671 : vector<16xf32>
        %add3A_674 = arith.addf %add3A_661, %unpack3A_672 : vector<16xf32>
        %get3A_675 = arith.index_cast %add3A_648 : i32 to index
        %get3A_676 = arith.constant 32 : index
        %get3A_677 = tpu.vector_load %arg10[%get3A_675, %get3A_676] {strides = array<i32>} : memref<200x64xi32, #tpu.memory_space<vmem>>, vector<16xi32>,
        %bitcast3A_678 = vector.bitcast %get3A_677 : vector<16xi32> to vector<32xbf16>
        %get3A_679 = arith.index_cast %add3A_648 : i32 to index
        %get3A_680 = arith.constant 32 : index
        %get3A_681 = tpu.vector_load %arg11[%get3A_679, %get3A_680] {strides = array<i32>} : memref<200x64xi32, #tpu.memory_space<vmem>>, vector<16xi32>,
        %bitcast3A_682 = vector.bitcast %get3A_681 : vector<16xi32> to vector<32xbf16>
        %mul3A_683 = arith.mulf %bitcast3A_678, %bitcast3A_682 : vector<32xbf16>
        %unpack3A_684 = tpu.unpack_subelements %mul3A_683, 0 {pack_format = #tpu.pack_format<interleaved>} : vector<32xbf16> -> vector<16xf32>
        %unpack3A_685 = tpu.unpack_subelements %mul3A_683, 1 {pack_format = #tpu.pack_format<interleaved>} : vector<32xbf16> -> vector<16xf32>
        %add3A_686 = arith.addf %add3A_673, %unpack3A_684 : vector<16xf32>
        %add3A_687 = arith.addf %add3A_674, %unpack3A_685 : vector<16xf32>
        %get3A_688 = arith.index_cast %add3A_648 : i32 to index
        %get3A_689 = arith.constant 48 : index
        %get3A_690 = tpu.vector_load %arg10[%get3A_688, %get3A_689] {strides = array<i32>} : memref<200x64xi32, #tpu.memory_space<vmem>>, vector<16xi32>,
        %bitcast3A_691 = vector.bitcast %get3A_690 : vector<16xi32> to vector<32xbf16>
        %get3A_692 = arith.index_cast %add3A_648 : i32 to index
        %get3A_693 = arith.constant 48 : index
        %get3A_694 = tpu.vector_load %arg11[%get3A_692, %get3A_693] {strides = array<i32>} : memref<200x64xi32, #tpu.memory_space<vmem>>, vector<16xi32>,
        %bitcast3A_695 = vector.bitcast %get3A_694 : vector<16xi32> to vector<32xbf16>
        %mul3A_696 = arith.mulf %bitcast3A_691, %bitcast3A_695 : vector<32xbf16>
        %unpack3A_697 = tpu.unpack_subelements %mul3A_696, 0 {pack_format = #tpu.pack_format<interleaved>} : vector<32xbf16> -> vector<16xf32>
        %unpack3A_698 = tpu.unpack_subelements %mul3A_696, 1 {pack_format = #tpu.pack_format<interleaved>} : vector<32xbf16> -> vector<16xf32>
        %add3A_699 = arith.addf %add3A_686, %unpack3A_697 : vector<16xf32>
        %add3A_700 = arith.addf %add3A_687, %unpack3A_698 : vector<16xf32>
        %add3A_701 = arith.addf %add3A_699, %add3A_700 : vector<16xf32>
        %swap3A_702 = arith.constant 9 : i32
        %swap3A_703 = arith.index_cast %swap3A_702 : i32 to index
        %swap3A_704 = arith.constant 0 : index
        %swap3A_705 = tpu.vector_load %arg14[%swap3A_703, %swap3A_704] {strides = array<i32>} : memref<16x17xf32, #tpu.memory_space<vmem>>, vector<16xf32>,
        tpu.vector_store %arg14[%swap3A_703, %swap3A_704], %add3A_701 {strides = array<i32>} : memref<16x17xf32, #tpu.memory_space<vmem>>, vector<16xf32>,
        %add3A_706 = arith.constant 10 : i32
        %add3A_707 = arith.addi %min3A_119, %add3A_706 : i32
        %get3A_708 = arith.index_cast %add3A_707 : i32 to index
        %get3A_709 = arith.constant 0 : index
        %get3A_710 = tpu.vector_load %arg10[%get3A_708, %get3A_709] {strides = array<i32>} : memref<200x64xi32, #tpu.memory_space<vmem>>, vector<16xi32>,
        %bitcast3A_711 = vector.bitcast %get3A_710 : vector<16xi32> to vector<32xbf16>
        %get3A_712 = arith.index_cast %add3A_707 : i32 to index
        %get3A_713 = arith.constant 0 : index
        %get3A_714 = tpu.vector_load %arg11[%get3A_712, %get3A_713] {strides = array<i32>} : memref<200x64xi32, #tpu.memory_space<vmem>>, vector<16xi32>,
        %bitcast3A_715 = vector.bitcast %get3A_714 : vector<16xi32> to vector<32xbf16>
        %mul3A_716 = arith.mulf %bitcast3A_711, %bitcast3A_715 : vector<32xbf16>
        %unpack3A_717 = tpu.unpack_subelements %mul3A_716, 0 {pack_format = #tpu.pack_format<interleaved>} : vector<32xbf16> -> vector<16xf32>
        %unpack3A_718 = tpu.unpack_subelements %mul3A_716, 1 {pack_format = #tpu.pack_format<interleaved>} : vector<32xbf16> -> vector<16xf32>
        %add3A_719 = arith.addf %broadcast_in_dim3A_3, %unpack3A_717 : vector<16xf32>
        %add3A_720 = arith.addf %broadcast_in_dim3A_3, %unpack3A_718 : vector<16xf32>
        %get3A_721 = arith.index_cast %add3A_707 : i32 to index
        %get3A_722 = arith.constant 16 : index
        %get3A_723 = tpu.vector_load %arg10[%get3A_721, %get3A_722] {strides = array<i32>} : memref<200x64xi32, #tpu.memory_space<vmem>>, vector<16xi32>,
        %bitcast3A_724 = vector.bitcast %get3A_723 : vector<16xi32> to vector<32xbf16>
        %get3A_725 = arith.index_cast %add3A_707 : i32 to index
        %get3A_726 = arith.constant 16 : index
        %get3A_727 = tpu.vector_load %arg11[%get3A_725, %get3A_726] {strides = array<i32>} : memref<200x64xi32, #tpu.memory_space<vmem>>, vector<16xi32>,
        %bitcast3A_728 = vector.bitcast %get3A_727 : vector<16xi32> to vector<32xbf16>
        %mul3A_729 = arith.mulf %bitcast3A_724, %bitcast3A_728 : vector<32xbf16>
        %unpack3A_730 = tpu.unpack_subelements %mul3A_729, 0 {pack_format = #tpu.pack_format<interleaved>} : vector<32xbf16> -> vector<16xf32>
        %unpack3A_731 = tpu.unpack_subelements %mul3A_729, 1 {pack_format = #tpu.pack_format<interleaved>} : vector<32xbf16> -> vector<16xf32>
        %add3A_732 = arith.addf %add3A_719, %unpack3A_730 : vector<16xf32>
        %add3A_733 = arith.addf %add3A_720, %unpack3A_731 : vector<16xf32>
        %get3A_734 = arith.index_cast %add3A_707 : i32 to index
        %get3A_735 = arith.constant 32 : index
        %get3A_736 = tpu.vector_load %arg10[%get3A_734, %get3A_735] {strides = array<i32>} : memref<200x64xi32, #tpu.memory_space<vmem>>, vector<16xi32>,
        %bitcast3A_737 = vector.bitcast %get3A_736 : vector<16xi32> to vector<32xbf16>
        %get3A_738 = arith.index_cast %add3A_707 : i32 to index
        %get3A_739 = arith.constant 32 : index
        %get3A_740 = tpu.vector_load %arg11[%get3A_738, %get3A_739] {strides = array<i32>} : memref<200x64xi32, #tpu.memory_space<vmem>>, vector<16xi32>,
        %bitcast3A_741 = vector.bitcast %get3A_740 : vector<16xi32> to vector<32xbf16>
        %mul3A_742 = arith.mulf %bitcast3A_737, %bitcast3A_741 : vector<32xbf16>
        %unpack3A_743 = tpu.unpack_subelements %mul3A_742, 0 {pack_format = #tpu.pack_format<interleaved>} : vector<32xbf16> -> vector<16xf32>
        %unpack3A_744 = tpu.unpack_subelements %mul3A_742, 1 {pack_format = #tpu.pack_format<interleaved>} : vector<32xbf16> -> vector<16xf32>
        %add3A_745 = arith.addf %add3A_732, %unpack3A_743 : vector<16xf32>
        %add3A_746 = arith.addf %add3A_733, %unpack3A_744 : vector<16xf32>
        %get3A_747 = arith.index_cast %add3A_707 : i32 to index
        %get3A_748 = arith.constant 48 : index
        %get3A_749 = tpu.vector_load %arg10[%get3A_747, %get3A_748] {strides = array<i32>} : memref<200x64xi32, #tpu.memory_space<vmem>>, vector<16xi32>,
        %bitcast3A_750 = vector.bitcast %get3A_749 : vector<16xi32> to vector<32xbf16>
        %get3A_751 = arith.index_cast %add3A_707 : i32 to index
        %get3A_752 = arith.constant 48 : index
        %get3A_753 = tpu.vector_load %arg11[%get3A_751, %get3A_752] {strides = array<i32>} : memref<200x64xi32, #tpu.memory_space<vmem>>, vector<16xi32>,
        %bitcast3A_754 = vector.bitcast %get3A_753 : vector<16xi32> to vector<32xbf16>
        %mul3A_755 = arith.mulf %bitcast3A_750, %bitcast3A_754 : vector<32xbf16>
        %unpack3A_756 = tpu.unpack_subelements %mul3A_755, 0 {pack_format = #tpu.pack_format<interleaved>} : vector<32xbf16> -> vector<16xf32>
        %unpack3A_757 = tpu.unpack_subelements %mul3A_755, 1 {pack_format = #tpu.pack_format<interleaved>} : vector<32xbf16> -> vector<16xf32>
        %add3A_758 = arith.addf %add3A_745, %unpack3A_756 : vector<16xf32>
        %add3A_759 = arith.addf %add3A_746, %unpack3A_757 : vector<16xf32>
        %add3A_760 = arith.addf %add3A_758, %add3A_759 : vector<16xf32>
        %swap3A_761 = arith.constant 10 : i32
        %swap3A_762 = arith.index_cast %swap3A_761 : i32 to index
        %swap3A_763 = arith.constant 0 : index
        %swap3A_764 = tpu.vector_load %arg14[%swap3A_762, %swap3A_763] {strides = array<i32>} : memref<16x17xf32, #tpu.memory_space<vmem>>, vector<16xf32>,
        tpu.vector_store %arg14[%swap3A_762, %swap3A_763], %add3A_760 {strides = array<i32>} : memref<16x17xf32, #tpu.memory_space<vmem>>, vector<16xf32>,
        %add3A_765 = arith.constant 11 : i32
        %add3A_766 = arith.addi %min3A_119, %add3A_765 : i32
        %get3A_767 = arith.index_cast %add3A_766 : i32 to index
        %get3A_768 = arith.constant 0 : index
        %get3A_769 = tpu.vector_load %arg10[%get3A_767, %get3A_768] {strides = array<i32>} : memref<200x64xi32, #tpu.memory_space<vmem>>, vector<16xi32>,
        %bitcast3A_770 = vector.bitcast %get3A_769 : vector<16xi32> to vector<32xbf16>
        %get3A_771 = arith.index_cast %add3A_766 : i32 to index
        %get3A_772 = arith.constant 0 : index
        %get3A_773 = tpu.vector_load %arg11[%get3A_771, %get3A_772] {strides = array<i32>} : memref<200x64xi32, #tpu.memory_space<vmem>>, vector<16xi32>,
        %bitcast3A_774 = vector.bitcast %get3A_773 : vector<16xi32> to vector<32xbf16>
        %mul3A_775 = arith.mulf %bitcast3A_770, %bitcast3A_774 : vector<32xbf16>
        %unpack3A_776 = tpu.unpack_subelements %mul3A_775, 0 {pack_format = #tpu.pack_format<interleaved>} : vector<32xbf16> -> vector<16xf32>
        %unpack3A_777 = tpu.unpack_subelements %mul3A_775, 1 {pack_format = #tpu.pack_format<interleaved>} : vector<32xbf16> -> vector<16xf32>
        %add3A_778 = arith.addf %broadcast_in_dim3A_3, %unpack3A_776 : vector<16xf32>
        %add3A_779 = arith.addf %broadcast_in_dim3A_3, %unpack3A_777 : vector<16xf32>
        %get3A_780 = arith.index_cast %add3A_766 : i32 to index
        %get3A_781 = arith.constant 16 : index
        %get3A_782 = tpu.vector_load %arg10[%get3A_780, %get3A_781] {strides = array<i32>} : memref<200x64xi32, #tpu.memory_space<vmem>>, vector<16xi32>,
        %bitcast3A_783 = vector.bitcast %get3A_782 : vector<16xi32> to vector<32xbf16>
        %get3A_784 = arith.index_cast %add3A_766 : i32 to index
        %get3A_785 = arith.constant 16 : index
        %get3A_786 = tpu.vector_load %arg11[%get3A_784, %get3A_785] {strides = array<i32>} : memref<200x64xi32, #tpu.memory_space<vmem>>, vector<16xi32>,
        %bitcast3A_787 = vector.bitcast %get3A_786 : vector<16xi32> to vector<32xbf16>
        %mul3A_788 = arith.mulf %bitcast3A_783, %bitcast3A_787 : vector<32xbf16>
        %unpack3A_789 = tpu.unpack_subelements %mul3A_788, 0 {pack_format = #tpu.pack_format<interleaved>} : vector<32xbf16> -> vector<16xf32>
        %unpack3A_790 = tpu.unpack_subelements %mul3A_788, 1 {pack_format = #tpu.pack_format<interleaved>} : vector<32xbf16> -> vector<16xf32>
        %add3A_791 = arith.addf %add3A_778, %unpack3A_789 : vector<16xf32>
        %add3A_792 = arith.addf %add3A_779, %unpack3A_790 : vector<16xf32>
        %get3A_793 = arith.index_cast %add3A_766 : i32 to index
        %get3A_794 = arith.constant 32 : index
        %get3A_795 = tpu.vector_load %arg10[%get3A_793, %get3A_794] {strides = array<i32>} : memref<200x64xi32, #tpu.memory_space<vmem>>, vector<16xi32>,
        %bitcast3A_796 = vector.bitcast %get3A_795 : vector<16xi32> to vector<32xbf16>
        %get3A_797 = arith.index_cast %add3A_766 : i32 to index
        %get3A_798 = arith.constant 32 : index
        %get3A_799 = tpu.vector_load %arg11[%get3A_797, %get3A_798] {strides = array<i32>} : memref<200x64xi32, #tpu.memory_space<vmem>>, vector<16xi32>,
        %bitcast3A_800 = vector.bitcast %get3A_799 : vector<16xi32> to vector<32xbf16>
        %mul3A_801 = arith.mulf %bitcast3A_796, %bitcast3A_800 : vector<32xbf16>
        %unpack3A_802 = tpu.unpack_subelements %mul3A_801, 0 {pack_format = #tpu.pack_format<interleaved>} : vector<32xbf16> -> vector<16xf32>
        %unpack3A_803 = tpu.unpack_subelements %mul3A_801, 1 {pack_format = #tpu.pack_format<interleaved>} : vector<32xbf16> -> vector<16xf32>
        %add3A_804 = arith.addf %add3A_791, %unpack3A_802 : vector<16xf32>
        %add3A_805 = arith.addf %add3A_792, %unpack3A_803 : vector<16xf32>
        %get3A_806 = arith.index_cast %add3A_766 : i32 to index
        %get3A_807 = arith.constant 48 : index
        %get3A_808 = tpu.vector_load %arg10[%get3A_806, %get3A_807] {strides = array<i32>} : memref<200x64xi32, #tpu.memory_space<vmem>>, vector<16xi32>,
        %bitcast3A_809 = vector.bitcast %get3A_808 : vector<16xi32> to vector<32xbf16>
        %get3A_810 = arith.index_cast %add3A_766 : i32 to index
        %get3A_811 = arith.constant 48 : index
        %get3A_812 = tpu.vector_load %arg11[%get3A_810, %get3A_811] {strides = array<i32>} : memref<200x64xi32, #tpu.memory_space<vmem>>, vector<16xi32>,
        %bitcast3A_813 = vector.bitcast %get3A_812 : vector<16xi32> to vector<32xbf16>
        %mul3A_814 = arith.mulf %bitcast3A_809, %bitcast3A_813 : vector<32xbf16>
        %unpack3A_815 = tpu.unpack_subelements %mul3A_814, 0 {pack_format = #tpu.pack_format<interleaved>} : vector<32xbf16> -> vector<16xf32>
        %unpack3A_816 = tpu.unpack_subelements %mul3A_814, 1 {pack_format = #tpu.pack_format<interleaved>} : vector<32xbf16> -> vector<16xf32>
        %add3A_817 = arith.addf %add3A_804, %unpack3A_815 : vector<16xf32>
        %add3A_818 = arith.addf %add3A_805, %unpack3A_816 : vector<16xf32>
        %add3A_819 = arith.addf %add3A_817, %add3A_818 : vector<16xf32>
        %swap3A_820 = arith.constant 11 : i32
        %swap3A_821 = arith.index_cast %swap3A_820 : i32 to index
        %swap3A_822 = arith.constant 0 : index
        %swap3A_823 = tpu.vector_load %arg14[%swap3A_821, %swap3A_822] {strides = array<i32>} : memref<16x17xf32, #tpu.memory_space<vmem>>, vector<16xf32>,
        tpu.vector_store %arg14[%swap3A_821, %swap3A_822], %add3A_819 {strides = array<i32>} : memref<16x17xf32, #tpu.memory_space<vmem>>, vector<16xf32>,
        %add3A_824 = arith.constant 12 : i32
        %add3A_825 = arith.addi %min3A_119, %add3A_824 : i32
        %get3A_826 = arith.index_cast %add3A_825 : i32 to index
        %get3A_827 = arith.constant 0 : index
        %get3A_828 = tpu.vector_load %arg10[%get3A_826, %get3A_827] {strides = array<i32>} : memref<200x64xi32, #tpu.memory_space<vmem>>, vector<16xi32>,
        %bitcast3A_829 = vector.bitcast %get3A_828 : vector<16xi32> to vector<32xbf16>
        %get3A_830 = arith.index_cast %add3A_825 : i32 to index
        %get3A_831 = arith.constant 0 : index
        %get3A_832 = tpu.vector_load %arg11[%get3A_830, %get3A_831] {strides = array<i32>} : memref<200x64xi32, #tpu.memory_space<vmem>>, vector<16xi32>,
        %bitcast3A_833 = vector.bitcast %get3A_832 : vector<16xi32> to vector<32xbf16>
        %mul3A_834 = arith.mulf %bitcast3A_829, %bitcast3A_833 : vector<32xbf16>
        %unpack3A_835 = tpu.unpack_subelements %mul3A_834, 0 {pack_format = #tpu.pack_format<interleaved>} : vector<32xbf16> -> vector<16xf32>
        %unpack3A_836 = tpu.unpack_subelements %mul3A_834, 1 {pack_format = #tpu.pack_format<interleaved>} : vector<32xbf16> -> vector<16xf32>
        %add3A_837 = arith.addf %broadcast_in_dim3A_3, %unpack3A_835 : vector<16xf32>
        %add3A_838 = arith.addf %broadcast_in_dim3A_3, %unpack3A_836 : vector<16xf32>
        %get3A_839 = arith.index_cast %add3A_825 : i32 to index
        %get3A_840 = arith.constant 16 : index
        %get3A_841 = tpu.vector_load %arg10[%get3A_839, %get3A_840] {strides = array<i32>} : memref<200x64xi32, #tpu.memory_space<vmem>>, vector<16xi32>,
        %bitcast3A_842 = vector.bitcast %get3A_841 : vector<16xi32> to vector<32xbf16>
        %get3A_843 = arith.index_cast %add3A_825 : i32 to index
        %get3A_844 = arith.constant 16 : index
        %get3A_845 = tpu.vector_load %arg11[%get3A_843, %get3A_844] {strides = array<i32>} : memref<200x64xi32, #tpu.memory_space<vmem>>, vector<16xi32>,
        %bitcast3A_846 = vector.bitcast %get3A_845 : vector<16xi32> to vector<32xbf16>
        %mul3A_847 = arith.mulf %bitcast3A_842, %bitcast3A_846 : vector<32xbf16>
        %unpack3A_848 = tpu.unpack_subelements %mul3A_847, 0 {pack_format = #tpu.pack_format<interleaved>} : vector<32xbf16> -> vector<16xf32>
        %unpack3A_849 = tpu.unpack_subelements %mul3A_847, 1 {pack_format = #tpu.pack_format<interleaved>} : vector<32xbf16> -> vector<16xf32>
        %add3A_850 = arith.addf %add3A_837, %unpack3A_848 : vector<16xf32>
        %add3A_851 = arith.addf %add3A_838, %unpack3A_849 : vector<16xf32>
        %get3A_852 = arith.index_cast %add3A_825 : i32 to index
        %get3A_853 = arith.constant 32 : index
        %get3A_854 = tpu.vector_load %arg10[%get3A_852, %get3A_853] {strides = array<i32>} : memref<200x64xi32, #tpu.memory_space<vmem>>, vector<16xi32>,
        %bitcast3A_855 = vector.bitcast %get3A_854 : vector<16xi32> to vector<32xbf16>
        %get3A_856 = arith.index_cast %add3A_825 : i32 to index
        %get3A_857 = arith.constant 32 : index
        %get3A_858 = tpu.vector_load %arg11[%get3A_856, %get3A_857] {strides = array<i32>} : memref<200x64xi32, #tpu.memory_space<vmem>>, vector<16xi32>,
        %bitcast3A_859 = vector.bitcast %get3A_858 : vector<16xi32> to vector<32xbf16>
        %mul3A_860 = arith.mulf %bitcast3A_855, %bitcast3A_859 : vector<32xbf16>
        %unpack3A_861 = tpu.unpack_subelements %mul3A_860, 0 {pack_format = #tpu.pack_format<interleaved>} : vector<32xbf16> -> vector<16xf32>
        %unpack3A_862 = tpu.unpack_subelements %mul3A_860, 1 {pack_format = #tpu.pack_format<interleaved>} : vector<32xbf16> -> vector<16xf32>
        %add3A_863 = arith.addf %add3A_850, %unpack3A_861 : vector<16xf32>
        %add3A_864 = arith.addf %add3A_851, %unpack3A_862 : vector<16xf32>
        %get3A_865 = arith.index_cast %add3A_825 : i32 to index
        %get3A_866 = arith.constant 48 : index
        %get3A_867 = tpu.vector_load %arg10[%get3A_865, %get3A_866] {strides = array<i32>} : memref<200x64xi32, #tpu.memory_space<vmem>>, vector<16xi32>,
        %bitcast3A_868 = vector.bitcast %get3A_867 : vector<16xi32> to vector<32xbf16>
        %get3A_869 = arith.index_cast %add3A_825 : i32 to index
        %get3A_870 = arith.constant 48 : index
        %get3A_871 = tpu.vector_load %arg11[%get3A_869, %get3A_870] {strides = array<i32>} : memref<200x64xi32, #tpu.memory_space<vmem>>, vector<16xi32>,
        %bitcast3A_872 = vector.bitcast %get3A_871 : vector<16xi32> to vector<32xbf16>
        %mul3A_873 = arith.mulf %bitcast3A_868, %bitcast3A_872 : vector<32xbf16>
        %unpack3A_874 = tpu.unpack_subelements %mul3A_873, 0 {pack_format = #tpu.pack_format<interleaved>} : vector<32xbf16> -> vector<16xf32>
        %unpack3A_875 = tpu.unpack_subelements %mul3A_873, 1 {pack_format = #tpu.pack_format<interleaved>} : vector<32xbf16> -> vector<16xf32>
        %add3A_876 = arith.addf %add3A_863, %unpack3A_874 : vector<16xf32>
        %add3A_877 = arith.addf %add3A_864, %unpack3A_875 : vector<16xf32>
        %add3A_878 = arith.addf %add3A_876, %add3A_877 : vector<16xf32>
        %swap3A_879 = arith.constant 12 : i32
        %swap3A_880 = arith.index_cast %swap3A_879 : i32 to index
        %swap3A_881 = arith.constant 0 : index
        %swap3A_882 = tpu.vector_load %arg14[%swap3A_880, %swap3A_881] {strides = array<i32>} : memref<16x17xf32, #tpu.memory_space<vmem>>, vector<16xf32>,
        tpu.vector_store %arg14[%swap3A_880, %swap3A_881], %add3A_878 {strides = array<i32>} : memref<16x17xf32, #tpu.memory_space<vmem>>, vector<16xf32>,
        %add3A_883 = arith.constant 13 : i32
        %add3A_884 = arith.addi %min3A_119, %add3A_883 : i32
        %get3A_885 = arith.index_cast %add3A_884 : i32 to index
        %get3A_886 = arith.constant 0 : index
        %get3A_887 = tpu.vector_load %arg10[%get3A_885, %get3A_886] {strides = array<i32>} : memref<200x64xi32, #tpu.memory_space<vmem>>, vector<16xi32>,
        %bitcast3A_888 = vector.bitcast %get3A_887 : vector<16xi32> to vector<32xbf16>
        %get3A_889 = arith.index_cast %add3A_884 : i32 to index
        %get3A_890 = arith.constant 0 : index
        %get3A_891 = tpu.vector_load %arg11[%get3A_889, %get3A_890] {strides = array<i32>} : memref<200x64xi32, #tpu.memory_space<vmem>>, vector<16xi32>,
        %bitcast3A_892 = vector.bitcast %get3A_891 : vector<16xi32> to vector<32xbf16>
        %mul3A_893 = arith.mulf %bitcast3A_888, %bitcast3A_892 : vector<32xbf16>
        %unpack3A_894 = tpu.unpack_subelements %mul3A_893, 0 {pack_format = #tpu.pack_format<interleaved>} : vector<32xbf16> -> vector<16xf32>
        %unpack3A_895 = tpu.unpack_subelements %mul3A_893, 1 {pack_format = #tpu.pack_format<interleaved>} : vector<32xbf16> -> vector<16xf32>
        %add3A_896 = arith.addf %broadcast_in_dim3A_3, %unpack3A_894 : vector<16xf32>
        %add3A_897 = arith.addf %broadcast_in_dim3A_3, %unpack3A_895 : vector<16xf32>
        %get3A_898 = arith.index_cast %add3A_884 : i32 to index
        %get3A_899 = arith.constant 16 : index
        %get3A_900 = tpu.vector_load %arg10[%get3A_898, %get3A_899] {strides = array<i32>} : memref<200x64xi32, #tpu.memory_space<vmem>>, vector<16xi32>,
        %bitcast3A_901 = vector.bitcast %get3A_900 : vector<16xi32> to vector<32xbf16>
        %get3A_902 = arith.index_cast %add3A_884 : i32 to index
        %get3A_903 = arith.constant 16 : index
        %get3A_904 = tpu.vector_load %arg11[%get3A_902, %get3A_903] {strides = array<i32>} : memref<200x64xi32, #tpu.memory_space<vmem>>, vector<16xi32>,
        %bitcast3A_905 = vector.bitcast %get3A_904 : vector<16xi32> to vector<32xbf16>
        %mul3A_906 = arith.mulf %bitcast3A_901, %bitcast3A_905 : vector<32xbf16>
        %unpack3A_907 = tpu.unpack_subelements %mul3A_906, 0 {pack_format = #tpu.pack_format<interleaved>} : vector<32xbf16> -> vector<16xf32>
        %unpack3A_908 = tpu.unpack_subelements %mul3A_906, 1 {pack_format = #tpu.pack_format<interleaved>} : vector<32xbf16> -> vector<16xf32>
        %add3A_909 = arith.addf %add3A_896, %unpack3A_907 : vector<16xf32>
        %add3A_910 = arith.addf %add3A_897, %unpack3A_908 : vector<16xf32>
        %get3A_911 = arith.index_cast %add3A_884 : i32 to index
        %get3A_912 = arith.constant 32 : index
        %get3A_913 = tpu.vector_load %arg10[%get3A_911, %get3A_912] {strides = array<i32>} : memref<200x64xi32, #tpu.memory_space<vmem>>, vector<16xi32>,
        %bitcast3A_914 = vector.bitcast %get3A_913 : vector<16xi32> to vector<32xbf16>
        %get3A_915 = arith.index_cast %add3A_884 : i32 to index
        %get3A_916 = arith.constant 32 : index
        %get3A_917 = tpu.vector_load %arg11[%get3A_915, %get3A_916] {strides = array<i32>} : memref<200x64xi32, #tpu.memory_space<vmem>>, vector<16xi32>,
        %bitcast3A_918 = vector.bitcast %get3A_917 : vector<16xi32> to vector<32xbf16>
        %mul3A_919 = arith.mulf %bitcast3A_914, %bitcast3A_918 : vector<32xbf16>
        %unpack3A_920 = tpu.unpack_subelements %mul3A_919, 0 {pack_format = #tpu.pack_format<interleaved>} : vector<32xbf16> -> vector<16xf32>
        %unpack3A_921 = tpu.unpack_subelements %mul3A_919, 1 {pack_format = #tpu.pack_format<interleaved>} : vector<32xbf16> -> vector<16xf32>
        %add3A_922 = arith.addf %add3A_909, %unpack3A_920 : vector<16xf32>
        %add3A_923 = arith.addf %add3A_910, %unpack3A_921 : vector<16xf32>
        %get3A_924 = arith.index_cast %add3A_884 : i32 to index
        %get3A_925 = arith.constant 48 : index
        %get3A_926 = tpu.vector_load %arg10[%get3A_924, %get3A_925] {strides = array<i32>} : memref<200x64xi32, #tpu.memory_space<vmem>>, vector<16xi32>,
        %bitcast3A_927 = vector.bitcast %get3A_926 : vector<16xi32> to vector<32xbf16>
        %get3A_928 = arith.index_cast %add3A_884 : i32 to index
        %get3A_929 = arith.constant 48 : index
        %get3A_930 = tpu.vector_load %arg11[%get3A_928, %get3A_929] {strides = array<i32>} : memref<200x64xi32, #tpu.memory_space<vmem>>, vector<16xi32>,
        %bitcast3A_931 = vector.bitcast %get3A_930 : vector<16xi32> to vector<32xbf16>
        %mul3A_932 = arith.mulf %bitcast3A_927, %bitcast3A_931 : vector<32xbf16>
        %unpack3A_933 = tpu.unpack_subelements %mul3A_932, 0 {pack_format = #tpu.pack_format<interleaved>} : vector<32xbf16> -> vector<16xf32>
        %unpack3A_934 = tpu.unpack_subelements %mul3A_932, 1 {pack_format = #tpu.pack_format<interleaved>} : vector<32xbf16> -> vector<16xf32>
        %add3A_935 = arith.addf %add3A_922, %unpack3A_933 : vector<16xf32>
        %add3A_936 = arith.addf %add3A_923, %unpack3A_934 : vector<16xf32>
        %add3A_937 = arith.addf %add3A_935, %add3A_936 : vector<16xf32>
        %swap3A_938 = arith.constant 13 : i32
        %swap3A_939 = arith.index_cast %swap3A_938 : i32 to index
        %swap3A_940 = arith.constant 0 : index
        %swap3A_941 = tpu.vector_load %arg14[%swap3A_939, %swap3A_940] {strides = array<i32>} : memref<16x17xf32, #tpu.memory_space<vmem>>, vector<16xf32>,
        tpu.vector_store %arg14[%swap3A_939, %swap3A_940], %add3A_937 {strides = array<i32>} : memref<16x17xf32, #tpu.memory_space<vmem>>, vector<16xf32>,
        %add3A_942 = arith.constant 14 : i32
        %add3A_943 = arith.addi %min3A_119, %add3A_942 : i32
        %get3A_944 = arith.index_cast %add3A_943 : i32 to index
        %get3A_945 = arith.constant 0 : index
        %get3A_946 = tpu.vector_load %arg10[%get3A_944, %get3A_945] {strides = array<i32>} : memref<200x64xi32, #tpu.memory_space<vmem>>, vector<16xi32>,
        %bitcast3A_947 = vector.bitcast %get3A_946 : vector<16xi32> to vector<32xbf16>
        %get3A_948 = arith.index_cast %add3A_943 : i32 to index
        %get3A_949 = arith.constant 0 : index
        %get3A_950 = tpu.vector_load %arg11[%get3A_948, %get3A_949] {strides = array<i32>} : memref<200x64xi32, #tpu.memory_space<vmem>>, vector<16xi32>,
        %bitcast3A_951 = vector.bitcast %get3A_950 : vector<16xi32> to vector<32xbf16>
        %mul3A_952 = arith.mulf %bitcast3A_947, %bitcast3A_951 : vector<32xbf16>
        %unpack3A_953 = tpu.unpack_subelements %mul3A_952, 0 {pack_format = #tpu.pack_format<interleaved>} : vector<32xbf16> -> vector<16xf32>
        %unpack3A_954 = tpu.unpack_subelements %mul3A_952, 1 {pack_format = #tpu.pack_format<interleaved>} : vector<32xbf16> -> vector<16xf32>
        %add3A_955 = arith.addf %broadcast_in_dim3A_3, %unpack3A_953 : vector<16xf32>
        %add3A_956 = arith.addf %broadcast_in_dim3A_3, %unpack3A_954 : vector<16xf32>
        %get3A_957 = arith.index_cast %add3A_943 : i32 to index
        %get3A_958 = arith.constant 16 : index
        %get3A_959 = tpu.vector_load %arg10[%get3A_957, %get3A_958] {strides = array<i32>} : memref<200x64xi32, #tpu.memory_space<vmem>>, vector<16xi32>,
        %bitcast3A_960 = vector.bitcast %get3A_959 : vector<16xi32> to vector<32xbf16>
        %get3A_961 = arith.index_cast %add3A_943 : i32 to index
        %get3A_962 = arith.constant 16 : index
        %get3A_963 = tpu.vector_load %arg11[%get3A_961, %get3A_962] {strides = array<i32>} : memref<200x64xi32, #tpu.memory_space<vmem>>, vector<16xi32>,
        %bitcast3A_964 = vector.bitcast %get3A_963 : vector<16xi32> to vector<32xbf16>
        %mul3A_965 = arith.mulf %bitcast3A_960, %bitcast3A_964 : vector<32xbf16>
        %unpack3A_966 = tpu.unpack_subelements %mul3A_965, 0 {pack_format = #tpu.pack_format<interleaved>} : vector<32xbf16> -> vector<16xf32>
        %unpack3A_967 = tpu.unpack_subelements %mul3A_965, 1 {pack_format = #tpu.pack_format<interleaved>} : vector<32xbf16> -> vector<16xf32>
        %add3A_968 = arith.addf %add3A_955, %unpack3A_966 : vector<16xf32>
        %add3A_969 = arith.addf %add3A_956, %unpack3A_967 : vector<16xf32>
        %get3A_970 = arith.index_cast %add3A_943 : i32 to index
        %get3A_971 = arith.constant 32 : index
        %get3A_972 = tpu.vector_load %arg10[%get3A_970, %get3A_971] {strides = array<i32>} : memref<200x64xi32, #tpu.memory_space<vmem>>, vector<16xi32>,
        %bitcast3A_973 = vector.bitcast %get3A_972 : vector<16xi32> to vector<32xbf16>
        %get3A_974 = arith.index_cast %add3A_943 : i32 to index
        %get3A_975 = arith.constant 32 : index
        %get3A_976 = tpu.vector_load %arg11[%get3A_974, %get3A_975] {strides = array<i32>} : memref<200x64xi32, #tpu.memory_space<vmem>>, vector<16xi32>,
        %bitcast3A_977 = vector.bitcast %get3A_976 : vector<16xi32> to vector<32xbf16>
        %mul3A_978 = arith.mulf %bitcast3A_973, %bitcast3A_977 : vector<32xbf16>
        %unpack3A_979 = tpu.unpack_subelements %mul3A_978, 0 {pack_format = #tpu.pack_format<interleaved>} : vector<32xbf16> -> vector<16xf32>
        %unpack3A_980 = tpu.unpack_subelements %mul3A_978, 1 {pack_format = #tpu.pack_format<interleaved>} : vector<32xbf16> -> vector<16xf32>
        %add3A_981 = arith.addf %add3A_968, %unpack3A_979 : vector<16xf32>
        %add3A_982 = arith.addf %add3A_969, %unpack3A_980 : vector<16xf32>
        %get3A_983 = arith.index_cast %add3A_943 : i32 to index
        %get3A_984 = arith.constant 48 : index
        %get3A_985 = tpu.vector_load %arg10[%get3A_983, %get3A_984] {strides = array<i32>} : memref<200x64xi32, #tpu.memory_space<vmem>>, vector<16xi32>,
        %bitcast3A_986 = vector.bitcast %get3A_985 : vector<16xi32> to vector<32xbf16>
        %get3A_987 = arith.index_cast %add3A_943 : i32 to index
        %get3A_988 = arith.constant 48 : index
        %get3A_989 = tpu.vector_load %arg11[%get3A_987, %get3A_988] {strides = array<i32>} : memref<200x64xi32, #tpu.memory_space<vmem>>, vector<16xi32>,
        %bitcast3A_990 = vector.bitcast %get3A_989 : vector<16xi32> to vector<32xbf16>
        %mul3A_991 = arith.mulf %bitcast3A_986, %bitcast3A_990 : vector<32xbf16>
        %unpack3A_992 = tpu.unpack_subelements %mul3A_991, 0 {pack_format = #tpu.pack_format<interleaved>} : vector<32xbf16> -> vector<16xf32>
        %unpack3A_993 = tpu.unpack_subelements %mul3A_991, 1 {pack_format = #tpu.pack_format<interleaved>} : vector<32xbf16> -> vector<16xf32>
        %add3A_994 = arith.addf %add3A_981, %unpack3A_992 : vector<16xf32>
        %add3A_995 = arith.addf %add3A_982, %unpack3A_993 : vector<16xf32>
        %add3A_996 = arith.addf %add3A_994, %add3A_995 : vector<16xf32>
        %swap3A_997 = arith.constant 14 : i32
        %swap3A_998 = arith.index_cast %swap3A_997 : i32 to index
        %swap3A_999 = arith.constant 0 : index
        %swap3A_1000 = tpu.vector_load %arg14[%swap3A_998, %swap3A_999] {strides = array<i32>} : memref<16x17xf32, #tpu.memory_space<vmem>>, vector<16xf32>,
        tpu.vector_store %arg14[%swap3A_998, %swap3A_999], %add3A_996 {strides = array<i32>} : memref<16x17xf32, #tpu.memory_space<vmem>>, vector<16xf32>,
        %add3A_1001 = arith.constant 15 : i32
        %add3A_1002 = arith.addi %min3A_119, %add3A_1001 : i32
        %get3A_1003 = arith.index_cast %add3A_1002 : i32 to index
        %get3A_1004 = arith.constant 0 : index
        %get3A_1005 = tpu.vector_load %arg10[%get3A_1003, %get3A_1004] {strides = array<i32>} : memref<200x64xi32, #tpu.memory_space<vmem>>, vector<16xi32>,
        %bitcast3A_1006 = vector.bitcast %get3A_1005 : vector<16xi32> to vector<32xbf16>
        %get3A_1007 = arith.index_cast %add3A_1002 : i32 to index
        %get3A_1008 = arith.constant 0 : index
        %get3A_1009 = tpu.vector_load %arg11[%get3A_1007, %get3A_1008] {strides = array<i32>} : memref<200x64xi32, #tpu.memory_space<vmem>>, vector<16xi32>,
        %bitcast3A_1010 = vector.bitcast %get3A_1009 : vector<16xi32> to vector<32xbf16>
        %mul3A_1011 = arith.mulf %bitcast3A_1006, %bitcast3A_1010 : vector<32xbf16>
        %unpack3A_1012 = tpu.unpack_subelements %mul3A_1011, 0 {pack_format = #tpu.pack_format<interleaved>} : vector<32xbf16> -> vector<16xf32>
        %unpack3A_1013 = tpu.unpack_subelements %mul3A_1011, 1 {pack_format = #tpu.pack_format<interleaved>} : vector<32xbf16> -> vector<16xf32>
        %add3A_1014 = arith.addf %broadcast_in_dim3A_3, %unpack3A_1012 : vector<16xf32>
        %add3A_1015 = arith.addf %broadcast_in_dim3A_3, %unpack3A_1013 : vector<16xf32>
        %get3A_1016 = arith.index_cast %add3A_1002 : i32 to index
        %get3A_1017 = arith.constant 16 : index
        %get3A_1018 = tpu.vector_load %arg10[%get3A_1016, %get3A_1017] {strides = array<i32>} : memref<200x64xi32, #tpu.memory_space<vmem>>, vector<16xi32>,
        %bitcast3A_1019 = vector.bitcast %get3A_1018 : vector<16xi32> to vector<32xbf16>
        %get3A_1020 = arith.index_cast %add3A_1002 : i32 to index
        %get3A_1021 = arith.constant 16 : index
        %get3A_1022 = tpu.vector_load %arg11[%get3A_1020, %get3A_1021] {strides = array<i32>} : memref<200x64xi32, #tpu.memory_space<vmem>>, vector<16xi32>,
        %bitcast3A_1023 = vector.bitcast %get3A_1022 : vector<16xi32> to vector<32xbf16>
        %mul3A_1024 = arith.mulf %bitcast3A_1019, %bitcast3A_1023 : vector<32xbf16>
        %unpack3A_1025 = tpu.unpack_subelements %mul3A_1024, 0 {pack_format = #tpu.pack_format<interleaved>} : vector<32xbf16> -> vector<16xf32>
        %unpack3A_1026 = tpu.unpack_subelements %mul3A_1024, 1 {pack_format = #tpu.pack_format<interleaved>} : vector<32xbf16> -> vector<16xf32>
        %add3A_1027 = arith.addf %add3A_1014, %unpack3A_1025 : vector<16xf32>
        %add3A_1028 = arith.addf %add3A_1015, %unpack3A_1026 : vector<16xf32>
        %get3A_1029 = arith.index_cast %add3A_1002 : i32 to index
        %get3A_1030 = arith.constant 32 : index
        %get3A_1031 = tpu.vector_load %arg10[%get3A_1029, %get3A_1030] {strides = array<i32>} : memref<200x64xi32, #tpu.memory_space<vmem>>, vector<16xi32>,
        %bitcast3A_1032 = vector.bitcast %get3A_1031 : vector<16xi32> to vector<32xbf16>
        %get3A_1033 = arith.index_cast %add3A_1002 : i32 to index
        %get3A_1034 = arith.constant 32 : index
        %get3A_1035 = tpu.vector_load %arg11[%get3A_1033, %get3A_1034] {strides = array<i32>} : memref<200x64xi32, #tpu.memory_space<vmem>>, vector<16xi32>,
        %bitcast3A_1036 = vector.bitcast %get3A_1035 : vector<16xi32> to vector<32xbf16>
        %mul3A_1037 = arith.mulf %bitcast3A_1032, %bitcast3A_1036 : vector<32xbf16>
        %unpack3A_1038 = tpu.unpack_subelements %mul3A_1037, 0 {pack_format = #tpu.pack_format<interleaved>} : vector<32xbf16> -> vector<16xf32>
        %unpack3A_1039 = tpu.unpack_subelements %mul3A_1037, 1 {pack_format = #tpu.pack_format<interleaved>} : vector<32xbf16> -> vector<16xf32>
        %add3A_1040 = arith.addf %add3A_1027, %unpack3A_1038 : vector<16xf32>
        %add3A_1041 = arith.addf %add3A_1028, %unpack3A_1039 : vector<16xf32>
        %get3A_1042 = arith.index_cast %add3A_1002 : i32 to index
        %get3A_1043 = arith.constant 48 : index
        %get3A_1044 = tpu.vector_load %arg10[%get3A_1042, %get3A_1043] {strides = array<i32>} : memref<200x64xi32, #tpu.memory_space<vmem>>, vector<16xi32>,
        %bitcast3A_1045 = vector.bitcast %get3A_1044 : vector<16xi32> to vector<32xbf16>
        %get3A_1046 = arith.index_cast %add3A_1002 : i32 to index
        %get3A_1047 = arith.constant 48 : index
        %get3A_1048 = tpu.vector_load %arg11[%get3A_1046, %get3A_1047] {strides = array<i32>} : memref<200x64xi32, #tpu.memory_space<vmem>>, vector<16xi32>,
        %bitcast3A_1049 = vector.bitcast %get3A_1048 : vector<16xi32> to vector<32xbf16>
        %mul3A_1050 = arith.mulf %bitcast3A_1045, %bitcast3A_1049 : vector<32xbf16>
        %unpack3A_1051 = tpu.unpack_subelements %mul3A_1050, 0 {pack_format = #tpu.pack_format<interleaved>} : vector<32xbf16> -> vector<16xf32>
        %unpack3A_1052 = tpu.unpack_subelements %mul3A_1050, 1 {pack_format = #tpu.pack_format<interleaved>} : vector<32xbf16> -> vector<16xf32>
        %add3A_1053 = arith.addf %add3A_1040, %unpack3A_1051 : vector<16xf32>
        %add3A_1054 = arith.addf %add3A_1041, %unpack3A_1052 : vector<16xf32>
        %add3A_1055 = arith.addf %add3A_1053, %add3A_1054 : vector<16xf32>
        %swap3A_1056 = arith.constant 15 : i32
        %swap3A_1057 = arith.index_cast %swap3A_1056 : i32 to index
        %swap3A_1058 = arith.constant 0 : index
        %swap3A_1059 = tpu.vector_load %arg14[%swap3A_1057, %swap3A_1058] {strides = array<i32>} : memref<16x17xf32, #tpu.memory_space<vmem>>, vector<16xf32>,
        tpu.vector_store %arg14[%swap3A_1057, %swap3A_1058], %add3A_1055 {strides = array<i32>} : memref<16x17xf32, #tpu.memory_space<vmem>>, vector<16xf32>,
        %broadcast_in_dim3A_1060 = arith.constant 0 : i32
        %broadcast_in_dim3A_1061 = vector.broadcast %broadcast_in_dim3A_1060 : i32 to vector<16xi32>
        %gather3A = tpu.vector_load_idx %arg14[%iota3A, %broadcast_in_dim3A_1061] : memref<16x17xf32, #tpu.memory_space<vmem>>[vector<16xi32>, vector<16xi32>], vector<16xf32>,
        %add3A_1062 = arith.addf %broadcast_in_dim3A_3, %gather3A : vector<16xf32>
        %broadcast_in_dim3A_1063 = arith.constant 1 : i32
        %broadcast_in_dim3A_1064 = vector.broadcast %broadcast_in_dim3A_1063 : i32 to vector<16xi32>
        %gather3A_1065 = tpu.vector_load_idx %arg14[%iota3A, %broadcast_in_dim3A_1064] : memref<16x17xf32, #tpu.memory_space<vmem>>[vector<16xi32>, vector<16xi32>], vector<16xf32>,
        %add3A_1066 = arith.addf %broadcast_in_dim3A_3, %gather3A_1065 : vector<16xf32>
        %broadcast_in_dim3A_1067 = arith.constant 2 : i32
        %broadcast_in_dim3A_1068 = vector.broadcast %broadcast_in_dim3A_1067 : i32 to vector<16xi32>
        %gather3A_1069 = tpu.vector_load_idx %arg14[%iota3A, %broadcast_in_dim3A_1068] : memref<16x17xf32, #tpu.memory_space<vmem>>[vector<16xi32>, vector<16xi32>], vector<16xf32>,
        %add3A_1070 = arith.addf %broadcast_in_dim3A_3, %gather3A_1069 : vector<16xf32>
        %broadcast_in_dim3A_1071 = arith.constant 3 : i32
        %broadcast_in_dim3A_1072 = vector.broadcast %broadcast_in_dim3A_1071 : i32 to vector<16xi32>
        %gather3A_1073 = tpu.vector_load_idx %arg14[%iota3A, %broadcast_in_dim3A_1072] : memref<16x17xf32, #tpu.memory_space<vmem>>[vector<16xi32>, vector<16xi32>], vector<16xf32>,
        %add3A_1074 = arith.addf %broadcast_in_dim3A_3, %gather3A_1073 : vector<16xf32>
        %broadcast_in_dim3A_1075 = arith.constant 4 : i32
        %broadcast_in_dim3A_1076 = vector.broadcast %broadcast_in_dim3A_1075 : i32 to vector<16xi32>
        %gather3A_1077 = tpu.vector_load_idx %arg14[%iota3A, %broadcast_in_dim3A_1076] : memref<16x17xf32, #tpu.memory_space<vmem>>[vector<16xi32>, vector<16xi32>], vector<16xf32>,
        %add3A_1078 = arith.addf %add3A_1062, %gather3A_1077 : vector<16xf32>
        %broadcast_in_dim3A_1079 = arith.constant 5 : i32
        %broadcast_in_dim3A_1080 = vector.broadcast %broadcast_in_dim3A_1079 : i32 to vector<16xi32>
        %gather3A_1081 = tpu.vector_load_idx %arg14[%iota3A, %broadcast_in_dim3A_1080] : memref<16x17xf32, #tpu.memory_space<vmem>>[vector<16xi32>, vector<16xi32>], vector<16xf32>,
        %add3A_1082 = arith.addf %add3A_1066, %gather3A_1081 : vector<16xf32>
        %broadcast_in_dim3A_1083 = arith.constant 6 : i32
        %broadcast_in_dim3A_1084 = vector.broadcast %broadcast_in_dim3A_1083 : i32 to vector<16xi32>
        %gather3A_1085 = tpu.vector_load_idx %arg14[%iota3A, %broadcast_in_dim3A_1084] : memref<16x17xf32, #tpu.memory_space<vmem>>[vector<16xi32>, vector<16xi32>], vector<16xf32>,
        %add3A_1086 = arith.addf %add3A_1070, %gather3A_1085 : vector<16xf32>
        %broadcast_in_dim3A_1087 = arith.constant 7 : i32
        %broadcast_in_dim3A_1088 = vector.broadcast %broadcast_in_dim3A_1087 : i32 to vector<16xi32>
        %gather3A_1089 = tpu.vector_load_idx %arg14[%iota3A, %broadcast_in_dim3A_1088] : memref<16x17xf32, #tpu.memory_space<vmem>>[vector<16xi32>, vector<16xi32>], vector<16xf32>,
        %add3A_1090 = arith.addf %add3A_1074, %gather3A_1089 : vector<16xf32>
        %broadcast_in_dim3A_1091 = arith.constant 8 : i32
        %broadcast_in_dim3A_1092 = vector.broadcast %broadcast_in_dim3A_1091 : i32 to vector<16xi32>
        %gather3A_1093 = tpu.vector_load_idx %arg14[%iota3A, %broadcast_in_dim3A_1092] : memref<16x17xf32, #tpu.memory_space<vmem>>[vector<16xi32>, vector<16xi32>], vector<16xf32>,
        %add3A_1094 = arith.addf %add3A_1078, %gather3A_1093 : vector<16xf32>
        %broadcast_in_dim3A_1095 = arith.constant 9 : i32
        %broadcast_in_dim3A_1096 = vector.broadcast %broadcast_in_dim3A_1095 : i32 to vector<16xi32>
        %gather3A_1097 = tpu.vector_load_idx %arg14[%iota3A, %broadcast_in_dim3A_1096] : memref<16x17xf32, #tpu.memory_space<vmem>>[vector<16xi32>, vector<16xi32>], vector<16xf32>,
        %add3A_1098 = arith.addf %add3A_1082, %gather3A_1097 : vector<16xf32>
        %broadcast_in_dim3A_1099 = arith.constant 10 : i32
        %broadcast_in_dim3A_1100 = vector.broadcast %broadcast_in_dim3A_1099 : i32 to vector<16xi32>
        %gather3A_1101 = tpu.vector_load_idx %arg14[%iota3A, %broadcast_in_dim3A_1100] : memref<16x17xf32, #tpu.memory_space<vmem>>[vector<16xi32>, vector<16xi32>], vector<16xf32>,
        %add3A_1102 = arith.addf %add3A_1086, %gather3A_1101 : vector<16xf32>
        %broadcast_in_dim3A_1103 = arith.constant 11 : i32
        %broadcast_in_dim3A_1104 = vector.broadcast %broadcast_in_dim3A_1103 : i32 to vector<16xi32>
        %gather3A_1105 = tpu.vector_load_idx %arg14[%iota3A, %broadcast_in_dim3A_1104] : memref<16x17xf32, #tpu.memory_space<vmem>>[vector<16xi32>, vector<16xi32>], vector<16xf32>,
        %add3A_1106 = arith.addf %add3A_1090, %gather3A_1105 : vector<16xf32>
        %broadcast_in_dim3A_1107 = arith.constant 12 : i32
        %broadcast_in_dim3A_1108 = vector.broadcast %broadcast_in_dim3A_1107 : i32 to vector<16xi32>
        %gather3A_1109 = tpu.vector_load_idx %arg14[%iota3A, %broadcast_in_dim3A_1108] : memref<16x17xf32, #tpu.memory_space<vmem>>[vector<16xi32>, vector<16xi32>], vector<16xf32>,
        %add3A_1110 = arith.addf %add3A_1094, %gather3A_1109 : vector<16xf32>
        %broadcast_in_dim3A_1111 = arith.constant 13 : i32
        %broadcast_in_dim3A_1112 = vector.broadcast %broadcast_in_dim3A_1111 : i32 to vector<16xi32>
        %gather3A_1113 = tpu.vector_load_idx %arg14[%iota3A, %broadcast_in_dim3A_1112] : memref<16x17xf32, #tpu.memory_space<vmem>>[vector<16xi32>, vector<16xi32>], vector<16xf32>,
        %add3A_1114 = arith.addf %add3A_1098, %gather3A_1113 : vector<16xf32>
        %broadcast_in_dim3A_1115 = arith.constant 14 : i32
        %broadcast_in_dim3A_1116 = vector.broadcast %broadcast_in_dim3A_1115 : i32 to vector<16xi32>
        %gather3A_1117 = tpu.vector_load_idx %arg14[%iota3A, %broadcast_in_dim3A_1116] : memref<16x17xf32, #tpu.memory_space<vmem>>[vector<16xi32>, vector<16xi32>], vector<16xf32>,
        %add3A_1118 = arith.addf %add3A_1102, %gather3A_1117 : vector<16xf32>
        %broadcast_in_dim3A_1119 = arith.constant 15 : i32
        %broadcast_in_dim3A_1120 = vector.broadcast %broadcast_in_dim3A_1119 : i32 to vector<16xi32>
        %gather3A_1121 = tpu.vector_load_idx %arg14[%iota3A, %broadcast_in_dim3A_1120] : memref<16x17xf32, #tpu.memory_space<vmem>>[vector<16xi32>, vector<16xi32>], vector<16xf32>,
        %add3A_1122 = arith.addf %add3A_1106, %gather3A_1121 : vector<16xf32>
        %add3A_1123 = arith.addf %add3A_1110, %add3A_1114 : vector<16xf32>
        %add3A_1124 = arith.addf %add3A_1118, %add3A_1122 : vector<16xf32>
        %add3A_1125 = arith.addf %add3A_1123, %add3A_1124 : vector<16xf32>
        %swap3A_1126 = arith.index_cast %min3A_119 : i32 to index
        %swap3A_1127 = tpu.vector_load %arg13[%swap3A_1126] {strides = array<i32>} : memref<200xf32, #tpu.memory_space<vmem>>, vector<16xf32>,
        tpu.vector_store %arg13[%swap3A_1126], %add3A_1125 {strides = array<i32>} : memref<200xf32, #tpu.memory_space<vmem>>, vector<16xf32>,
      }
      %scan3A_106 = arith.constant 13 : i32
      %mul3A_107 = arith.constant 200 : i32
      %mul3A_108 = arith.muli %add3A_93, %mul3A_107 : i32
      %add3A_109 = arith.addi %mul3A_2, %mul3A_108 : i32
      %dma_start3A_110 = arith.constant 0 : i32
      %dma_start3A_111 = tpu.memref_slice %arg13[%dma_start3A_110] : memref<200xf32, #tpu.memory_space<vmem>> -> memref<200xf32, #tpu.memory_space<vmem>>
      %dma_start3A_112 = tpu.memref_slice %arg5[%add3A_109] : memref<320000xf32, #tpu.memory_space<hbm>> -> memref<200xf32, #tpu.memory_space<hbm>>
      %dma_start3A_113 = tpu.memref_slice %arg5[%add3A_109] : memref<320000xf32, #tpu.memory_space<hbm>> -> memref<200xf32, #tpu.memory_space<hbm>>
      %dma_start3A_114 = arith.constant 0 : i32
      %dma_start3A_115 = tpu.memref_slice %arg13[%dma_start3A_114] : memref<200xf32, #tpu.memory_space<vmem>> -> memref<200xf32, #tpu.memory_space<vmem>>
      tpu.enqueue_dma source(%dma_start3A_115 : memref<200xf32, #tpu.memory_space<vmem>>) target(%dma_start3A_113 : memref<200xf32, #tpu.memory_space<hbm>>) target_semaphore(%arg18 : memref<!tpu.dma_semaphore, #tpu.memory_space<semaphore_mem>>)
    }
    %scan3A_17 = arith.constant 25 : i32
    %add3A_18 = arith.constant 9600 : i32
    %add3A_19 = arith.addi %mul3A_2, %add3A_18 : i32
    %dma_wait3A = arith.constant 0 : i32
    %dma_wait3A_20 = tpu.memref_slice %arg12[%dma_wait3A] : memref<200xf32, #tpu.memory_space<vmem>> -> memref<200xf32, #tpu.memory_space<vmem>>
    %dma_wait3A_21 = tpu.memref_slice %arg5[%add3A_19] : memref<320000xf32, #tpu.memory_space<hbm>> -> memref<200xf32, #tpu.memory_space<hbm>>
    %dma_wait3A_22 = tpu.memref_slice %arg5[%add3A_19] : memref<320000xf32, #tpu.memory_space<hbm>> -> memref<200xf32, #tpu.memory_space<hbm>>
    %dma_wait3A_23 = arith.constant 0 : i32
    %dma_wait3A_24 = tpu.memref_slice %arg12[%dma_wait3A_23] : memref<200xf32, #tpu.memory_space<vmem>> -> memref<200xf32, #tpu.memory_space<vmem>>
    tpu.wait_dma2 semaphore(%arg17 : memref<!tpu.dma_semaphore, #tpu.memory_space<semaphore_mem>>) src(%dma_wait3A_24 : memref<200xf32, #tpu.memory_space<vmem>>) dst(%dma_wait3A_22 : memref<200xf32, #tpu.memory_space<hbm>>)
    %add3A_25 = arith.constant 9800 : i32
    %add3A_26 = arith.addi %mul3A_2, %add3A_25 : i32
    %dma_wait3A_27 = arith.constant 0 : i32
    %dma_wait3A_28 = tpu.memref_slice %arg13[%dma_wait3A_27] : memref<200xf32, #tpu.memory_space<vmem>> -> memref<200xf32, #tpu.memory_space<vmem>>
    %dma_wait3A_29 = tpu.memref_slice %arg5[%add3A_26] : memref<320000xf32, #tpu.memory_space<hbm>> -> memref<200xf32, #tpu.memory_space<hbm>>
    %dma_wait3A_30 = tpu.memref_slice %arg5[%add3A_26] : memref<320000xf32, #tpu.memory_space<hbm>> -> memref<200xf32, #tpu.memory_space<hbm>>
    %dma_wait3A_31 = arith.constant 0 : i32
    %dma_wait3A_32 = tpu.memref_slice %arg13[%dma_wait3A_31] : memref<200xf32, #tpu.memory_space<vmem>> -> memref<200xf32, #tpu.memory_space<vmem>>
    tpu.wait_dma2 semaphore(%arg18 : memref<!tpu.dma_semaphore, #tpu.memory_space<semaphore_mem>>) src(%dma_wait3A_32 : memref<200xf32, #tpu.memory_space<vmem>>) dst(%dma_wait3A_30 : memref<200xf32, #tpu.memory_space<hbm>>)
    return
  }
}

</mosaic_0001>

<sc_bundles>
// kernel: kernel.3.cloned.1.call-start
scs
__scs_entry_jumppad:
0x0: {  	(pc) =	sbr.rel $0x88, $3  }
0x1: {  	(tag) =	ssettag $0x0;
	lr =	simm.s32 $0x1  }
0x2: {  	[smem:$0x3F9F] =	sst lr;
	_ =	strace $0xD0000000  }
0x3: {  	_ = 	snop  }
0x4: {  	_ = 	snop  }
0x5: {  	_ = 	snop  }
0x6: {  	_ = 	snop  }
0x7: {  	_ = 	snop  }
__scs_overlays_trampoline_lowered:
0x8: {  	[smem:$0x3FAE] =	sst s0  }
0x9: {  	[smem:$0x3FAF] =	sst s1  }
0xa: {  	[smem:$0x3FB0] =	sst s2  }
0xb: {  	[smem:$0x3FB1] =	sst s3  }
0xc: {  	[smem:$0x3FB2] =	sst s4  }
0xd: {  	[smem:$0x3FB3] =	sst s5  }
0xe: {  	[smem:$0x3FB4] =	sst s6  }
0xf: {  	[smem:$0x3FB5] =	sst s7  }
0x10: {  	[smem:$0x3FB6] =	sst s8  }
0x11: {  	[smem:$0x3FB7] =	sst s9;
	s0 =	simm.s32 @!p0 $0x0  }
0x12: {  	s1 =	sld [smem:$0x3F9D];
	s0 =	simm.s32 @p0 $0x1  }
0x13: {  	[smem:$0x3FB8] =	sst s0;
	s0 =	simm.s32 @!p1 $0x0  }
0x14: {  	s2 =	sld [smem:$0x3F9C];
	s0 =	simm.s32 @p1 $0x1  }
0x15: {  	[smem:$0x3FB9] =	sst s0;
	s0 =	simm.s32 @!p2 $0x0  }
0x16: {  	s3 =	sld [smem:$0x3FDB];
	s0 =	simm.s32 @p2 $0x1  }
0x17: {  	s4 =	simm.s32 $0x1BF5;
	[smem:$0x3FBB] =	sst s0  }
0x18: {  	s0 =	sld [smem:$0x3F9E];
	_ =	swait.ge [sflag:s4], $0x0  }
0x19: {  	s7 =	sld [smem:$0x3F9F]  }
0x1a: {  	s8 =	sadd.s32 $0xFFFFE003, lr  }
0x1b: {  	s9 =	sadd.s32 $0xFFFFFEF7, lr;
	s5 =	simm.s32 $0xFFFFFFFF;
	p2 =	slt.u32 s8, $0xFFFFF086  }
0x1c: {  	p1 =	slt.u32 s9, $0xF7A;
	s5 =	simm.s32 @!p2 $0x0  }
0x1d: {  	s5 =	simm.s32 @p1 $0x1;
	p0 =	seq.s32 s7, s2  }
0x1e: {  	s7 =	smul.u32 @!p0 $0xF7A, s2;
	p2 =	seq.s32 @!p0 s5, $0x0  }
0x1f: {  	s9 =	smul.u32 $0xF7A, s1;
	s8 =	simm.s32 @!p0 $0x1BF5;
	p2 =	por !p2, p0  }
0x20: {  	[sflag:s8] =	ssyncset.s32 @!p0 $0xFFFFF086;
	s6 =	sadd.s32 @!p0 s3, s7;
	s7 =	simm.s32 @!p0 $0x108  }
0x21: {  	s3 =	sadd.s32 s3, s9;
	s6 =	sadd.s32 @!p0 $0x88, s6;
	s7 =	simm.s32 @p2 $0x1082  }
0x22: {  	[simem:s7], [sflag:s8] =	dma.local @!p0 [hbm:s6], $0xF7A  }
0x23: {  	s9 =	sor.u32 $0xD0000000, s2;
	s6 =	simm.s32 $0x108;
	_ =	swait.ge @!p0 [sflag:s8], $0x0  }
0x24: {  	s3 =	sadd.s32 $0x88, s3;
	s6 =	simm.s32 @!p1 $0x1082;
	[sflag:s4] =	ssyncset.s32 $0xFFFFF086  }
0x25: {  	[simem:s6], [sflag:s4] =	dma.local [hbm:s3], $0xF7A  }
0x26: {  	[smem:$0x3F9F] =	sst s1;
	(tag) =	ssettag s2;
	_ =	strace s9  }
0x27: {  	s1 =	sld [smem:$0x3FAF]  }
0x28: {  	s2 =	sld [smem:$0x3FB0]  }
0x29: {  	s4 =	sld [smem:$0x3FB2]  }
0x2a: {  	p0 =	seq.s32 s5, $0x0;
	s5 =	sld [smem:$0x3FB3]  }
0x2b: {  	s6 =	sld [smem:$0x3FB4]  }
0x2c: {  	s7 =	sld [smem:$0x3FB5]  }
0x2d: {  	s3 =	simm.s32 $0x108;
	s8 =	sld [smem:$0x3FB6]  }
0x2e: {  	s3 =	simm.s32 @!p0 $0x1082;
	s9 =	sld [smem:$0x3FB7]  }
0x2f: {  	lr =	sadd.s32 s0, s3;
	s0 =	sld [smem:$0x3FAE]  }
0x30: {  	s3 =	sld [smem:$0x3FB1]  }
0x31: {  	[smem:$0x3FBA] =	sst s10  }
0x32: {  	s10 =	sld [smem:$0x3FB8];
	_ =	sdelay $0x3  }
0x33: {  	p0 =	seq.s32 s10, $0x1;
	s10 =	sld [smem:$0x3FBA];
	_ =	sdelay $0x3  }
0x34: {  	[smem:$0x3FBA] =	sst s10  }
0x35: {  	s10 =	sld [smem:$0x3FB9];
	_ =	sdelay $0x3  }
0x36: {  	p1 =	seq.s32 s10, $0x1;
	s10 =	sld [smem:$0x3FBA];
	_ =	sdelay $0x3  }
0x37: {  	[smem:$0x3FBA] =	sst s10  }
0x38: {  	s10 =	sld [smem:$0x3FBB]  }
0x39: {  	_ = 	snop;
	(pc) =	sbr.ind lr, $3  }
0x3a: {  	_ = 	snop  }
0x3b: {  	_ = 	snop  }
0x3c: {  	p2 =	seq.s32 s10, $0x1;
	s10 =	sld [smem:$0x3FBA]  }
0x3d: {  	_ =	shalt  }
0x3e: {  	_ =	shalt  }
0x3f: {  	_ =	shalt  }
0x40: {  	_ =	shalt  }
0x41: {  	_ =	shalt  }
0x42: {  	_ =	shalt  }
0x43: {  	_ =	shalt  }
0x44: {  	_ =	shalt  }
0x45: {  	_ =	shalt  }
0x46: {  	_ =	shalt  }
0x47: {  	_ =	shalt  }
0x48: {  	_ =	shalt  }
0x49: {  	_ =	shalt  }
0x4a: {  	_ =	shalt  }
0x4b: {  	_ =	shalt  }
0x4c: {  	_ =	shalt  }
0x4d: {  	_ =	shalt  }
0x4e: {  	_ =	shalt  }
0x4f: {  	_ =	shalt  }
0x50: {  	_ =	shalt  }
0x51: {  	_ =	shalt  }
0x52: {  	_ =	shalt  }
0x53: {  	_ =	shalt  }
0x54: {  	_ =	shalt  }
0x55: {  	_ =	shalt  }
0x56: {  	_ =	shalt  }
0x57: {  	_ =	shalt  }
0x58: {  	_ =	shalt  }
0x59: {  	_ =	shalt  }
0x5a: {  	_ =	shalt  }
0x5b: {  	_ =	shalt  }
0x5c: {  	_ =	shalt  }
0x5d: {  	_ =	shalt  }
0x5e: {  	_ =	shalt  }
0x5f: {  	_ =	shalt  }
0x60: {  	_ =	shalt  }
0x61: {  	_ =	shalt  }
0x62: {  	_ =	shalt  }
0x63: {  	_ =	shalt  }
0x64: {  	_ =	shalt  }
0x65: {  	_ =	shalt  }
0x66: {  	_ =	shalt  }
0x67: {  	_ =	shalt  }
0x68: {  	_ =	shalt  }
0x69: {  	_ =	shalt  }
0x6a: {  	_ =	shalt  }
0x6b: {  	_ =	shalt  }
0x6c: {  	_ =	shalt  }
0x6d: {  	_ =	shalt  }
0x6e: {  	_ =	shalt  }
0x6f: {  	_ =	shalt  }
0x70: {  	_ =	shalt  }
0x71: {  	_ =	shalt  }
0x72: {  	_ =	shalt  }
0x73: {  	_ =	shalt  }
0x74: {  	_ =	shalt  }
0x75: {  	_ =	shalt  }
0x76: {  	_ =	shalt  }
0x77: {  	_ =	shalt  }
0x78: {  	_ =	shalt  }
0x79: {  	_ =	shalt  }
0x7a: {  	_ =	shalt  }
0x7b: {  	_ =	shalt  }
0x7c: {  	_ =	shalt  }
0x7d: {  	_ =	shalt  }
0x7e: {  	_ =	shalt  }
0x7f: {  	_ =	shalt  }
0x80: {  	_ =	shalt  }
0x81: {  	_ =	shalt  }
0x82: {  	_ =	shalt  }
0x83: {  	_ =	shalt  }
0x84: {  	_ =	shalt  }
0x85: {  	_ =	shalt  }
0x86: {  	_ =	shalt  }
0x87: {  	_ =	shalt  }
.Lfunc_end0:
.L_simem_size_0:
called_computation_lowered:
.L_overlay_start_0:
0x88: {  	s2 =	sld [smem:$0x3FD9]  }
0x89: {  	s3 =	sld [smem:$0x3FFE];
	_ =	sdelay $0x1  }
0x8a: {  	s1 =	srdreg.scid  }
0x8b: {  	s0 =	sand.u32 $0x1, s1  }
0x8c: {  	s17 =	sshll.u32 s0, $0xA;
	s2 =	sadd.s32 s3, s2  }
0x8d: {  	s2 =	sadd.s32 s2, s17  }
0x8e: {  	[smem:$0x3FC6] =	sst s2  }
0x8f: {  	_ = 	snop  }
0x90: {  	s2 =	sld [smem:$0x3FD0];
	(tm) =	ssettm $0x1  }
0x91: {  	s18 =	sld [smem:$0x3FFB];
	_ =	sdelay $0x3  }
0x92: {  	_ =	strace s18  }
0x93: {  	s3 =	sld [smem:$0x3FFC];
	_ =	sdelay $0x3  }
0x94: {  	_ =	strace s3  }
0x95: {  	s3 =	sld [smem:$0x3FFD];
	_ =	sdelay $0x3  }
0x96: {  	_ =	strace s3  }
0x97: {  	_ =	strace $0x8FFFFFFF  }
0x98: {  	s19 =	sld [smem:$0x3FDB];
	_ =	sdelay $0x1  }
0x99: {  	s4 =	simm.s32 $_scs_section_size  }
0x9a: {  	s5 =	simm.s32 $_size__tile_overlayer_lowered;
	s6 =	simm.s32 $_tile_overlayer_lowered  }
0x9b: {  	s22 =	simm.s32 $0x1BFF;
	s21 =	sshll.u32 s6, $0x1;
	s3 =	sadd.s32 s4, s19  }
0x9c: {  	s7 =	simm.s32 $0x0;
	s20 =	sshll.u32 s5, $0x1;
	s5 =	sadd.s32 s21, s3  }
0x9d: {  	[timem:s7], [sflag:s22] =	dma.local [hbm:s5], s20  }
0x9e: {  	_ =	swait.ge [sflag:s22], s20  }
0x9f: {  	s4 =	ssub.s32 $0x0, s20;
	[sflag:s22] =	ssyncset.done $0x0  }
0xa0: {  	[sflag:s22] =	ssyncadd.s32 s4;
	_ =	sdelay $0x1  }
0xa1: {  	s23 =	simm.s32 $0x1B8B  }
0xa2: {  	_ =	swait.ge [sflag:s23], $0x1  }
0xa3: {  	[sflag:s23] =	ssyncset.done $0x0  }
0xa4: {  	s25 =	simm.s32 $0x1B8E;
	s24 =	sld [smem:$0x3FFE];
	[sflag:s23] =	ssyncadd.s32 $0xFFFFFFFF  }
0xa5: {  	s26 =	simm.s32 $execute0_lowered;
	[smem:$0x3FD2] =	sst s25  }
0xa6: {  	s5 =	sshll.u32 s26, $0x1;
	_ =	strace $0x80000046;
	[dreg:$0x1] =	wrdreg $0xFFFFFFFF  }
0xa7: {  	s28 =	simm.s32 $_size_execute0_lowered;
	s3 =	sadd.s32 s3, s5;
	[dreg:$0x0] =	wrdreg $0x0  }
0xa8: {  	s5 =	sshll.u32 s28, $0x1;
	[dreg:$0x2] =	wrdreg s3  }
0xa9: {  	[dreg:$0x3] =	wrdreg s5  }
0xaa: {  	[dreg:$0x4] =	wrdreg $0xC0  }
0xab: {  	_ =	task [dreg:s7], $0x5FFFF  }
0xac: {  	[dreg:$0x1] =	wrdreg $0xFFFFFFFF  }
0xad: {  	[dreg:$0x0] =	wrdreg $0x60  }
0xae: {  	[dreg:$0x2] =	wrdreg s24  }
0xaf: {  	[dreg:$0x3] =	wrdreg s2  }
0xb0: {  	[dreg:$0x4] =	wrdreg $0x9  }
0xb1: {  	_ =	task.clear_ibuf [dreg:s7], $0x5FFFF;
	_ =	strace $0x90000046  }
0xb2: {  	s29 =	simm.s32 $0x9;
	_ =	strace $0x80000048  }
0xb3: {  	_ =	swait.ge [sflag:s29], $0x1  }
0xb4: {  	[sflag:s29] =	ssyncadd.s32 $0xFFFFFFFF  }
0xb5: {  	_ =	strace $0x90000048  }
0xb6: {  	_ =	sfence  }
0xb7: {  	s30 =	sld [smem:$0x0];
	_ =	sdelay $0x2  }
0xb8: {  	s31 =	sshll.u32 s1, $0xD;
	s1 =	sshrl.u32 s1, $0x2  }
0xb9: {  	s3 =	sand.u32 $0x4000, s31;
	s1 =	sadd.s32 s1, s30  }
0xba: {  	s0 =	sor.u32 s3, s0;
	s1 =	sshll.u32 s1, $0x11  }
0xbb: {  	s0 =	sor.u32 s1, s0  }
0xbc: {  	s0 =	sadd.s32 $0x8F2B, s0  }
0xbd: {  	[sflag:s0] =	ssyncadd.remote.s32 $0x1  }
0xbe: {  	_ =	sfence.sel $0xFFFF  }
0xbf: {  	[dreg:$0x0] =	wrdreg $0xFFFFFFFF;
	(pc) =	sbr.abs _section_cstart, $3  }
0xc0: {  	[dreg:$0x1] =	wrdreg $0xFFFFFFFF  }
0xc1: {  	_ =	task.clear_ibuf [dreg:s7], $0x2FFFF;
	_ =	strace $0x9FFFFFFF  }
0xc2: {  	(tm) =	ssettm $0x7FFFFFFF  }
0xc3: {  	_ =	shalt  }
tec
execute0_lowered:
.L_overlay_start_1:
0x0: {  	(tag) =	ssettag $0x1  }
0x1: {  	s1 =	srdreg.scid;
	s2 =	rddreg [dreg:$0x0]  }
0x2: {  	s0 =	stileid.u32;
	s3 =	rddreg [dreg:$0x1];
	s5 =	simm.s32 $0x0  }
0x3: {  	s9 =	simm.s32 $0x5;
	s10 =	simm.s32 $0x2710;
	s11 =	simm.s32 $0xC8  }
0x4: {  	s12 =	simm.s32 $0x4E20;
	s13 =	simm.s32 $0x8020;
	s14 =	simm.s32 $0xB220  }
0x5: {  	v0 =	vlaneseq.u32;
	s15 =	simm.s32 $0xE420;
	s16 =	simm.s32 $0x1;
	s17 =	simm.s32 $0x117B0  }
0x6: {  	s18 =	simm.s32 $0x11620;
	s6 =	sand.u32 $0x1, s1;
	s31 =	sshll.u32 s0, $0x1;
	v0 =	vmul.u32 $0x18, v0  }
0x7: {  	s19 =	simm.s32 $0x2;
	s20 =	simm.s32 $0x116E8;
	s1 =	sor.u32 s6, s31  }
0x8: {  	s21 =	simm.s32 $0x3;
	s22 =	simm.s32 $0x4;
	s4 =	smul.u32 $0x2710, s1;
	v1 =	vor.u32 $0x1, v0;
	v2 =	vor.u32 $0x2, v0;
	v3 =	vor.u32 $0x3, v0  }
0x9: {  	s23 =	simm.s32 $0x0;
	[smem:$0x7FF] =	sst s5;
	s6 =	ssub.s32 $0x2, s6;
	v4 =	vor.u32 $0x4, v0;
	v5 =	vor.u32 $0x5, v0;
	v6 =	vor.u32 $0x6, v0  }
0xa: {  	s1 =	rddreg [dreg:$0x2];
	s8 =	sshrl.u32 s6, $0x1;
	v7 =	vor.u32 $0x7, v0;
	v8 =	vadd.s32 $0x8, v0;
	v9 =	vadd.s32 $0x9, v0;
	s7 =	sshrl.u32 s4, $0x3  }
0xb: {  	_ =	strace $0x80000047;
	v10 =	vadd.s32 $0xA, v0;
	v11 =	vadd.s32 $0xB, v0;
	v12 =	vadd.s32 $0xC, v0;
	s8 =	ssub.s32 s6, s8;
	s7 =	sadd.s32 s7, s2  }
0xc: {  	v13 =	vadd.s32 $0xD, v0;
	v14 =	vadd.s32 $0xE, v0;
	v15 =	vadd.s32 $0xF, v0;
	s8 =	smax.u32 s8, $0x1;
	s6 =	sadd.s32 $0x1D800, s7;
	s7 =	sadd.s32 $0x13A00, s7  }
.LBB2_1:
0xd: {  	[tilespmem:s5], [sflag:$0x5] =	stream.linear.gather [hbm4b:s6+s5], $0x2710, $0x38;
	[tilespmem:$0x11930] =	vst v63  }
0xe: {  	_ =	swait.ge [sflag:s9], $0x2710  }
0xf: {  	[sflag:s9] =	ssyncset.done $0x0  }
0x10: {  	[sflag:s9] =	ssyncadd.s32 $0xFFFFD8F0  }
0x11: {  	[tilespmem:s10], [sflag:$0x5] =	stream.linear.gather [hbm4b:s7+s5], $0x2710, $0x38;
	[tilespmem:$0x11930] =	vst v63  }
0x12: {  	_ =	swait.ge [sflag:s9], $0x2710  }
0x13: {  	[sflag:s9] =	ssyncset.done $0x0  }
0x14: {  	[sflag:s9] =	ssyncadd.s32 $0xFFFFD8F0  }
0x15: {  	[tilespmem:s12], [sflag:$0x1] =	stream.indirect.gather [hbm4b:s2+s11], $0x40, s5, s11, $0xb8;
	[tilespmem:$0x11930] =	vst v63  }
0x16: {  	s24 =	simm.s32 $0x0  }
0x17: {  	[tilespmem:s13], [sflag:$0x1] =	stream.indirect.gather [hbm4b:s2+s11], $0x40, s10, s11, $0xb8;
	[tilespmem:$0x11930] =	vst v63  }
.LBB2_2:
0x18: {  	s26 =	smul.u32 $0x190, s24;
	_ =	sdelay $0x1  }
0x19: {  	s25 =	sadd.s32 $0xC8, s26  }
0x1a: {  	[tilespmem:s14], [sflag:$0x2] =	stream.indirect.gather [hbm4b:s2+s11], $0x40, s25, s11, $0xb8;
	[tilespmem:$0x11930] =	vst v63  }
0x1b: {  	s28 =	sadd.s32 $0x27D8, s26  }
0x1c: {  	[tilespmem:s15], [sflag:$0x2] =	stream.indirect.gather [hbm4b:s2+s11], $0x40, s28, s11, $0xb8;
	[tilespmem:$0x11930] =	vst v63  }
0x1d: {  	_ =	swait.ge [sflag:s16], $0x3200  }
0x1e: {  	[sflag:s16] =	ssyncset.done $0x0  }
0x1f: {  	[sflag:s16] =	ssyncadd.s32 $0xFFFFCE00  }
0x20: {  	_ =	swait.ge [sflag:s16], $0x3200  }
0x21: {  	p0 =	seq.s32 s24, $0x0;
	[sflag:s16] =	ssyncset.done $0x0  }
0x22: {  	s28 =	simm.s32 @!p0 $0x3;
	[sflag:s16] =	ssyncadd.s32 $0xFFFFCE00  }
0x23: {  	_ =	swait.ge @!p0 [sflag:s28], $0xC8  }
0x24: {  	[sflag:s28] =	ssyncset.done @!p0 $0x0  }
0x25: {  	[sflag:s28] =	ssyncadd.s32 @!p0 $0xFFFFFF38;
	s28 =	simm.s32 $0x0  }
.LBB2_3:
0x26: {  	s29 =	smin.u32 s28, $0xB8  }
0x27: {  	s30 =	sshll.u32 s29, $0x6  }
0x28: {  	v16 =	vld [tilespmem:s30+$0x4E20]  }
0x29: {  	v17 =	vld [tilespmem:s30+$0x8020]  }
0x2a: {  	v18 =	vld [tilespmem:s30+$0x4E30]  }
0x2b: {  	v19 =	vld [tilespmem:s30+$0x8030]  }
0x2c: {  	v20 =	vld [tilespmem:s30+$0x4E40]  }
0x2d: {  	v21 =	vld [tilespmem:s30+$0x8040]  }
0x2e: {  	v22 =	vld [tilespmem:s30+$0x8050];
	v16 =	vmul.bf16 v17, v16  }
0x2f: {  	v17 =	vld [tilespmem:s30+$0x4E50]  }
0x30: {  	v18 =	vmul.bf16 v19, v18;
	v23 =	vunpack.i.u.bf16.f32 v16;
	v16 =	vunpack.i.l.bf16.f32 v16  }
0x31: {  	v16 =	vadd.f32 $0.0e+00, v16;
	v49 =	vadd.f32 $0.0e+00, v23  }
0x32: {  	v20 =	vmul.bf16 v21, v20;
	v50 =	vunpack.i.u.bf16.f32 v18;
	v18 =	vunpack.i.l.bf16.f32 v18  }
0x33: {  	v16 =	vadd.f32 v18, v16;
	v51 =	vadd.f32 v50, v49  }
0x34: {  	v52 =	vunpack.i.u.bf16.f32 v20;
	v20 =	vunpack.i.l.bf16.f32 v20;
	v17 =	vmul.bf16 v22, v17  }
0x35: {  	v16 =	vadd.f32 v20, v16;
	v18 =	vadd.f32 v52, v51  }
0x36: {  	v53 =	vunpack.i.u.bf16.f32 v17;
	v17 =	vunpack.i.l.bf16.f32 v17  }
0x37: {  	v16 =	vadd.f32 v17, v16;
	v17 =	vadd.f32 v53, v18;
	_ =	sdelay $0x1  }
0x38: {  	v16 =	vadd.f32 v16, v17;
	_ =	sdelay $0x1  }
0x39: {  	[tilespmem:$0x117B0] =	vst v16  }
0x3a: {  	s31 =	sor.u32 $0x8060, s30;
	v16 =	vld [tilespmem:s30+$0x4E60]  }
0x3b: {  	v17 =	vld [tilespmem:s31+$0x0]  }
0x3c: {  	v54 =	vld [tilespmem:s30+$0x4E70];
	s31 =	sor.u32 $0x8070, s30  }
0x3d: {  	v55 =	vld [tilespmem:s31+$0x0]  }
0x3e: {  	v56 =	vld [tilespmem:s30+$0x4E80]  }
0x3f: {  	v57 =	vld [tilespmem:s30+$0x8080]  }
0x40: {  	v58 =	vld [tilespmem:s30+$0x8090];
	v16 =	vmul.bf16 v17, v16  }
0x41: {  	v17 =	vld [tilespmem:s30+$0x4E90]  }
0x42: {  	v18 =	vmul.bf16 v55, v54;
	v59 =	vunpack.i.u.bf16.f32 v16;
	v16 =	vunpack.i.l.bf16.f32 v16  }
0x43: {  	v16 =	vadd.f32 $0.0e+00, v16;
	v60 =	vadd.f32 $0.0e+00, v59  }
0x44: {  	v20 =	vmul.bf16 v57, v56;
	v61 =	vunpack.i.u.bf16.f32 v18;
	v18 =	vunpack.i.l.bf16.f32 v18  }
0x45: {  	v16 =	vadd.f32 v18, v16;
	v62 =	vadd.f32 v61, v60  }
0x46: {  	v63 =	vunpack.i.u.bf16.f32 v20;
	v20 =	vunpack.i.l.bf16.f32 v20;
	v17 =	vmul.bf16 v58, v17  }
0x47: {  	v16 =	vadd.f32 v20, v16;
	v18 =	vadd.f32 v63, v62  }
0x48: {  	v23 =	vunpack.i.u.bf16.f32 v17;
	v17 =	vunpack.i.l.bf16.f32 v17  }
0x49: {  	v16 =	vadd.f32 v17, v16;
	v17 =	vadd.f32 v23, v18;
	_ =	sdelay $0x1  }
0x4a: {  	v16 =	vadd.f32 v16, v17;
	_ =	sdelay $0x1  }
0x4b: {  	[tilespmem:$0x117C8] =	vst v16  }
0x4c: {  	s31 =	sor.u32 $0x80A0, s30;
	v16 =	vld [tilespmem:s30+$0x4EA0]  }
0x4d: {  	v17 =	vld [tilespmem:s31+$0x0]  }
0x4e: {  	v24 =	vld [tilespmem:s30+$0x4EB0];
	s31 =	sor.u32 $0x80B0, s30  }
0x4f: {  	v25 =	vld [tilespmem:s31+$0x0]  }
0x50: {  	v26 =	vld [tilespmem:s30+$0x4EC0]  }
0x51: {  	v27 =	vld [tilespmem:s30+$0x80C0]  }
0x52: {  	v28 =	vld [tilespmem:s30+$0x80D0];
	v16 =	vmul.bf16 v17, v16  }
0x53: {  	v17 =	vld [tilespmem:s30+$0x4ED0]  }
0x54: {  	v18 =	vmul.bf16 v25, v24;
	v29 =	vunpack.i.u.bf16.f32 v16;
	v16 =	vunpack.i.l.bf16.f32 v16  }
0x55: {  	v16 =	vadd.f32 $0.0e+00, v16;
	v30 =	vadd.f32 $0.0e+00, v29  }
0x56: {  	v20 =	vmul.bf16 v27, v26;
	v31 =	vunpack.i.u.bf16.f32 v18;
	v18 =	vunpack.i.l.bf16.f32 v18  }
0x57: {  	v16 =	vadd.f32 v18, v16;
	v32 =	vadd.f32 v31, v30  }
0x58: {  	v33 =	vunpack.i.u.bf16.f32 v20;
	v20 =	vunpack.i.l.bf16.f32 v20;
	v17 =	vmul.bf16 v28, v17  }
0x59: {  	v16 =	vadd.f32 v20, v16;
	v18 =	vadd.f32 v33, v32  }
0x5a: {  	v34 =	vunpack.i.u.bf16.f32 v17;
	v17 =	vunpack.i.l.bf16.f32 v17  }
0x5b: {  	v16 =	vadd.f32 v17, v16;
	v17 =	vadd.f32 v34, v18;
	_ =	sdelay $0x1  }
0x5c: {  	v16 =	vadd.f32 v16, v17;
	_ =	sdelay $0x1  }
0x5d: {  	[tilespmem:$0x117E0] =	vst v16  }
0x5e: {  	s31 =	sor.u32 $0x80E0, s30;
	v16 =	vld [tilespmem:s30+$0x4EE0]  }
0x5f: {  	v17 =	vld [tilespmem:s31+$0x0]  }
0x60: {  	v35 =	vld [tilespmem:s30+$0x4EF0];
	s31 =	sor.u32 $0x80F0, s30  }
0x61: {  	v36 =	vld [tilespmem:s31+$0x0]  }
0x62: {  	v37 =	vld [tilespmem:s30+$0x4F00]  }
0x63: {  	v38 =	vld [tilespmem:s30+$0x8100]  }
0x64: {  	v39 =	vld [tilespmem:s30+$0x8110];
	v16 =	vmul.bf16 v17, v16  }
0x65: {  	v17 =	vld [tilespmem:s30+$0x4F10]  }
0x66: {  	v18 =	vmul.bf16 v36, v35;
	v40 =	vunpack.i.u.bf16.f32 v16;
	v16 =	vunpack.i.l.bf16.f32 v16  }
0x67: {  	v16 =	vadd.f32 $0.0e+00, v16;
	v41 =	vadd.f32 $0.0e+00, v40  }
0x68: {  	v20 =	vmul.bf16 v38, v37;
	v42 =	vunpack.i.u.bf16.f32 v18;
	v18 =	vunpack.i.l.bf16.f32 v18  }
0x69: {  	v16 =	vadd.f32 v18, v16;
	v43 =	vadd.f32 v42, v41  }
0x6a: {  	v44 =	vunpack.i.u.bf16.f32 v20;
	v20 =	vunpack.i.l.bf16.f32 v20;
	v17 =	vmul.bf16 v39, v17  }
0x6b: {  	v16 =	vadd.f32 v20, v16;
	v18 =	vadd.f32 v44, v43  }
0x6c: {  	v45 =	vunpack.i.u.bf16.f32 v17;
	v17 =	vunpack.i.l.bf16.f32 v17  }
0x6d: {  	v16 =	vadd.f32 v17, v16;
	v17 =	vadd.f32 v45, v18;
	_ =	sdelay $0x1  }
0x6e: {  	v16 =	vadd.f32 v16, v17;
	_ =	sdelay $0x1  }
0x6f: {  	[tilespmem:$0x117F8] =	vst v16  }
0x70: {  	s31 =	sor.u32 $0x8120, s30;
	v16 =	vld [tilespmem:s30+$0x4F20]  }
0x71: {  	v17 =	vld [tilespmem:s31+$0x0]  }
0x72: {  	v46 =	vld [tilespmem:s30+$0x4F30];
	s31 =	sor.u32 $0x8130, s30  }
0x73: {  	v47 =	vld [tilespmem:s31+$0x0]  }
0x74: {  	v48 =	vld [tilespmem:s30+$0x4F40]  }
0x75: {  	v49 =	vld [tilespmem:s30+$0x8140]  }
0x76: {  	v50 =	vld [tilespmem:s30+$0x8150];
	v16 =	vmul.bf16 v17, v16  }
0x77: {  	v17 =	vld [tilespmem:s30+$0x4F50]  }
0x78: {  	v18 =	vmul.bf16 v47, v46;
	v51 =	vunpack.i.u.bf16.f32 v16;
	v16 =	vunpack.i.l.bf16.f32 v16  }
0x79: {  	v16 =	vadd.f32 $0.0e+00, v16;
	v52 =	vadd.f32 $0.0e+00, v51  }
0x7a: {  	v20 =	vmul.bf16 v49, v48;
	v53 =	vunpack.i.u.bf16.f32 v18;
	v18 =	vunpack.i.l.bf16.f32 v18  }
0x7b: {  	v16 =	vadd.f32 v18, v16;
	v54 =	vadd.f32 v53, v52  }
0x7c: {  	v55 =	vunpack.i.u.bf16.f32 v20;
	v20 =	vunpack.i.l.bf16.f32 v20;
	v17 =	vmul.bf16 v50, v17  }
0x7d: {  	v16 =	vadd.f32 v20, v16;
	v18 =	vadd.f32 v55, v54  }
0x7e: {  	v56 =	vunpack.i.u.bf16.f32 v17;
	v17 =	vunpack.i.l.bf16.f32 v17  }
0x7f: {  	v16 =	vadd.f32 v17, v16;
	v17 =	vadd.f32 v56, v18;
	_ =	sdelay $0x1  }
0x80: {  	v16 =	vadd.f32 v16, v17;
	_ =	sdelay $0x1  }
0x81: {  	[tilespmem:$0x11810] =	vst v16  }
0x82: {  	s31 =	sor.u32 $0x8160, s30;
	v16 =	vld [tilespmem:s30+$0x4F60]  }
0x83: {  	v17 =	vld [tilespmem:s31+$0x0]  }
0x84: {  	v57 =	vld [tilespmem:s30+$0x4F70];
	s31 =	sor.u32 $0x8170, s30  }
0x85: {  	v58 =	vld [tilespmem:s31+$0x0]  }
0x86: {  	v59 =	vld [tilespmem:s30+$0x4F80]  }
0x87: {  	v60 =	vld [tilespmem:s30+$0x8180]  }
0x88: {  	v61 =	vld [tilespmem:s30+$0x8190];
	v16 =	vmul.bf16 v17, v16  }
0x89: {  	v17 =	vld [tilespmem:s30+$0x4F90]  }
0x8a: {  	v18 =	vmul.bf16 v58, v57;
	v62 =	vunpack.i.u.bf16.f32 v16;
	v16 =	vunpack.i.l.bf16.f32 v16  }
0x8b: {  	v16 =	vadd.f32 $0.0e+00, v16;
	v63 =	vadd.f32 $0.0e+00, v62  }
0x8c: {  	v20 =	vmul.bf16 v60, v59;
	v24 =	vunpack.i.u.bf16.f32 v18;
	v18 =	vunpack.i.l.bf16.f32 v18  }
0x8d: {  	v16 =	vadd.f32 v18, v16;
	v25 =	vadd.f32 v24, v63  }
0x8e: {  	v26 =	vunpack.i.u.bf16.f32 v20;
	v20 =	vunpack.i.l.bf16.f32 v20;
	v17 =	vmul.bf16 v61, v17  }
0x8f: {  	v16 =	vadd.f32 v20, v16;
	v18 =	vadd.f32 v26, v25  }
0x90: {  	v27 =	vunpack.i.u.bf16.f32 v17;
	v17 =	vunpack.i.l.bf16.f32 v17  }
0x91: {  	v16 =	vadd.f32 v17, v16;
	v17 =	vadd.f32 v27, v18;
	_ =	sdelay $0x1  }
0x92: {  	v16 =	vadd.f32 v16, v17;
	_ =	sdelay $0x1  }
0x93: {  	[tilespmem:$0x11828] =	vst v16  }
0x94: {  	s31 =	sor.u32 $0x81A0, s30;
	v16 =	vld [tilespmem:s30+$0x4FA0]  }
0x95: {  	v17 =	vld [tilespmem:s31+$0x0]  }
0x96: {  	v28 =	vld [tilespmem:s30+$0x4FB0];
	s31 =	sor.u32 $0x81B0, s30  }
0x97: {  	v29 =	vld [tilespmem:s31+$0x0]  }
0x98: {  	v30 =	vld [tilespmem:s30+$0x4FC0]  }
0x99: {  	v31 =	vld [tilespmem:s30+$0x81C0]  }
0x9a: {  	v32 =	vld [tilespmem:s30+$0x81D0];
	v16 =	vmul.bf16 v17, v16  }
0x9b: {  	v17 =	vld [tilespmem:s30+$0x4FD0]  }
0x9c: {  	v18 =	vmul.bf16 v29, v28;
	v33 =	vunpack.i.u.bf16.f32 v16;
	v16 =	vunpack.i.l.bf16.f32 v16  }
0x9d: {  	v16 =	vadd.f32 $0.0e+00, v16;
	v34 =	vadd.f32 $0.0e+00, v33  }
0x9e: {  	v20 =	vmul.bf16 v31, v30;
	v35 =	vunpack.i.u.bf16.f32 v18;
	v18 =	vunpack.i.l.bf16.f32 v18  }
0x9f: {  	v16 =	vadd.f32 v18, v16;
	v36 =	vadd.f32 v35, v34  }
0xa0: {  	v37 =	vunpack.i.u.bf16.f32 v20;
	v20 =	vunpack.i.l.bf16.f32 v20;
	v17 =	vmul.bf16 v32, v17  }
0xa1: {  	v16 =	vadd.f32 v20, v16;
	v18 =	vadd.f32 v37, v36  }
0xa2: {  	v38 =	vunpack.i.u.bf16.f32 v17;
	v17 =	vunpack.i.l.bf16.f32 v17  }
0xa3: {  	v16 =	vadd.f32 v17, v16;
	v17 =	vadd.f32 v38, v18;
	_ =	sdelay $0x1  }
0xa4: {  	v16 =	vadd.f32 v16, v17;
	_ =	sdelay $0x1  }
0xa5: {  	[tilespmem:$0x11840] =	vst v16  }
0xa6: {  	s31 =	sor.u32 $0x81E0, s30;
	v16 =	vld [tilespmem:s30+$0x4FE0]  }
0xa7: {  	v17 =	vld [tilespmem:s31+$0x0]  }
0xa8: {  	v39 =	vld [tilespmem:s30+$0x4FF0];
	s31 =	sor.u32 $0x81F0, s30  }
0xa9: {  	v40 =	vld [tilespmem:s31+$0x0]  }
0xaa: {  	v41 =	vld [tilespmem:s30+$0x5000]  }
0xab: {  	v42 =	vld [tilespmem:s30+$0x8200]  }
0xac: {  	v43 =	vld [tilespmem:s30+$0x8210];
	v16 =	vmul.bf16 v17, v16  }
0xad: {  	v17 =	vld [tilespmem:s30+$0x5010]  }
0xae: {  	v18 =	vmul.bf16 v40, v39;
	v44 =	vunpack.i.u.bf16.f32 v16;
	v16 =	vunpack.i.l.bf16.f32 v16  }
0xaf: {  	v16 =	vadd.f32 $0.0e+00, v16;
	v45 =	vadd.f32 $0.0e+00, v44  }
0xb0: {  	v20 =	vmul.bf16 v42, v41;
	v46 =	vunpack.i.u.bf16.f32 v18;
	v18 =	vunpack.i.l.bf16.f32 v18  }
0xb1: {  	v16 =	vadd.f32 v18, v16;
	v47 =	vadd.f32 v46, v45  }
0xb2: {  	v48 =	vunpack.i.u.bf16.f32 v20;
	v20 =	vunpack.i.l.bf16.f32 v20;
	v17 =	vmul.bf16 v43, v17  }
0xb3: {  	v16 =	vadd.f32 v20, v16;
	v18 =	vadd.f32 v48, v47  }
0xb4: {  	v49 =	vunpack.i.u.bf16.f32 v17;
	v17 =	vunpack.i.l.bf16.f32 v17  }
0xb5: {  	v16 =	vadd.f32 v17, v16;
	v17 =	vadd.f32 v49, v18;
	_ =	sdelay $0x1  }
0xb6: {  	v16 =	vadd.f32 v16, v17;
	_ =	sdelay $0x1  }
0xb7: {  	[tilespmem:$0x11858] =	vst v16  }
0xb8: {  	v16 =	vld [tilespmem:s30+$0x5020]  }
0xb9: {  	v17 =	vld [tilespmem:s30+$0x8220]  }
0xba: {  	v50 =	vld [tilespmem:s30+$0x5030]  }
0xbb: {  	v51 =	vld [tilespmem:s30+$0x8230]  }
0xbc: {  	v52 =	vld [tilespmem:s30+$0x5040]  }
0xbd: {  	v53 =	vld [tilespmem:s30+$0x8240]  }
0xbe: {  	v54 =	vld [tilespmem:s30+$0x8250];
	v16 =	vmul.bf16 v17, v16  }
0xbf: {  	v17 =	vld [tilespmem:s30+$0x5050]  }
0xc0: {  	v18 =	vmul.bf16 v51, v50;
	v55 =	vunpack.i.u.bf16.f32 v16;
	v16 =	vunpack.i.l.bf16.f32 v16  }
0xc1: {  	v16 =	vadd.f32 $0.0e+00, v16;
	v56 =	vadd.f32 $0.0e+00, v55  }
0xc2: {  	v20 =	vmul.bf16 v53, v52;
	v57 =	vunpack.i.u.bf16.f32 v18;
	v18 =	vunpack.i.l.bf16.f32 v18  }
0xc3: {  	v16 =	vadd.f32 v18, v16;
	v58 =	vadd.f32 v57, v56  }
0xc4: {  	v59 =	vunpack.i.u.bf16.f32 v20;
	v20 =	vunpack.i.l.bf16.f32 v20;
	v17 =	vmul.bf16 v54, v17  }
0xc5: {  	v16 =	vadd.f32 v20, v16;
	v18 =	vadd.f32 v59, v58  }
0xc6: {  	v60 =	vunpack.i.u.bf16.f32 v17;
	v17 =	vunpack.i.l.bf16.f32 v17  }
0xc7: {  	v16 =	vadd.f32 v17, v16;
	v17 =	vadd.f32 v60, v18;
	_ =	sdelay $0x1  }
0xc8: {  	v16 =	vadd.f32 v16, v17;
	_ =	sdelay $0x1  }
0xc9: {  	[tilespmem:$0x11870] =	vst v16  }
0xca: {  	v16 =	vld [tilespmem:s30+$0x5060]  }
0xcb: {  	v17 =	vld [tilespmem:s30+$0x8260]  }
0xcc: {  	v61 =	vld [tilespmem:s30+$0x5070]  }
0xcd: {  	v62 =	vld [tilespmem:s30+$0x8270]  }
0xce: {  	v63 =	vld [tilespmem:s30+$0x5080]  }
0xcf: {  	v24 =	vld [tilespmem:s30+$0x8280]  }
0xd0: {  	v25 =	vld [tilespmem:s30+$0x8290];
	v16 =	vmul.bf16 v17, v16  }
0xd1: {  	v17 =	vld [tilespmem:s30+$0x5090]  }
0xd2: {  	v18 =	vmul.bf16 v62, v61;
	v26 =	vunpack.i.u.bf16.f32 v16;
	v16 =	vunpack.i.l.bf16.f32 v16  }
0xd3: {  	v16 =	vadd.f32 $0.0e+00, v16;
	v27 =	vadd.f32 $0.0e+00, v26  }
0xd4: {  	v20 =	vmul.bf16 v24, v63;
	v28 =	vunpack.i.u.bf16.f32 v18;
	v18 =	vunpack.i.l.bf16.f32 v18  }
0xd5: {  	v16 =	vadd.f32 v18, v16;
	v29 =	vadd.f32 v28, v27  }
0xd6: {  	v30 =	vunpack.i.u.bf16.f32 v20;
	v20 =	vunpack.i.l.bf16.f32 v20;
	v17 =	vmul.bf16 v25, v17  }
0xd7: {  	v16 =	vadd.f32 v20, v16;
	v18 =	vadd.f32 v30, v29  }
0xd8: {  	v31 =	vunpack.i.u.bf16.f32 v17;
	v17 =	vunpack.i.l.bf16.f32 v17  }
0xd9: {  	v16 =	vadd.f32 v17, v16;
	v17 =	vadd.f32 v31, v18;
	_ =	sdelay $0x1  }
0xda: {  	v16 =	vadd.f32 v16, v17;
	_ =	sdelay $0x1  }
0xdb: {  	[tilespmem:$0x11888] =	vst v16  }
0xdc: {  	v16 =	vld [tilespmem:s30+$0x50A0]  }
0xdd: {  	v17 =	vld [tilespmem:s30+$0x82A0]  }
0xde: {  	v32 =	vld [tilespmem:s30+$0x50B0]  }
0xdf: {  	v33 =	vld [tilespmem:s30+$0x82B0]  }
0xe0: {  	v34 =	vld [tilespmem:s30+$0x50C0]  }
0xe1: {  	v35 =	vld [tilespmem:s30+$0x82C0]  }
0xe2: {  	v36 =	vld [tilespmem:s30+$0x82D0];
	v16 =	vmul.bf16 v17, v16  }
0xe3: {  	v17 =	vld [tilespmem:s30+$0x50D0]  }
0xe4: {  	v18 =	vmul.bf16 v33, v32;
	v37 =	vunpack.i.u.bf16.f32 v16;
	v16 =	vunpack.i.l.bf16.f32 v16  }
0xe5: {  	v16 =	vadd.f32 $0.0e+00, v16;
	v38 =	vadd.f32 $0.0e+00, v37  }
0xe6: {  	v20 =	vmul.bf16 v35, v34;
	v39 =	vunpack.i.u.bf16.f32 v18;
	v18 =	vunpack.i.l.bf16.f32 v18  }
0xe7: {  	v16 =	vadd.f32 v18, v16;
	v40 =	vadd.f32 v39, v38  }
0xe8: {  	v41 =	vunpack.i.u.bf16.f32 v20;
	v20 =	vunpack.i.l.bf16.f32 v20;
	v17 =	vmul.bf16 v36, v17  }
0xe9: {  	v16 =	vadd.f32 v20, v16;
	v18 =	vadd.f32 v41, v40  }
0xea: {  	v42 =	vunpack.i.u.bf16.f32 v17;
	v17 =	vunpack.i.l.bf16.f32 v17  }
0xeb: {  	v16 =	vadd.f32 v17, v16;
	v17 =	vadd.f32 v42, v18;
	_ =	sdelay $0x1  }
0xec: {  	v16 =	vadd.f32 v16, v17;
	_ =	sdelay $0x1  }
0xed: {  	[tilespmem:$0x118A0] =	vst v16  }
0xee: {  	v16 =	vld [tilespmem:s30+$0x50E0]  }
0xef: {  	v17 =	vld [tilespmem:s30+$0x82E0]  }
0xf0: {  	v43 =	vld [tilespmem:s30+$0x50F0]  }
0xf1: {  	v44 =	vld [tilespmem:s30+$0x82F0]  }
0xf2: {  	v45 =	vld [tilespmem:s30+$0x5100]  }
0xf3: {  	v46 =	vld [tilespmem:s30+$0x8300]  }
0xf4: {  	v47 =	vld [tilespmem:s30+$0x8310];
	v16 =	vmul.bf16 v17, v16  }
0xf5: {  	v17 =	vld [tilespmem:s30+$0x5110]  }
0xf6: {  	v18 =	vmul.bf16 v44, v43;
	v48 =	vunpack.i.u.bf16.f32 v16;
	v16 =	vunpack.i.l.bf16.f32 v16  }
0xf7: {  	v16 =	vadd.f32 $0.0e+00, v16;
	v49 =	vadd.f32 $0.0e+00, v48  }
0xf8: {  	v20 =	vmul.bf16 v46, v45;
	v50 =	vunpack.i.u.bf16.f32 v18;
	v18 =	vunpack.i.l.bf16.f32 v18  }
0xf9: {  	v16 =	vadd.f32 v18, v16;
	v51 =	vadd.f32 v50, v49  }
0xfa: {  	v52 =	vunpack.i.u.bf16.f32 v20;
	v20 =	vunpack.i.l.bf16.f32 v20;
	v17 =	vmul.bf16 v47, v17  }
0xfb: {  	v16 =	vadd.f32 v20, v16;
	v18 =	vadd.f32 v52, v51  }
0xfc: {  	v53 =	vunpack.i.u.bf16.f32 v17;
	v17 =	vunpack.i.l.bf16.f32 v17  }
0xfd: {  	v16 =	vadd.f32 v17, v16;
	v17 =	vadd.f32 v53, v18;
	_ =	sdelay $0x1  }
0xfe: {  	v16 =	vadd.f32 v16, v17;
	_ =	sdelay $0x1  }
0xff: {  	[tilespmem:$0x118B8] =	vst v16  }
0x100: {  	v16 =	vld [tilespmem:s30+$0x5120]  }
0x101: {  	v17 =	vld [tilespmem:s30+$0x8320]  }
0x102: {  	v54 =	vld [tilespmem:s30+$0x5130]  }
0x103: {  	v55 =	vld [tilespmem:s30+$0x8330]  }
0x104: {  	v56 =	vld [tilespmem:s30+$0x5140]  }
0x105: {  	v57 =	vld [tilespmem:s30+$0x8340]  }
0x106: {  	v58 =	vld [tilespmem:s30+$0x8350];
	v16 =	vmul.bf16 v17, v16  }
0x107: {  	v17 =	vld [tilespmem:s30+$0x5150]  }
0x108: {  	v18 =	vmul.bf16 v55, v54;
	v59 =	vunpack.i.u.bf16.f32 v16;
	v16 =	vunpack.i.l.bf16.f32 v16  }
0x109: {  	v16 =	vadd.f32 $0.0e+00, v16;
	v60 =	vadd.f32 $0.0e+00, v59  }
0x10a: {  	v20 =	vmul.bf16 v57, v56;
	v61 =	vunpack.i.u.bf16.f32 v18;
	v18 =	vunpack.i.l.bf16.f32 v18  }
0x10b: {  	v16 =	vadd.f32 v18, v16;
	v62 =	vadd.f32 v61, v60  }
0x10c: {  	v63 =	vunpack.i.u.bf16.f32 v20;
	v20 =	vunpack.i.l.bf16.f32 v20;
	v17 =	vmul.bf16 v58, v17  }
0x10d: {  	v16 =	vadd.f32 v20, v16;
	v18 =	vadd.f32 v63, v62  }
0x10e: {  	v23 =	vunpack.i.u.bf16.f32 v17;
	v17 =	vunpack.i.l.bf16.f32 v17  }
0x10f: {  	v16 =	vadd.f32 v17, v16;
	v17 =	vadd.f32 v23, v18;
	_ =	sdelay $0x1  }
0x110: {  	v16 =	vadd.f32 v16, v17;
	_ =	sdelay $0x1  }
0x111: {  	[tilespmem:$0x118D0] =	vst v16  }
0x112: {  	v16 =	vld [tilespmem:s30+$0x5160]  }
0x113: {  	v17 =	vld [tilespmem:s30+$0x8360]  }
0x114: {  	v24 =	vld [tilespmem:s30+$0x5170]  }
0x115: {  	v25 =	vld [tilespmem:s30+$0x8370]  }
0x116: {  	v26 =	vld [tilespmem:s30+$0x5180]  }
0x117: {  	v27 =	vld [tilespmem:s30+$0x8380]  }
0x118: {  	v28 =	vld [tilespmem:s30+$0x8390];
	v16 =	vmul.bf16 v17, v16  }
0x119: {  	v17 =	vld [tilespmem:s30+$0x5190]  }
0x11a: {  	v18 =	vmul.bf16 v25, v24;
	v29 =	vunpack.i.u.bf16.f32 v16;
	v16 =	vunpack.i.l.bf16.f32 v16  }
0x11b: {  	v16 =	vadd.f32 $0.0e+00, v16;
	v30 =	vadd.f32 $0.0e+00, v29  }
0x11c: {  	v20 =	vmul.bf16 v27, v26;
	v31 =	vunpack.i.u.bf16.f32 v18;
	v18 =	vunpack.i.l.bf16.f32 v18  }
0x11d: {  	v16 =	vadd.f32 v18, v16;
	v32 =	vadd.f32 v31, v30  }
0x11e: {  	v33 =	vunpack.i.u.bf16.f32 v20;
	v20 =	vunpack.i.l.bf16.f32 v20;
	v17 =	vmul.bf16 v28, v17  }
0x11f: {  	v16 =	vadd.f32 v20, v16;
	v18 =	vadd.f32 v33, v32  }
0x120: {  	v34 =	vunpack.i.u.bf16.f32 v17;
	v17 =	vunpack.i.l.bf16.f32 v17  }
0x121: {  	v16 =	vadd.f32 v17, v16;
	v17 =	vadd.f32 v34, v18;
	_ =	sdelay $0x1  }
0x122: {  	v16 =	vadd.f32 v16, v17;
	_ =	sdelay $0x1  }
0x123: {  	[tilespmem:$0x118E8] =	vst v16  }
0x124: {  	v16 =	vld [tilespmem:s30+$0x51A0]  }
0x125: {  	v17 =	vld [tilespmem:s30+$0x83A0]  }
0x126: {  	v35 =	vld [tilespmem:s30+$0x51B0]  }
0x127: {  	v36 =	vld [tilespmem:s30+$0x83B0]  }
0x128: {  	v37 =	vld [tilespmem:s30+$0x51C0]  }
0x129: {  	v38 =	vld [tilespmem:s30+$0x83C0]  }
0x12a: {  	v39 =	vld [tilespmem:s30+$0x83D0];
	v16 =	vmul.bf16 v17, v16  }
0x12b: {  	v17 =	vld [tilespmem:s30+$0x51D0]  }
0x12c: {  	v18 =	vmul.bf16 v36, v35;
	v40 =	vunpack.i.u.bf16.f32 v16;
	v16 =	vunpack.i.l.bf16.f32 v16  }
0x12d: {  	v16 =	vadd.f32 $0.0e+00, v16;
	v41 =	vadd.f32 $0.0e+00, v40  }
0x12e: {  	v20 =	vmul.bf16 v38, v37;
	v42 =	vunpack.i.u.bf16.f32 v18;
	v18 =	vunpack.i.l.bf16.f32 v18  }
0x12f: {  	v16 =	vadd.f32 v18, v16;
	v43 =	vadd.f32 v42, v41  }
0x130: {  	v44 =	vunpack.i.u.bf16.f32 v20;
	v20 =	vunpack.i.l.bf16.f32 v20;
	v17 =	vmul.bf16 v39, v17  }
0x131: {  	v16 =	vadd.f32 v20, v16;
	v18 =	vadd.f32 v44, v43  }
0x132: {  	v45 =	vunpack.i.u.bf16.f32 v17;
	v17 =	vunpack.i.l.bf16.f32 v17  }
0x133: {  	v16 =	vadd.f32 v17, v16;
	v17 =	vadd.f32 v45, v18;
	_ =	sdelay $0x1  }
0x134: {  	v16 =	vadd.f32 v16, v17;
	_ =	sdelay $0x1  }
0x135: {  	[tilespmem:$0x11900] =	vst v16  }
0x136: {  	v16 =	vld [tilespmem:s30+$0x51E0]  }
0x137: {  	v17 =	vld [tilespmem:s30+$0x83E0]  }
0x138: {  	v46 =	vld [tilespmem:s30+$0x51F0]  }
0x139: {  	v47 =	vld [tilespmem:s30+$0x83F0]  }
0x13a: {  	v48 =	vld [tilespmem:s30+$0x5200]  }
0x13b: {  	v49 =	vld [tilespmem:s30+$0x8400]  }
0x13c: {  	v50 =	vld [tilespmem:s30+$0x8410];
	v16 =	vmul.bf16 v17, v16  }
0x13d: {  	v17 =	vld [tilespmem:s30+$0x5210]  }
0x13e: {  	v18 =	vmul.bf16 v47, v46;
	v51 =	vunpack.i.u.bf16.f32 v16;
	v16 =	vunpack.i.l.bf16.f32 v16  }
0x13f: {  	v16 =	vadd.f32 $0.0e+00, v16;
	v52 =	vadd.f32 $0.0e+00, v51  }
0x140: {  	v20 =	vmul.bf16 v49, v48;
	v53 =	vunpack.i.u.bf16.f32 v18;
	v18 =	vunpack.i.l.bf16.f32 v18  }
0x141: {  	v16 =	vadd.f32 v18, v16;
	v54 =	vadd.f32 v53, v52  }
0x142: {  	v55 =	vunpack.i.u.bf16.f32 v20;
	v20 =	vunpack.i.l.bf16.f32 v20;
	v17 =	vmul.bf16 v50, v17  }
0x143: {  	v16 =	vadd.f32 v20, v16;
	v18 =	vadd.f32 v55, v54  }
0x144: {  	v56 =	vunpack.i.u.bf16.f32 v17;
	v17 =	vunpack.i.l.bf16.f32 v17  }
0x145: {  	v16 =	vadd.f32 v17, v16;
	v17 =	vadd.f32 v56, v18;
	_ =	sdelay $0x1  }
0x146: {  	v16 =	vadd.f32 v16, v17;
	_ =	sdelay $0x1  }
0x147: {  	[tilespmem:$0x11918] =	vst v16  }
0x148: {  	v16 =	vld.idx.msk [tilespmem:v0+s17+$0x0], $0xffff  }
0x149: {  	v17 =	vld.idx.msk [tilespmem:v1+s17+$0x0], $0xffff  }
0x14a: {  	v57 =	vld.idx.msk [tilespmem:v2+s17+$0x0], $0xffff  }
0x14b: {  	v58 =	vld.idx.msk [tilespmem:v3+s17+$0x0], $0xffff  }
0x14c: {  	v59 =	vld.idx.msk [tilespmem:v4+s17+$0x0], $0xffff  }
0x14d: {  	v60 =	vld.idx.msk [tilespmem:v5+s17+$0x0], $0xffff  }
0x14e: {  	v61 =	vld.idx.msk [tilespmem:v6+s17+$0x0], $0xffff  }
0x14f: {  	v62 =	vld.idx.msk [tilespmem:v7+s17+$0x0], $0xffff  }
0x150: {  	v24 =	vld.idx.msk [tilespmem:v8+s17+$0x0], $0xffff  }
0x151: {  	v25 =	vld.idx.msk [tilespmem:v9+s17+$0x0], $0xffff  }
0x152: {  	v26 =	vld.idx.msk [tilespmem:v10+s17+$0x0], $0xffff  }
0x153: {  	v27 =	vld.idx.msk [tilespmem:v11+s17+$0x0], $0xffff  }
0x154: {  	v28 =	vld.idx.msk [tilespmem:v12+s17+$0x0], $0xffff  }
0x155: {  	v29 =	vld.idx.msk [tilespmem:v13+s17+$0x0], $0xffff;
	v16 =	vadd.f32 $0.0e+00, v16;
	v17 =	vadd.f32 $0.0e+00, v17  }
0x156: {  	v30 =	vld.idx.msk [tilespmem:v14+s17+$0x0], $0xffff;
	v18 =	vadd.f32 $0.0e+00, v57;
	v19 =	vadd.f32 $0.0e+00, v58  }
0x157: {  	v63 =	vld.idx.msk [tilespmem:v15+s17+$0x0], $0xffff;
	v16 =	vadd.f32 v59, v16;
	v17 =	vadd.f32 v60, v17  }
0x158: {  	v18 =	vadd.f32 v61, v18;
	v19 =	vadd.f32 v62, v19  }
0x159: {  	v16 =	vadd.f32 v24, v16;
	v17 =	vadd.f32 v25, v17  }
0x15a: {  	v18 =	vadd.f32 v26, v18;
	v19 =	vadd.f32 v27, v19  }
0x15b: {  	v16 =	vadd.f32 v28, v16;
	v17 =	vadd.f32 v29, v17  }
0x15c: {  	v18 =	vadd.f32 v30, v18;
	v19 =	vadd.f32 v63, v19  }
0x15d: {  	p1 =	sne.s32 s28, $0xC0  }
.Ltmp0:
0x15e: {  	v16 =	vadd.f32 v17, v16;
	v17 =	vadd.f32 v19, v18;
	(pc) =	sbr.rel @p1 .LBB2_3-.Ltmp0, $3  }
0x15f: {  	_ = 	snop  }
0x160: {  	v16 =	vadd.f32 v17, v16;
	_ =	sdelay $0x1  }
0x161: {  	s28 =	sadd.s32 $0x10, s28;
	[tilespmem:s29+$0x11620] =	vst v16  }
0x162: {  	s28 =	sadd.s32 s4, s26  }
0x163: {  	s28 =	sshrl.u32 s28, $0x3  }
0x164: {  	p1 =	seq.s32 s24, $0x18;
	s28 =	sadd.s32 s3, s28  }
0x165: {  	[hbm4b:s28+s5] =	stream.linear.scatter [tilespmem:s18], [sflag:$0x3], $0xC8, $0x38;
	[tilespmem:$0x11930] =	vst v63  }
0x166: {  	s29 =	simm.s32 @!p1 $0xC8;
	s30 =	simm.s32 @!p1 $0x4E20;
	s28 =	sadd.s32 @!p1 $0x190, s26  }
0x167: {  	[tilespmem:s30], [sflag:$0x1] =	stream.indirect.gather @!p1 [hbm4b:s2+s29], $0x40, s28, s29, $0xb8;
	[tilespmem:$0x11930] =	vst v63  }
0x168: {  	s26 =	sadd.s32 @!p1 $0x28A0, s26;
	s28 =	simm.s32 @!p1 $0x8020  }
0x169: {  	[tilespmem:s28], [sflag:$0x1] =	stream.indirect.gather @!p1 [hbm4b:s2+s29], $0x40, s26, s29, $0xb8;
	[tilespmem:$0x11930] =	vst v63  }
0x16a: {  	_ =	swait.ge [sflag:s19], $0x3200  }
0x16b: {  	[sflag:s19] =	ssyncset.done $0x0  }
0x16c: {  	[sflag:s19] =	ssyncadd.s32 $0xFFFFCE00  }
0x16d: {  	_ =	swait.ge [sflag:s19], $0x3200  }
0x16e: {  	[sflag:s19] =	ssyncset.done $0x0  }
0x16f: {  	s26 =	simm.s32 @!p0 $0x4;
	[sflag:s19] =	ssyncadd.s32 $0xFFFFCE00  }
0x170: {  	_ =	swait.ge @!p0 [sflag:s26], $0xC8  }
0x171: {  	[sflag:s26] =	ssyncset.done @!p0 $0x0  }
0x172: {  	[sflag:s26] =	ssyncadd.s32 @!p0 $0xFFFFFF38;
	s26 =	simm.s32 $0x0  }
.LBB2_5:
0x173: {  	s28 =	smin.u32 s26, $0xB8  }
0x174: {  	s29 =	sshll.u32 s28, $0x6  }
0x175: {  	v16 =	vld [tilespmem:s29+$0xB220]  }
0x176: {  	v17 =	vld [tilespmem:s29+$0xE420]  }
0x177: {  	v18 =	vld [tilespmem:s29+$0xB230]  }
0x178: {  	v19 =	vld [tilespmem:s29+$0xE430]  }
0x179: {  	v20 =	vld [tilespmem:s29+$0xB240]  }
0x17a: {  	v21 =	vld [tilespmem:s29+$0xE440]  }
0x17b: {  	v22 =	vld [tilespmem:s29+$0xE450];
	v16 =	vmul.bf16 v17, v16  }
0x17c: {  	v17 =	vld [tilespmem:s29+$0xB250]  }
0x17d: {  	v18 =	vmul.bf16 v19, v18;
	v23 =	vunpack.i.u.bf16.f32 v16;
	v16 =	vunpack.i.l.bf16.f32 v16  }
0x17e: {  	v16 =	vadd.f32 $0.0e+00, v16;
	v49 =	vadd.f32 $0.0e+00, v23  }
0x17f: {  	v20 =	vmul.bf16 v21, v20;
	v50 =	vunpack.i.u.bf16.f32 v18;
	v18 =	vunpack.i.l.bf16.f32 v18  }
0x180: {  	v16 =	vadd.f32 v18, v16;
	v51 =	vadd.f32 v50, v49  }
0x181: {  	v52 =	vunpack.i.u.bf16.f32 v20;
	v20 =	vunpack.i.l.bf16.f32 v20;
	v17 =	vmul.bf16 v22, v17  }
0x182: {  	v16 =	vadd.f32 v20, v16;
	v18 =	vadd.f32 v52, v51  }
0x183: {  	v53 =	vunpack.i.u.bf16.f32 v17;
	v17 =	vunpack.i.l.bf16.f32 v17  }
0x184: {  	v16 =	vadd.f32 v17, v16;
	v17 =	vadd.f32 v53, v18;
	_ =	sdelay $0x1  }
0x185: {  	v16 =	vadd.f32 v16, v17;
	_ =	sdelay $0x1  }
0x186: {  	[tilespmem:$0x117B0] =	vst v16  }
0x187: {  	v16 =	vld [tilespmem:s29+$0xB260]  }
0x188: {  	v17 =	vld [tilespmem:s29+$0xE460]  }
0x189: {  	v54 =	vld [tilespmem:s29+$0xB270]  }
0x18a: {  	v55 =	vld [tilespmem:s29+$0xE470]  }
0x18b: {  	v56 =	vld [tilespmem:s29+$0xB280]  }
0x18c: {  	v57 =	vld [tilespmem:s29+$0xE480]  }
0x18d: {  	v58 =	vld [tilespmem:s29+$0xE490];
	v16 =	vmul.bf16 v17, v16  }
0x18e: {  	v17 =	vld [tilespmem:s29+$0xB290]  }
0x18f: {  	v18 =	vmul.bf16 v55, v54;
	v59 =	vunpack.i.u.bf16.f32 v16;
	v16 =	vunpack.i.l.bf16.f32 v16  }
0x190: {  	v16 =	vadd.f32 $0.0e+00, v16;
	v60 =	vadd.f32 $0.0e+00, v59  }
0x191: {  	v20 =	vmul.bf16 v57, v56;
	v61 =	vunpack.i.u.bf16.f32 v18;
	v18 =	vunpack.i.l.bf16.f32 v18  }
0x192: {  	v16 =	vadd.f32 v18, v16;
	v62 =	vadd.f32 v61, v60  }
0x193: {  	v63 =	vunpack.i.u.bf16.f32 v20;
	v20 =	vunpack.i.l.bf16.f32 v20;
	v17 =	vmul.bf16 v58, v17  }
0x194: {  	v16 =	vadd.f32 v20, v16;
	v18 =	vadd.f32 v63, v62  }
0x195: {  	v23 =	vunpack.i.u.bf16.f32 v17;
	v17 =	vunpack.i.l.bf16.f32 v17  }
0x196: {  	v16 =	vadd.f32 v17, v16;
	v17 =	vadd.f32 v23, v18;
	_ =	sdelay $0x1  }
0x197: {  	v16 =	vadd.f32 v16, v17;
	_ =	sdelay $0x1  }
0x198: {  	[tilespmem:$0x117C8] =	vst v16  }
0x199: {  	v16 =	vld [tilespmem:s29+$0xB2A0]  }
0x19a: {  	v17 =	vld [tilespmem:s29+$0xE4A0]  }
0x19b: {  	v24 =	vld [tilespmem:s29+$0xB2B0]  }
0x19c: {  	v25 =	vld [tilespmem:s29+$0xE4B0]  }
0x19d: {  	v26 =	vld [tilespmem:s29+$0xB2C0]  }
0x19e: {  	v27 =	vld [tilespmem:s29+$0xE4C0]  }
0x19f: {  	v28 =	vld [tilespmem:s29+$0xE4D0];
	v16 =	vmul.bf16 v17, v16  }
0x1a0: {  	v17 =	vld [tilespmem:s29+$0xB2D0]  }
0x1a1: {  	v18 =	vmul.bf16 v25, v24;
	v29 =	vunpack.i.u.bf16.f32 v16;
	v16 =	vunpack.i.l.bf16.f32 v16  }
0x1a2: {  	v16 =	vadd.f32 $0.0e+00, v16;
	v30 =	vadd.f32 $0.0e+00, v29  }
0x1a3: {  	v20 =	vmul.bf16 v27, v26;
	v31 =	vunpack.i.u.bf16.f32 v18;
	v18 =	vunpack.i.l.bf16.f32 v18  }
0x1a4: {  	v16 =	vadd.f32 v18, v16;
	v32 =	vadd.f32 v31, v30  }
0x1a5: {  	v33 =	vunpack.i.u.bf16.f32 v20;
	v20 =	vunpack.i.l.bf16.f32 v20;
	v17 =	vmul.bf16 v28, v17  }
0x1a6: {  	v16 =	vadd.f32 v20, v16;
	v18 =	vadd.f32 v33, v32  }
0x1a7: {  	v34 =	vunpack.i.u.bf16.f32 v17;
	v17 =	vunpack.i.l.bf16.f32 v17  }
0x1a8: {  	v16 =	vadd.f32 v17, v16;
	v17 =	vadd.f32 v34, v18;
	_ =	sdelay $0x1  }
0x1a9: {  	v16 =	vadd.f32 v16, v17;
	_ =	sdelay $0x1  }
0x1aa: {  	[tilespmem:$0x117E0] =	vst v16  }
0x1ab: {  	v16 =	vld [tilespmem:s29+$0xB2E0]  }
0x1ac: {  	v17 =	vld [tilespmem:s29+$0xE4E0]  }
0x1ad: {  	v35 =	vld [tilespmem:s29+$0xB2F0]  }
0x1ae: {  	v36 =	vld [tilespmem:s29+$0xE4F0]  }
0x1af: {  	v37 =	vld [tilespmem:s29+$0xB300]  }
0x1b0: {  	v38 =	vld [tilespmem:s29+$0xE500]  }
0x1b1: {  	v39 =	vld [tilespmem:s29+$0xE510];
	v16 =	vmul.bf16 v17, v16  }
0x1b2: {  	v17 =	vld [tilespmem:s29+$0xB310]  }
0x1b3: {  	v18 =	vmul.bf16 v36, v35;
	v40 =	vunpack.i.u.bf16.f32 v16;
	v16 =	vunpack.i.l.bf16.f32 v16  }
0x1b4: {  	v16 =	vadd.f32 $0.0e+00, v16;
	v41 =	vadd.f32 $0.0e+00, v40  }
0x1b5: {  	v20 =	vmul.bf16 v38, v37;
	v42 =	vunpack.i.u.bf16.f32 v18;
	v18 =	vunpack.i.l.bf16.f32 v18  }
0x1b6: {  	v16 =	vadd.f32 v18, v16;
	v43 =	vadd.f32 v42, v41  }
0x1b7: {  	v44 =	vunpack.i.u.bf16.f32 v20;
	v20 =	vunpack.i.l.bf16.f32 v20;
	v17 =	vmul.bf16 v39, v17  }
0x1b8: {  	v16 =	vadd.f32 v20, v16;
	v18 =	vadd.f32 v44, v43  }
0x1b9: {  	v45 =	vunpack.i.u.bf16.f32 v17;
	v17 =	vunpack.i.l.bf16.f32 v17  }
0x1ba: {  	v16 =	vadd.f32 v17, v16;
	v17 =	vadd.f32 v45, v18;
	_ =	sdelay $0x1  }
0x1bb: {  	v16 =	vadd.f32 v16, v17;
	_ =	sdelay $0x1  }
0x1bc: {  	[tilespmem:$0x117F8] =	vst v16  }
0x1bd: {  	v16 =	vld [tilespmem:s29+$0xB320]  }
0x1be: {  	v17 =	vld [tilespmem:s29+$0xE520]  }
0x1bf: {  	v46 =	vld [tilespmem:s29+$0xB330]  }
0x1c0: {  	v47 =	vld [tilespmem:s29+$0xE530]  }
0x1c1: {  	v48 =	vld [tilespmem:s29+$0xB340]  }
0x1c2: {  	v49 =	vld [tilespmem:s29+$0xE540]  }
0x1c3: {  	v50 =	vld [tilespmem:s29+$0xE550];
	v16 =	vmul.bf16 v17, v16  }
0x1c4: {  	v17 =	vld [tilespmem:s29+$0xB350]  }
0x1c5: {  	v18 =	vmul.bf16 v47, v46;
	v51 =	vunpack.i.u.bf16.f32 v16;
	v16 =	vunpack.i.l.bf16.f32 v16  }
0x1c6: {  	v16 =	vadd.f32 $0.0e+00, v16;
	v52 =	vadd.f32 $0.0e+00, v51  }
0x1c7: {  	v20 =	vmul.bf16 v49, v48;
	v53 =	vunpack.i.u.bf16.f32 v18;
	v18 =	vunpack.i.l.bf16.f32 v18  }
0x1c8: {  	v16 =	vadd.f32 v18, v16;
	v54 =	vadd.f32 v53, v52  }
0x1c9: {  	v55 =	vunpack.i.u.bf16.f32 v20;
	v20 =	vunpack.i.l.bf16.f32 v20;
	v17 =	vmul.bf16 v50, v17  }
0x1ca: {  	v16 =	vadd.f32 v20, v16;
	v18 =	vadd.f32 v55, v54  }
0x1cb: {  	v56 =	vunpack.i.u.bf16.f32 v17;
	v17 =	vunpack.i.l.bf16.f32 v17  }
0x1cc: {  	v16 =	vadd.f32 v17, v16;
	v17 =	vadd.f32 v56, v18;
	_ =	sdelay $0x1  }
0x1cd: {  	v16 =	vadd.f32 v16, v17;
	_ =	sdelay $0x1  }
0x1ce: {  	[tilespmem:$0x11810] =	vst v16  }
0x1cf: {  	v16 =	vld [tilespmem:s29+$0xB360]  }
0x1d0: {  	v17 =	vld [tilespmem:s29+$0xE560]  }
0x1d1: {  	v57 =	vld [tilespmem:s29+$0xB370]  }
0x1d2: {  	v58 =	vld [tilespmem:s29+$0xE570]  }
0x1d3: {  	v59 =	vld [tilespmem:s29+$0xB380]  }
0x1d4: {  	v60 =	vld [tilespmem:s29+$0xE580]  }
0x1d5: {  	v61 =	vld [tilespmem:s29+$0xE590];
	v16 =	vmul.bf16 v17, v16  }
0x1d6: {  	v17 =	vld [tilespmem:s29+$0xB390]  }
0x1d7: {  	v18 =	vmul.bf16 v58, v57;
	v62 =	vunpack.i.u.bf16.f32 v16;
	v16 =	vunpack.i.l.bf16.f32 v16  }
0x1d8: {  	v16 =	vadd.f32 $0.0e+00, v16;
	v63 =	vadd.f32 $0.0e+00, v62  }
0x1d9: {  	v20 =	vmul.bf16 v60, v59;
	v24 =	vunpack.i.u.bf16.f32 v18;
	v18 =	vunpack.i.l.bf16.f32 v18  }
0x1da: {  	v16 =	vadd.f32 v18, v16;
	v25 =	vadd.f32 v24, v63  }
0x1db: {  	v26 =	vunpack.i.u.bf16.f32 v20;
	v20 =	vunpack.i.l.bf16.f32 v20;
	v17 =	vmul.bf16 v61, v17  }
0x1dc: {  	v16 =	vadd.f32 v20, v16;
	v18 =	vadd.f32 v26, v25  }
0x1dd: {  	v27 =	vunpack.i.u.bf16.f32 v17;
	v17 =	vunpack.i.l.bf16.f32 v17  }
0x1de: {  	v16 =	vadd.f32 v17, v16;
	v17 =	vadd.f32 v27, v18;
	_ =	sdelay $0x1  }
0x1df: {  	v16 =	vadd.f32 v16, v17;
	_ =	sdelay $0x1  }
0x1e0: {  	[tilespmem:$0x11828] =	vst v16  }
0x1e1: {  	v16 =	vld [tilespmem:s29+$0xB3A0]  }
0x1e2: {  	v17 =	vld [tilespmem:s29+$0xE5A0]  }
0x1e3: {  	v28 =	vld [tilespmem:s29+$0xB3B0]  }
0x1e4: {  	v29 =	vld [tilespmem:s29+$0xE5B0]  }
0x1e5: {  	v30 =	vld [tilespmem:s29+$0xB3C0]  }
0x1e6: {  	v31 =	vld [tilespmem:s29+$0xE5C0]  }
0x1e7: {  	v32 =	vld [tilespmem:s29+$0xE5D0];
	v16 =	vmul.bf16 v17, v16  }
0x1e8: {  	v17 =	vld [tilespmem:s29+$0xB3D0]  }
0x1e9: {  	v18 =	vmul.bf16 v29, v28;
	v33 =	vunpack.i.u.bf16.f32 v16;
	v16 =	vunpack.i.l.bf16.f32 v16  }
0x1ea: {  	v16 =	vadd.f32 $0.0e+00, v16;
	v34 =	vadd.f32 $0.0e+00, v33  }
0x1eb: {  	v20 =	vmul.bf16 v31, v30;
	v35 =	vunpack.i.u.bf16.f32 v18;
	v18 =	vunpack.i.l.bf16.f32 v18  }
0x1ec: {  	v16 =	vadd.f32 v18, v16;
	v36 =	vadd.f32 v35, v34  }
0x1ed: {  	v37 =	vunpack.i.u.bf16.f32 v20;
	v20 =	vunpack.i.l.bf16.f32 v20;
	v17 =	vmul.bf16 v32, v17  }
0x1ee: {  	v16 =	vadd.f32 v20, v16;
	v18 =	vadd.f32 v37, v36  }
0x1ef: {  	v38 =	vunpack.i.u.bf16.f32 v17;
	v17 =	vunpack.i.l.bf16.f32 v17  }
0x1f0: {  	v16 =	vadd.f32 v17, v16;
	v17 =	vadd.f32 v38, v18;
	_ =	sdelay $0x1  }
0x1f1: {  	v16 =	vadd.f32 v16, v17;
	_ =	sdelay $0x1  }
0x1f2: {  	[tilespmem:$0x11840] =	vst v16  }
0x1f3: {  	v16 =	vld [tilespmem:s29+$0xB3E0]  }
0x1f4: {  	v17 =	vld [tilespmem:s29+$0xE5E0]  }
0x1f5: {  	v39 =	vld [tilespmem:s29+$0xB3F0]  }
0x1f6: {  	v40 =	vld [tilespmem:s29+$0xE5F0]  }
0x1f7: {  	v41 =	vld [tilespmem:s29+$0xB400]  }
0x1f8: {  	v42 =	vld [tilespmem:s29+$0xE600]  }
0x1f9: {  	v43 =	vld [tilespmem:s29+$0xE610];
	v16 =	vmul.bf16 v17, v16  }
0x1fa: {  	v17 =	vld [tilespmem:s29+$0xB410]  }
0x1fb: {  	v18 =	vmul.bf16 v40, v39;
	v44 =	vunpack.i.u.bf16.f32 v16;
	v16 =	vunpack.i.l.bf16.f32 v16  }
0x1fc: {  	v16 =	vadd.f32 $0.0e+00, v16;
	v45 =	vadd.f32 $0.0e+00, v44  }
0x1fd: {  	v20 =	vmul.bf16 v42, v41;
	v46 =	vunpack.i.u.bf16.f32 v18;
	v18 =	vunpack.i.l.bf16.f32 v18  }
0x1fe: {  	v16 =	vadd.f32 v18, v16;
	v47 =	vadd.f32 v46, v45  }
0x1ff: {  	v48 =	vunpack.i.u.bf16.f32 v20;
	v20 =	vunpack.i.l.bf16.f32 v20;
	v17 =	vmul.bf16 v43, v17  }
0x200: {  	v16 =	vadd.f32 v20, v16;
	v18 =	vadd.f32 v48, v47  }
0x201: {  	v49 =	vunpack.i.u.bf16.f32 v17;
	v17 =	vunpack.i.l.bf16.f32 v17  }
0x202: {  	v16 =	vadd.f32 v17, v16;
	v17 =	vadd.f32 v49, v18;
	_ =	sdelay $0x1  }
0x203: {  	v16 =	vadd.f32 v16, v17;
	_ =	sdelay $0x1  }
0x204: {  	[tilespmem:$0x11858] =	vst v16  }
0x205: {  	v16 =	vld [tilespmem:s29+$0xB420]  }
0x206: {  	v17 =	vld [tilespmem:s29+$0xE620]  }
0x207: {  	v50 =	vld [tilespmem:s29+$0xB430]  }
0x208: {  	v51 =	vld [tilespmem:s29+$0xE630]  }
0x209: {  	v52 =	vld [tilespmem:s29+$0xB440]  }
0x20a: {  	v53 =	vld [tilespmem:s29+$0xE640]  }
0x20b: {  	v54 =	vld [tilespmem:s29+$0xE650];
	v16 =	vmul.bf16 v17, v16  }
0x20c: {  	v17 =	vld [tilespmem:s29+$0xB450]  }
0x20d: {  	v18 =	vmul.bf16 v51, v50;
	v55 =	vunpack.i.u.bf16.f32 v16;
	v16 =	vunpack.i.l.bf16.f32 v16  }
0x20e: {  	v16 =	vadd.f32 $0.0e+00, v16;
	v56 =	vadd.f32 $0.0e+00, v55  }
0x20f: {  	v20 =	vmul.bf16 v53, v52;
	v57 =	vunpack.i.u.bf16.f32 v18;
	v18 =	vunpack.i.l.bf16.f32 v18  }
0x210: {  	v16 =	vadd.f32 v18, v16;
	v58 =	vadd.f32 v57, v56  }
0x211: {  	v59 =	vunpack.i.u.bf16.f32 v20;
	v20 =	vunpack.i.l.bf16.f32 v20;
	v17 =	vmul.bf16 v54, v17  }
0x212: {  	v16 =	vadd.f32 v20, v16;
	v18 =	vadd.f32 v59, v58  }
0x213: {  	v60 =	vunpack.i.u.bf16.f32 v17;
	v17 =	vunpack.i.l.bf16.f32 v17  }
0x214: {  	v16 =	vadd.f32 v17, v16;
	v17 =	vadd.f32 v60, v18;
	_ =	sdelay $0x1  }
0x215: {  	v16 =	vadd.f32 v16, v17;
	_ =	sdelay $0x1  }
0x216: {  	[tilespmem:$0x11870] =	vst v16  }
0x217: {  	v16 =	vld [tilespmem:s29+$0xB460]  }
0x218: {  	v17 =	vld [tilespmem:s29+$0xE660]  }
0x219: {  	v61 =	vld [tilespmem:s29+$0xB470]  }
0x21a: {  	v62 =	vld [tilespmem:s29+$0xE670]  }
0x21b: {  	v63 =	vld [tilespmem:s29+$0xB480]  }
0x21c: {  	v24 =	vld [tilespmem:s29+$0xE680]  }
0x21d: {  	v25 =	vld [tilespmem:s29+$0xE690];
	v16 =	vmul.bf16 v17, v16  }
0x21e: {  	v17 =	vld [tilespmem:s29+$0xB490]  }
0x21f: {  	v18 =	vmul.bf16 v62, v61;
	v26 =	vunpack.i.u.bf16.f32 v16;
	v16 =	vunpack.i.l.bf16.f32 v16  }
0x220: {  	v16 =	vadd.f32 $0.0e+00, v16;
	v27 =	vadd.f32 $0.0e+00, v26  }
0x221: {  	v20 =	vmul.bf16 v24, v63;
	v28 =	vunpack.i.u.bf16.f32 v18;
	v18 =	vunpack.i.l.bf16.f32 v18  }
0x222: {  	v16 =	vadd.f32 v18, v16;
	v29 =	vadd.f32 v28, v27  }
0x223: {  	v30 =	vunpack.i.u.bf16.f32 v20;
	v20 =	vunpack.i.l.bf16.f32 v20;
	v17 =	vmul.bf16 v25, v17  }
0x224: {  	v16 =	vadd.f32 v20, v16;
	v18 =	vadd.f32 v30, v29  }
0x225: {  	v31 =	vunpack.i.u.bf16.f32 v17;
	v17 =	vunpack.i.l.bf16.f32 v17  }
0x226: {  	v16 =	vadd.f32 v17, v16;
	v17 =	vadd.f32 v31, v18;
	_ =	sdelay $0x1  }
0x227: {  	v16 =	vadd.f32 v16, v17;
	_ =	sdelay $0x1  }
0x228: {  	[tilespmem:$0x11888] =	vst v16  }
0x229: {  	v16 =	vld [tilespmem:s29+$0xB4A0]  }
0x22a: {  	v17 =	vld [tilespmem:s29+$0xE6A0]  }
0x22b: {  	v32 =	vld [tilespmem:s29+$0xB4B0]  }
0x22c: {  	v33 =	vld [tilespmem:s29+$0xE6B0]  }
0x22d: {  	v34 =	vld [tilespmem:s29+$0xB4C0]  }
0x22e: {  	v35 =	vld [tilespmem:s29+$0xE6C0]  }
0x22f: {  	v36 =	vld [tilespmem:s29+$0xE6D0];
	v16 =	vmul.bf16 v17, v16  }
0x230: {  	v17 =	vld [tilespmem:s29+$0xB4D0]  }
0x231: {  	v18 =	vmul.bf16 v33, v32;
	v37 =	vunpack.i.u.bf16.f32 v16;
	v16 =	vunpack.i.l.bf16.f32 v16  }
0x232: {  	v16 =	vadd.f32 $0.0e+00, v16;
	v38 =	vadd.f32 $0.0e+00, v37  }
0x233: {  	v20 =	vmul.bf16 v35, v34;
	v39 =	vunpack.i.u.bf16.f32 v18;
	v18 =	vunpack.i.l.bf16.f32 v18  }
0x234: {  	v16 =	vadd.f32 v18, v16;
	v40 =	vadd.f32 v39, v38  }
0x235: {  	v41 =	vunpack.i.u.bf16.f32 v20;
	v20 =	vunpack.i.l.bf16.f32 v20;
	v17 =	vmul.bf16 v36, v17  }
0x236: {  	v16 =	vadd.f32 v20, v16;
	v18 =	vadd.f32 v41, v40  }
0x237: {  	v42 =	vunpack.i.u.bf16.f32 v17;
	v17 =	vunpack.i.l.bf16.f32 v17  }
0x238: {  	v16 =	vadd.f32 v17, v16;
	v17 =	vadd.f32 v42, v18;
	_ =	sdelay $0x1  }
0x239: {  	v16 =	vadd.f32 v16, v17;
	_ =	sdelay $0x1  }
0x23a: {  	[tilespmem:$0x118A0] =	vst v16  }
0x23b: {  	v16 =	vld [tilespmem:s29+$0xB4E0]  }
0x23c: {  	v17 =	vld [tilespmem:s29+$0xE6E0]  }
0x23d: {  	v43 =	vld [tilespmem:s29+$0xB4F0]  }
0x23e: {  	v44 =	vld [tilespmem:s29+$0xE6F0]  }
0x23f: {  	v45 =	vld [tilespmem:s29+$0xB500]  }
0x240: {  	v46 =	vld [tilespmem:s29+$0xE700]  }
0x241: {  	v47 =	vld [tilespmem:s29+$0xE710];
	v16 =	vmul.bf16 v17, v16  }
0x242: {  	v17 =	vld [tilespmem:s29+$0xB510]  }
0x243: {  	v18 =	vmul.bf16 v44, v43;
	v48 =	vunpack.i.u.bf16.f32 v16;
	v16 =	vunpack.i.l.bf16.f32 v16  }
0x244: {  	v16 =	vadd.f32 $0.0e+00, v16;
	v49 =	vadd.f32 $0.0e+00, v48  }
0x245: {  	v20 =	vmul.bf16 v46, v45;
	v50 =	vunpack.i.u.bf16.f32 v18;
	v18 =	vunpack.i.l.bf16.f32 v18  }
0x246: {  	v16 =	vadd.f32 v18, v16;
	v51 =	vadd.f32 v50, v49  }
0x247: {  	v52 =	vunpack.i.u.bf16.f32 v20;
	v20 =	vunpack.i.l.bf16.f32 v20;
	v17 =	vmul.bf16 v47, v17  }
0x248: {  	v16 =	vadd.f32 v20, v16;
	v18 =	vadd.f32 v52, v51  }
0x249: {  	v53 =	vunpack.i.u.bf16.f32 v17;
	v17 =	vunpack.i.l.bf16.f32 v17  }
0x24a: {  	v16 =	vadd.f32 v17, v16;
	v17 =	vadd.f32 v53, v18;
	_ =	sdelay $0x1  }
0x24b: {  	v16 =	vadd.f32 v16, v17;
	_ =	sdelay $0x1  }
0x24c: {  	[tilespmem:$0x118B8] =	vst v16  }
0x24d: {  	v16 =	vld [tilespmem:s29+$0xB520]  }
0x24e: {  	v17 =	vld [tilespmem:s29+$0xE720]  }
0x24f: {  	v54 =	vld [tilespmem:s29+$0xB530]  }
0x250: {  	v55 =	vld [tilespmem:s29+$0xE730]  }
0x251: {  	v56 =	vld [tilespmem:s29+$0xB540]  }
0x252: {  	v57 =	vld [tilespmem:s29+$0xE740]  }
0x253: {  	v58 =	vld [tilespmem:s29+$0xE750];
	v16 =	vmul.bf16 v17, v16  }
0x254: {  	v17 =	vld [tilespmem:s29+$0xB550]  }
0x255: {  	v18 =	vmul.bf16 v55, v54;
	v59 =	vunpack.i.u.bf16.f32 v16;
	v16 =	vunpack.i.l.bf16.f32 v16  }
0x256: {  	v16 =	vadd.f32 $0.0e+00, v16;
	v60 =	vadd.f32 $0.0e+00, v59  }
0x257: {  	v20 =	vmul.bf16 v57, v56;
	v61 =	vunpack.i.u.bf16.f32 v18;
	v18 =	vunpack.i.l.bf16.f32 v18  }
0x258: {  	v16 =	vadd.f32 v18, v16;
	v62 =	vadd.f32 v61, v60  }
0x259: {  	v63 =	vunpack.i.u.bf16.f32 v20;
	v20 =	vunpack.i.l.bf16.f32 v20;
	v17 =	vmul.bf16 v58, v17  }
0x25a: {  	v16 =	vadd.f32 v20, v16;
	v18 =	vadd.f32 v63, v62  }
0x25b: {  	v23 =	vunpack.i.u.bf16.f32 v17;
	v17 =	vunpack.i.l.bf16.f32 v17  }
0x25c: {  	v16 =	vadd.f32 v17, v16;
	v17 =	vadd.f32 v23, v18;
	_ =	sdelay $0x1  }
0x25d: {  	v16 =	vadd.f32 v16, v17;
	_ =	sdelay $0x1  }
0x25e: {  	[tilespmem:$0x118D0] =	vst v16  }
0x25f: {  	v16 =	vld [tilespmem:s29+$0xB560]  }
0x260: {  	v17 =	vld [tilespmem:s29+$0xE760]  }
0x261: {  	v24 =	vld [tilespmem:s29+$0xB570]  }
0x262: {  	v25 =	vld [tilespmem:s29+$0xE770]  }
0x263: {  	v26 =	vld [tilespmem:s29+$0xB580]  }
0x264: {  	v27 =	vld [tilespmem:s29+$0xE780]  }
0x265: {  	v28 =	vld [tilespmem:s29+$0xE790];
	v16 =	vmul.bf16 v17, v16  }
0x266: {  	v17 =	vld [tilespmem:s29+$0xB590]  }
0x267: {  	v18 =	vmul.bf16 v25, v24;
	v29 =	vunpack.i.u.bf16.f32 v16;
	v16 =	vunpack.i.l.bf16.f32 v16  }
0x268: {  	v16 =	vadd.f32 $0.0e+00, v16;
	v30 =	vadd.f32 $0.0e+00, v29  }
0x269: {  	v20 =	vmul.bf16 v27, v26;
	v31 =	vunpack.i.u.bf16.f32 v18;
	v18 =	vunpack.i.l.bf16.f32 v18  }
0x26a: {  	v16 =	vadd.f32 v18, v16;
	v32 =	vadd.f32 v31, v30  }
0x26b: {  	v33 =	vunpack.i.u.bf16.f32 v20;
	v20 =	vunpack.i.l.bf16.f32 v20;
	v17 =	vmul.bf16 v28, v17  }
0x26c: {  	v16 =	vadd.f32 v20, v16;
	v18 =	vadd.f32 v33, v32  }
0x26d: {  	v34 =	vunpack.i.u.bf16.f32 v17;
	v17 =	vunpack.i.l.bf16.f32 v17  }
0x26e: {  	v16 =	vadd.f32 v17, v16;
	v17 =	vadd.f32 v34, v18;
	_ =	sdelay $0x1  }
0x26f: {  	v16 =	vadd.f32 v16, v17;
	_ =	sdelay $0x1  }
0x270: {  	[tilespmem:$0x118E8] =	vst v16  }
0x271: {  	v16 =	vld [tilespmem:s29+$0xB5A0]  }
0x272: {  	v17 =	vld [tilespmem:s29+$0xE7A0]  }
0x273: {  	v35 =	vld [tilespmem:s29+$0xB5B0]  }
0x274: {  	v36 =	vld [tilespmem:s29+$0xE7B0]  }
0x275: {  	v37 =	vld [tilespmem:s29+$0xB5C0]  }
0x276: {  	v38 =	vld [tilespmem:s29+$0xE7C0]  }
0x277: {  	v39 =	vld [tilespmem:s29+$0xE7D0];
	v16 =	vmul.bf16 v17, v16  }
0x278: {  	v17 =	vld [tilespmem:s29+$0xB5D0]  }
0x279: {  	v18 =	vmul.bf16 v36, v35;
	v40 =	vunpack.i.u.bf16.f32 v16;
	v16 =	vunpack.i.l.bf16.f32 v16  }
0x27a: {  	v16 =	vadd.f32 $0.0e+00, v16;
	v41 =	vadd.f32 $0.0e+00, v40  }
0x27b: {  	v20 =	vmul.bf16 v38, v37;
	v42 =	vunpack.i.u.bf16.f32 v18;
	v18 =	vunpack.i.l.bf16.f32 v18  }
0x27c: {  	v16 =	vadd.f32 v18, v16;
	v43 =	vadd.f32 v42, v41  }
0x27d: {  	v44 =	vunpack.i.u.bf16.f32 v20;
	v20 =	vunpack.i.l.bf16.f32 v20;
	v17 =	vmul.bf16 v39, v17  }
0x27e: {  	v16 =	vadd.f32 v20, v16;
	v18 =	vadd.f32 v44, v43  }
0x27f: {  	v45 =	vunpack.i.u.bf16.f32 v17;
	v17 =	vunpack.i.l.bf16.f32 v17  }
0x280: {  	v16 =	vadd.f32 v17, v16;
	v17 =	vadd.f32 v45, v18;
	_ =	sdelay $0x1  }
0x281: {  	v16 =	vadd.f32 v16, v17;
	_ =	sdelay $0x1  }
0x282: {  	[tilespmem:$0x11900] =	vst v16  }
0x283: {  	v16 =	vld [tilespmem:s29+$0xB5E0]  }
0x284: {  	v17 =	vld [tilespmem:s29+$0xE7E0]  }
0x285: {  	v46 =	vld [tilespmem:s29+$0xB5F0]  }
0x286: {  	v47 =	vld [tilespmem:s29+$0xE7F0]  }
0x287: {  	v48 =	vld [tilespmem:s29+$0xB600]  }
0x288: {  	v49 =	vld [tilespmem:s29+$0xE800]  }
0x289: {  	v50 =	vld [tilespmem:s29+$0xE810];
	v16 =	vmul.bf16 v17, v16  }
0x28a: {  	v17 =	vld [tilespmem:s29+$0xB610]  }
0x28b: {  	v18 =	vmul.bf16 v47, v46;
	v51 =	vunpack.i.u.bf16.f32 v16;
	v16 =	vunpack.i.l.bf16.f32 v16  }
0x28c: {  	v16 =	vadd.f32 $0.0e+00, v16;
	v52 =	vadd.f32 $0.0e+00, v51  }
0x28d: {  	v20 =	vmul.bf16 v49, v48;
	v53 =	vunpack.i.u.bf16.f32 v18;
	v18 =	vunpack.i.l.bf16.f32 v18  }
0x28e: {  	v16 =	vadd.f32 v18, v16;
	v54 =	vadd.f32 v53, v52  }
0x28f: {  	v55 =	vunpack.i.u.bf16.f32 v20;
	v20 =	vunpack.i.l.bf16.f32 v20;
	v17 =	vmul.bf16 v50, v17  }
0x290: {  	v16 =	vadd.f32 v20, v16;
	v18 =	vadd.f32 v55, v54  }
0x291: {  	v56 =	vunpack.i.u.bf16.f32 v17;
	v17 =	vunpack.i.l.bf16.f32 v17  }
0x292: {  	v16 =	vadd.f32 v17, v16;
	v17 =	vadd.f32 v56, v18;
	_ =	sdelay $0x1  }
0x293: {  	v16 =	vadd.f32 v16, v17;
	_ =	sdelay $0x1  }
0x294: {  	[tilespmem:$0x11918] =	vst v16  }
0x295: {  	v16 =	vld.idx.msk [tilespmem:v0+s17+$0x0], $0xffff  }
0x296: {  	v17 =	vld.idx.msk [tilespmem:v1+s17+$0x0], $0xffff  }
0x297: {  	v57 =	vld.idx.msk [tilespmem:v2+s17+$0x0], $0xffff  }
0x298: {  	v58 =	vld.idx.msk [tilespmem:v3+s17+$0x0], $0xffff  }
0x299: {  	v59 =	vld.idx.msk [tilespmem:v4+s17+$0x0], $0xffff  }
0x29a: {  	v60 =	vld.idx.msk [tilespmem:v5+s17+$0x0], $0xffff  }
0x29b: {  	v61 =	vld.idx.msk [tilespmem:v6+s17+$0x0], $0xffff  }
0x29c: {  	v62 =	vld.idx.msk [tilespmem:v7+s17+$0x0], $0xffff  }
0x29d: {  	v24 =	vld.idx.msk [tilespmem:v8+s17+$0x0], $0xffff  }
0x29e: {  	v25 =	vld.idx.msk [tilespmem:v9+s17+$0x0], $0xffff  }
0x29f: {  	v26 =	vld.idx.msk [tilespmem:v10+s17+$0x0], $0xffff  }
0x2a0: {  	v27 =	vld.idx.msk [tilespmem:v11+s17+$0x0], $0xffff  }
0x2a1: {  	v28 =	vld.idx.msk [tilespmem:v12+s17+$0x0], $0xffff  }
0x2a2: {  	v29 =	vld.idx.msk [tilespmem:v13+s17+$0x0], $0xffff;
	v16 =	vadd.f32 $0.0e+00, v16;
	v17 =	vadd.f32 $0.0e+00, v17  }
0x2a3: {  	v30 =	vld.idx.msk [tilespmem:v14+s17+$0x0], $0xffff;
	v18 =	vadd.f32 $0.0e+00, v57;
	v19 =	vadd.f32 $0.0e+00, v58  }
0x2a4: {  	v63 =	vld.idx.msk [tilespmem:v15+s17+$0x0], $0xffff;
	v16 =	vadd.f32 v59, v16;
	v17 =	vadd.f32 v60, v17  }
0x2a5: {  	v18 =	vadd.f32 v61, v18;
	v19 =	vadd.f32 v62, v19  }
0x2a6: {  	v16 =	vadd.f32 v24, v16;
	v17 =	vadd.f32 v25, v17  }
0x2a7: {  	v18 =	vadd.f32 v26, v18;
	v19 =	vadd.f32 v27, v19  }
0x2a8: {  	v16 =	vadd.f32 v28, v16;
	v17 =	vadd.f32 v29, v17  }
0x2a9: {  	v18 =	vadd.f32 v30, v18;
	v19 =	vadd.f32 v63, v19  }
0x2aa: {  	p0 =	sne.s32 s26, $0xC0  }
.Ltmp1:
0x2ab: {  	v16 =	vadd.f32 v17, v16;
	v17 =	vadd.f32 v19, v18;
	(pc) =	sbr.rel @p0 .LBB2_5-.Ltmp1, $3  }
0x2ac: {  	_ = 	snop  }
0x2ad: {  	v16 =	vadd.f32 v17, v16;
	_ =	sdelay $0x1  }
0x2ae: {  	s26 =	sadd.s32 $0x10, s26;
	[tilespmem:s28+$0x116E8] =	vst v16  }
0x2af: {  	s24 =	sadd.s32 $0x1, s24  }
0x2b0: {  	p0 =	sne.s32 s24, $0x19  }
.Ltmp2:
0x2b1: {  	_ = 	snop;
	(pc) =	sbr.rel @p0 .LBB2_2-.Ltmp2, $4  }
0x2b2: {  	s25 =	sadd.s32 s4, s25  }
0x2b3: {  	s25 =	sshrl.u32 s25, $0x3  }
0x2b4: {  	s25 =	sadd.s32 s3, s25  }
0x2b5: {  	[hbm4b:s25+s5] =	stream.linear.scatter [tilespmem:s20], [sflag:$0x4], $0xC8, $0x38;
	[tilespmem:$0x11930] =	vst v63  }
0x2b6: {  	s23 =	sadd.s32 $0x1, s23  }
0x2b7: {  	_ =	swait.ge [sflag:s21], $0xC8;
	p0 =	sne.s32 s23, s8  }
.Ltmp3:
0x2b8: {  	[sflag:s21] =	ssyncset.done $0x0;
	(pc) =	sbr.rel @p0 .LBB2_1-.Ltmp3, $4  }
0x2b9: {  	[sflag:s21] =	ssyncadd.s32 $0xFFFFFF38  }
0x2ba: {  	_ =	swait.ge [sflag:s22], $0xC8  }
0x2bb: {  	[sflag:s22] =	ssyncset.done $0x0  }
0x2bc: {  	[sflag:s22] =	ssyncadd.s32 $0xFFFFFF38  }
0x2bd: {  	_ =	sfence.sel $0x180000  }
0x2be: {  	[bflag:$0x0] =	sbarrier.arrive $0xFFFF  }
0x2bf: {  	p0 =	sne.s32 s0, $0x0;
	_ =	strace $0x90000047  }
0x2c0: {  	s0 =	sadd.s32 @!p0 $0x100000, s1;
	[bflag:$0x2] =	sbarrier.arrive $0xFFFF  }
0x2c1: {  	[sflag:s0] =	ssyncadd.tile.s32 @!p0 $0x1;
	_ =	shalt  }
.Lfunc_end2:
_tile_overlayer_lowered:
.L_overlay_start_2:
0x2c2: {  	(tag) =	ssettag $0x2  }
0x2c3: {  	s0 =	rddreg [dreg:$0x0];
	s2 =	stileid.u32  }
0x2c4: {  	s1 =	rddreg [dreg:$0x1];
	p0 =	sne.s32 s2, $0x0  }
0x2c5: {  	s3 =	rddreg [dreg:$0x2];
	[bflag:$0x3] =	sbarrier.arrive $0xFFFF;
	s2 =	simm.s32 @!p0 $0x1C05  }
0x2c6: {  	[timem:s3], [sflag:s2] =	dma.local @!p0 [hbm:s0], s1  }
0x2c7: {  	s0 =	simm.s32 @!p0 $0x5  }
0x2c8: {  	_ =	swait.ge @!p0 [sflag:s0], s1  }
0x2c9: {  	s1 =	ssub.s32 @!p0 $0x0, s1;
	[sflag:s0] =	ssyncset.done @!p0 $0x0  }
0x2ca: {  	[sflag:s0] =	ssyncadd.s32 @!p0 s1  }
0x2cb: {  	[bflag:$0x3] =	sbarrier.arrive $0xFFFF  }
0x2cc: {  	_ =	shalt  }

</sc_bundles>
